<compile_context>
chip_gen: v7x
topology: tpu7x:2x2x1
jax: 0.10.2.dev20260603
libtpu: 0.0.44.dev20260713+nightly
codegen_flags: <defaults>
</compile_context>

<pallas_src>
import functools

import jax
import jax.numpy as jnp
from jax import lax
from jax.experimental import pallas as pl
from jax.experimental.pallas import tpu as pltpu
from jax.experimental.pallas import tpu_sc as plsc

B = 2
L = 4096
G = 2
DG = 16
K = 64
BQ = 512
NW = 32
QW = (B * L) // NW


NB = 256


def _onehot(byte_col, dtype=jnp.bfloat16):
    n = byte_col.shape[0]
    lane = lax.broadcasted_iota(jnp.int32, (n, NB), 1)
    return jnp.where(byte_col == lane, 1.0, 0.0).astype(dtype)


def _onehot_t(byte_row, height=NB):
    n = byte_row.shape[1]
    sub = lax.broadcasted_iota(jnp.int32, (height, n), 0)
    return jnp.where(byte_row == sub, 1.0, 0.0).astype(jnp.bfloat16)


def _dot(a, b):
    return lax.dot_general(a, b, (((1,), (0,)), ((), ())),
                           preferred_element_type=jnp.float32)


def _dot_hi(a, b):
    return lax.dot_general(a, b, (((1,), (0,)), ((), ())),
                           precision=lax.Precision.HIGHEST,
                           preferred_element_type=jnp.float32)


def _split_pick(ohh, wa, wb, ohl_f32):
    m = _dot(ohh, wa) * 128.0 + _dot(ohh, wb)
    return jnp.sum(m * ohl_f32, axis=1, keepdims=True)


def _dotT0(a, b):
    return lax.dot_general(a, b, (((0,), (0,)), ((), ())),
                           preferred_element_type=jnp.float32)


def _sig2_col(x):
    lane = lax.broadcasted_iota(jnp.int32, x.shape, 1)
    wl = lax.bitcast_convert_type(((lane & (DG - 1)) + 127) << 23, jnp.float32)
    pos = x > 0
    g0 = jnp.sum(jnp.where(pos & (lane < DG), wl, 0.0), axis=1, keepdims=True)
    g1 = jnp.sum(jnp.where(pos & (lane >= DG), wl, 0.0), axis=1, keepdims=True)
    return g0.astype(jnp.int32), g1.astype(jnp.int32)


def _prep_body(q_ref, k_ref, kf_ref, enc0_ref, rank0_ref, enc1_ref, rank1_ref,
               wa0_s, wb0_s, wi0_s, cra0_s, crb0_s, run0_s,
               wa1_s, wb1_s, wi1_s, cra1_s, crb1_s, run1_s):
    i = pl.program_id(1)
    scr = ((wa0_s, wb0_s, wi0_s, cra0_s, crb0_s, run0_s),
           (wa1_s, wb1_s, wi1_s, cra1_s, crb1_s, run1_s))
    outs = ((enc0_ref, rank0_ref), (enc1_ref, rank1_ref))

    @pl.when(i == 0)
    def _build():
        sigs = _sig2_col(kf_ref[0])
        rowb = lax.broadcasted_iota(jnp.int32, (NB, NB), 0)
        colb = lax.broadcasted_iota(jnp.int32, (NB, NB), 1)
        tri_lt = jnp.where(rowb < colb, 1.0, 0.0).astype(jnp.bfloat16)
        tri_gt = jnp.where(colb < rowb, 1.0, 0.0).astype(jnp.float32)
        for g in range(G):
            wa_s, wb_s, wi_s, cra_s, crb_s, run_s = scr[g]
            sig_c = sigs[g]
            ohh = _onehot(sig_c >> 8)
            ohl = _onehot(sig_c & (NB - 1))
            h2 = _dotT0(ohh, ohl)
            h2i = jnp.round(h2).astype(jnp.int32)
            h2a = (h2i >> 7).astype(jnp.bfloat16)
            h2b = (h2i & 127).astype(jnp.bfloat16)
            t = _dot(h2a, tri_lt) * 128.0 + _dot(h2b, tri_lt)
            r = jnp.sum(h2, axis=1, keepdims=True)
            c = _dot_hi(tri_gt, r)
            w = jnp.round(c + t).astype(jnp.int32)
            wa_s[...] = (w >> 7).astype(jnp.bfloat16)
            wb_s[...] = (w & 127).astype(jnp.bfloat16)
            wi_s[...] = w
            cr = jnp.round(c + r).astype(jnp.int32)
            cra_s[...] = (cr >> 7).astype(jnp.bfloat16)
            crb_s[...] = (cr & 127).astype(jnp.bfloat16)
            run_s[...] = jnp.zeros_like(run_s)

    qsigs = _sig2_col(q_ref[0])
    ksigs = _sig2_col(k_ref[0])
    rowi = lax.broadcasted_iota(jnp.int32, (BQ, BQ), 0)
    coli = lax.broadcasted_iota(jnp.int32, (BQ, BQ), 1)

    for g in range(G):
        wa_s, wb_s, wi_s, cra_s, crb_s, run_s = scr[g]
        enc_ref, rank_ref = outs[g]

        qsig = qsigs[g]
        ohh_q = _onehot(qsig >> 8)
        lw_q = qsig & (NB - 1)
        ohl_q = _onehot(lw_q, jnp.float32)
        ohl1_q = _onehot(lw_q + 1, jnp.float32)
        mw_q = _dot(ohh_q, wa_s[...]) * 128.0 + _dot(ohh_q, wb_s[...])
        crf = _dot(ohh_q, cra_s[...]) * 128.0 + _dot(ohh_q, crb_s[...])
        lof = jnp.sum(mw_q * ohl_q, axis=1, keepdims=True)
        lef = jnp.sum(mw_q * ohl1_q, axis=1, keepdims=True)
        lef = jnp.where(lw_q == NB - 1, crf, lef)
        lo = jnp.round(lof).astype(jnp.int32)
        cnt = jnp.round(lef).astype(jnp.int32) - lo
        pad = K - jnp.minimum(cnt, K)
        enc = ((lo - pad + K) << 7) | pad

        ksig = ksigs[g]
        ksig_r = jnp.transpose(ksig)
        ohh_k = _onehot(ksig >> 8)
        lw_k = ksig & (NB - 1)
        ohl_kf = _onehot(lw_k, jnp.float32)
        ohl_k = ohl_kf.astype(jnp.bfloat16)
        runi = run_s[...]
        v = wi_s[...] + runi
        va = (v >> 7).astype(jnp.bfloat16)
        vb = (v & 127).astype(jnp.bfloat16)
        rank_v = _split_pick(ohh_k, va, vb, ohl_kf)
        eq_blk = (ksig == ksig_r) & (coli < rowi)
        tie_blk = jnp.sum(eq_blk.astype(jnp.int32), axis=1, keepdims=True)
        rank = jnp.round(rank_v).astype(jnp.int32) + tie_blk

        ohh_kt = _onehot_t(ksig_r >> 8)
        run_s[...] = runi + jnp.round(_dot(ohh_kt, ohl_k)).astype(jnp.int32)

        enc_ref[...] = jnp.transpose(enc)[0]
        rank_ref[...] = jnp.transpose(rank)[0]


def _sc_body(enc0_hbm, krank0_hbm, enc1_hbm, krank1_hbm, out_hbm,
             rank0_v, rank1_v, tab0_v, tab1_v, e0_v, e1_v, out_v, sem):
    cid = lax.axis_index("c")
    sid = lax.axis_index("s")
    wid = sid * 2 + cid
    b = wid // (NW // B)
    qoff = wid * QW
    roff = qoff - b * L
    iota = lax.broadcasted_iota(jnp.int32, (16,), 0)

    copies = [
        pltpu.make_async_copy(krank0_hbm.at[pl.ds(b * L, L)], rank0_v, sem),
        pltpu.make_async_copy(krank1_hbm.at[pl.ds(b * L, L)], rank1_v, sem),
        pltpu.make_async_copy(enc0_hbm.at[pl.ds(b * L + roff, QW)], e0_v, sem),
        pltpu.make_async_copy(enc1_hbm.at[pl.ds(b * L + roff, QW)], e1_v, sem),
    ]
    for cp in copies:
        cp.start()
    for cp in copies:
        cp.wait()

    for tab, rank_v in ((tab0_v, rank0_v), (tab1_v, rank1_v)):

        @plsc.parallel_loop(0, L // 16, unroll=8)
        def build(jb):
            rv = rank_v[pl.ds(jb * 16, 16)]
            plsc.store_scatter(tab, [rv], jb * 16 + iota)

    def run_queries(i_lo, i_hi):
      @plsc.parallel_loop(i_lo, i_hi, unroll=2)
      def qloop(i):
        isp = jnp.zeros((16,), jnp.int32) + i

        def cands(tab, e_v, reverse):
            ev = plsc.load_gather(e_v, [isp])
            padv = ev & 127
            base = ev >> 7
            cs = []
            for c in range(4):
                s = iota + c * 16
                if reverse:
                    addr = base - 1 - s
                    valid = (63 - s) >= padv
                else:
                    addr = base + (s - K)
                    valid = s >= padv
                addr = jnp.clip(addr, 0, L - 1)
                v = plsc.load_gather(tab, [addr])
                cs.append(jnp.where(valid, v, -1))
            return cs

        a = cands(tab0_v, e0_v, False)
        rb = cands(tab1_v, e1_v, True)
        l0 = jnp.minimum(a[0], rb[0])
        l1 = jnp.minimum(a[1], rb[1])
        l2 = jnp.minimum(a[2], rb[2])
        l3 = jnp.minimum(a[3], rb[3])
        m0 = jnp.minimum(l0, l2)
        m2 = jnp.maximum(l0, l2)
        m1 = jnp.minimum(l1, l3)
        m3 = jnp.maximum(l1, l3)
        n0 = jnp.minimum(m0, m1)
        n1 = jnp.maximum(m0, m1)
        n2 = jnp.minimum(m2, m3)
        n3 = jnp.maximum(m2, m3)
        for c, v in enumerate((n0, n1, n2, n3)):
            out_v[pl.ds(i * K + c * 16, 16)] = jnp.sort(v)

    half = QW * K // 2
    run_queries(0, QW // 2)
    cp_out = pltpu.make_async_copy(
        out_v.at[pl.ds(0, half)], out_hbm.at[pl.ds(qoff * K, half)], sem)
    cp_out.start()
    run_queries(QW // 2, QW)
    pltpu.sync_copy(out_v.at[pl.ds(half, half)],
                    out_hbm.at[pl.ds(qoff * K + half, half)])
    cp_out.wait()


def _run_prep(query_up, key_up, interpret=False):
    grid = (B, L // BQ)
    osd = jax.ShapeDtypeStruct((B * L,), jnp.int32)
    ospec = pl.BlockSpec((BQ,), lambda b, i: (b * (L // BQ) + i,))
    group_scratch = [
        pltpu.VMEM((NB, NB), jnp.bfloat16),
        pltpu.VMEM((NB, NB), jnp.bfloat16),
        pltpu.VMEM((NB, NB), jnp.int32),
        pltpu.VMEM((NB, 1), jnp.bfloat16),
        pltpu.VMEM((NB, 1), jnp.bfloat16),
        pltpu.VMEM((NB, NB), jnp.int32),
    ]
    return pl.pallas_call(
        _prep_body,
        grid=grid,
        in_specs=[
            pl.BlockSpec((1, BQ, G * DG), lambda b, i: (b, i, 0)),
            pl.BlockSpec((1, BQ, G * DG), lambda b, i: (b, i, 0)),
            pl.BlockSpec((1, L, G * DG), lambda b, i: (b, 0, 0)),
        ],
        out_specs=[ospec] * 4,
        out_shape=[osd] * 4,
        scratch_shapes=group_scratch * G,
        interpret=interpret,
    )(query_up, key_up, key_up)


def kernel(query_up, key_up, head_idx):
    del head_idx
    enc0, rank0, enc1, rank1 = _run_prep(query_up, key_up)

    mesh = plsc.VectorSubcoreMesh(core_axis_name="c", subcore_axis_name="s")
    sck = functools.partial(
        pl.kernel,
        mesh=mesh,
        compiler_params=pltpu.CompilerParams(needs_layout_passes=False),
        out_type=jax.ShapeDtypeStruct((B * L * K,), jnp.int32),
        scratch_types=[
            pltpu.VMEM((L,), jnp.int32),
            pltpu.VMEM((L,), jnp.int32),
            pltpu.VMEM((L,), jnp.int32),
            pltpu.VMEM((L,), jnp.int32),
            pltpu.VMEM((QW,), jnp.int32),
            pltpu.VMEM((QW,), jnp.int32),
            pltpu.VMEM((QW * K,), jnp.int32),
            pltpu.SemaphoreType.DMA,
        ],
    )(_sc_body)
    out = sck(enc0, rank0, enc1, rank1)
    return out.reshape(B, L, K)

# --- scband reference (transcript-rebuilt; emitter-appended) ---
"""Pipeline reference for scband-candidate-finder-14474039787699 (READ-ONLY COPY).

The authoritative reference and input builder live on the scoring server;
editing this copy changes nothing except your own understanding.
"""

import jax, jax.numpy as jnp
import numpy as np

D_GROUPS = [16, 16]
PREFIX_LEN = 4
K_MAX = 64
B = 2
L = 4096
D_KEY = 32


def setup_inputs(seed: int = 0):
    key = jax.random.key(seed)
    k1, k2 = jax.random.split(key)
    return {
        "query_up": jax.random.normal(k1, (B, L, D_KEY), dtype=jnp.float32),
        "key_up": jax.random.normal(k2, (B, L, D_KEY), dtype=jnp.float32),
        "head_idx": 0,
    }


def _group_candidates(q_grp, k_grp):
    # q_grp, k_grp: [B, L, dg]
    Bg, Lg, dg = q_grp.shape
    qb = (q_grp > 0).astype(jnp.float32)
    kb = (k_grp > 0).astype(jnp.float32)
    # Wu-Manber: first PREFIX_LEN quantized bits of query match key's bits.
    qp = qb[..., :PREFIX_LEN]
    kp = kb[..., :PREFIX_LEN]
    same_p = jnp.einsum('bid,bjd->bij', qp, kp) + jnp.einsum('bid,bjd->bij', 1.0 - qp, 1.0 - kp)
    wu = same_p >= (PREFIX_LEN - 0.5)
    # Trie with stride traversal over the full binary vector == exact full-bit match.
    same_f = jnp.einsum('bid,bjd->bij', qb, kb) + jnp.einsum('bid,bjd->bij', 1.0 - qb, 1.0 - kb)
    tr = same_f >= (dg - 0.5)
    common = jnp.logical_and(wu, tr)  # [B, L, L]
    # first k_max matching key indices (ascending), pad with -1
    idx = jnp.arange(Lg, dtype=jnp.int32)
    vals = jnp.where(common, idx[None, None, :], Lg)
    neg_top, _ = jax.lax.top_k(-vals, K_MAX)
    small = -neg_top  # ascending smallest matching indices
    cand = jnp.where(small < Lg, small, -1)
    return cand.astype(jnp.int32)


def reference(query_up, key_up, head_idx):
    cand_list = []
    start = 0
    for dg in D_GROUPS:
        cand_list.append(_group_candidates(query_up[:, :, start:start + dg],
                                           key_up[:, :, start:start + dg]))
        start += dg
    merged = jnp.concatenate(cand_list, axis=-1)
    merged = jnp.sort(merged, axis=-1)
    # torch.unique_consecutive(dim=-1) removes consecutive duplicate [B,L] slabs
    # (shape-dynamic); static-shape equivalent keeps first K_MAX sorted columns.
    return merged[:, :, :K_MAX]

if __name__ == "__main__":
    import jax
    _d = setup_inputs()
    print(jax.jit(kernel)(*tuple(_d.values())))

</pallas_src>

<mosaic_0001>
#map = affine_map<(d0, d1) -> (0)>
module attributes {stable_mosaic.version = 14 : i64} {
  func.func @_sc_body(%arg0: i32, %arg1: i32, %arg2: memref<8192xi32, #tpu.memory_space<hbm>>, %arg3: memref<8192xi32, #tpu.memory_space<hbm>>, %arg4: memref<8192xi32, #tpu.memory_space<hbm>>, %arg5: memref<8192xi32, #tpu.memory_space<hbm>>, %arg6: memref<524288xi32, #tpu.memory_space<hbm>>, %arg7: memref<4096xi32, #tpu.memory_space<vmem>>, %arg8: memref<4096xi32, #tpu.memory_space<vmem>>, %arg9: memref<4096xi32, #tpu.memory_space<vmem>>, %arg10: memref<4096xi32, #tpu.memory_space<vmem>>, %arg11: memref<256xi32, #tpu.memory_space<vmem>>, %arg12: memref<256xi32, #tpu.memory_space<vmem>>, %arg13: memref<16384xi32, #tpu.memory_space<vmem>>, %arg14: memref<!tpu.dma_semaphore, #tpu.memory_space<semaphore_mem>>) attributes {dimension_semantics = [#tpu.dimension_semantics<core_parallel>, #tpu.dimension_semantics<subcore_parallel>], iteration_bounds = array<i64: 2, 16>, scalar_prefetch = 0 : i64, scratch_operands = 8 : i64, tpu.core_type = #tpu.core_type<sc_vector_subcore>, window_params = [{transform_indices = #map}, {transform_indices = #map}, {transform_indices = #map}, {transform_indices = #map}, {transform_indices = #map}]} {
    %mul3A = arith.constant 2 : i32
    %mul3A_0 = arith.muli %arg1, %mul3A : i32
    %add3A = arith.addi %mul3A_0, %arg0 : i32
    %jit3A = arith.constant 16 : i32
    %div3A = arith.divsi %add3A, %jit3A : i32
    %sign3A = arith.constant 0 : i32
    %sign3A_1 = arith.cmpi sgt, %add3A, %sign3A : i32
    %sign3A_2 = arith.extui %sign3A_1 : i1 to i32
    %sign3A_3 = arith.constant 0 : i32
    %sign3A_4 = arith.cmpi slt, %add3A, %sign3A_3 : i32
    %sign3A_5 = arith.extui %sign3A_4 : i1 to i32
    %sign3A_6 = arith.subi %sign3A_2, %sign3A_5 : i32
    %sign3A_7 = arith.constant 0 : i32
    %sign3A_8 = arith.cmpi sgt, %jit3A, %sign3A_7 : i32
    %sign3A_9 = arith.extui %sign3A_8 : i1 to i32
    %sign3A_10 = arith.constant 0 : i32
    %sign3A_11 = arith.cmpi slt, %jit3A, %sign3A_10 : i32
    %sign3A_12 = arith.extui %sign3A_11 : i1 to i32
    %sign3A_13 = arith.subi %sign3A_9, %sign3A_12 : i32
    %ne3A = arith.cmpi ne, %sign3A_6, %sign3A_13 : i32
    %rem3A = arith.remsi %add3A, %jit3A : i32
    %ne3A_14 = arith.constant 0 : i32
    %ne3A_15 = arith.cmpi ne, %rem3A, %ne3A_14 : i32
    %and3A = arith.andi %ne3A, %ne3A_15 : i1
    %sub3A = arith.constant 1 : i32
    %sub3A_16 = arith.subi %div3A, %sub3A : i32
    %select_n3A = arith.select %and3A, %sub3A_16, %div3A : i32
    %mul3A_17 = arith.constant 256 : i32
    %mul3A_18 = arith.muli %add3A, %mul3A_17 : i32
    %mul3A_19 = arith.constant 4096 : i32
    %mul3A_20 = arith.muli %select_n3A, %mul3A_19 : i32
    %sub3A_21 = arith.subi %mul3A_18, %mul3A_20 : i32
    %iota3A = tpu.iota {dimensions = array<i32: 0>} : vector<16xi32>
    %mul3A_22 = arith.constant 4096 : i32
    %mul3A_23 = arith.muli %select_n3A, %mul3A_22 : i32
    %mul3A_24 = arith.constant 4096 : i32
    %mul3A_25 = arith.muli %select_n3A, %mul3A_24 : i32
    %mul3A_26 = arith.constant 4096 : i32
    %mul3A_27 = arith.muli %select_n3A, %mul3A_26 : i32
    %add3A_28 = arith.addi %mul3A_27, %sub3A_21 : i32
    %mul3A_29 = arith.constant 4096 : i32
    %mul3A_30 = arith.muli %select_n3A, %mul3A_29 : i32
    %add3A_31 = arith.addi %mul3A_30, %sub3A_21 : i32
    %dma_start3A = tpu.memref_slice %arg3[%mul3A_23] : memref<8192xi32, #tpu.memory_space<hbm>> -> memref<4096xi32, #tpu.memory_space<hbm>>
    %dma_start3A_32 = tpu.memref_slice %arg3[%mul3A_23] : memref<8192xi32, #tpu.memory_space<hbm>> -> memref<4096xi32, #tpu.memory_space<hbm>>
    tpu.enqueue_dma source(%dma_start3A_32 : memref<4096xi32, #tpu.memory_space<hbm>>) target(%arg7 : memref<4096xi32, #tpu.memory_space<vmem>>) target_semaphore(%arg14 : memref<!tpu.dma_semaphore, #tpu.memory_space<semaphore_mem>>)
    %dma_start3A_33 = tpu.memref_slice %arg5[%mul3A_25] : memref<8192xi32, #tpu.memory_space<hbm>> -> memref<4096xi32, #tpu.memory_space<hbm>>
    %dma_start3A_34 = tpu.memref_slice %arg5[%mul3A_25] : memref<8192xi32, #tpu.memory_space<hbm>> -> memref<4096xi32, #tpu.memory_space<hbm>>
    tpu.enqueue_dma source(%dma_start3A_34 : memref<4096xi32, #tpu.memory_space<hbm>>) target(%arg8 : memref<4096xi32, #tpu.memory_space<vmem>>) target_semaphore(%arg14 : memref<!tpu.dma_semaphore, #tpu.memory_space<semaphore_mem>>)
    %dma_start3A_35 = tpu.memref_slice %arg2[%add3A_28] : memref<8192xi32, #tpu.memory_space<hbm>> -> memref<256xi32, #tpu.memory_space<hbm>>
    %dma_start3A_36 = tpu.memref_slice %arg2[%add3A_28] : memref<8192xi32, #tpu.memory_space<hbm>> -> memref<256xi32, #tpu.memory_space<hbm>>
    tpu.enqueue_dma source(%dma_start3A_36 : memref<256xi32, #tpu.memory_space<hbm>>) target(%arg11 : memref<256xi32, #tpu.memory_space<vmem>>) target_semaphore(%arg14 : memref<!tpu.dma_semaphore, #tpu.memory_space<semaphore_mem>>)
    %dma_start3A_37 = tpu.memref_slice %arg4[%add3A_31] : memref<8192xi32, #tpu.memory_space<hbm>> -> memref<256xi32, #tpu.memory_space<hbm>>
    %dma_start3A_38 = tpu.memref_slice %arg4[%add3A_31] : memref<8192xi32, #tpu.memory_space<hbm>> -> memref<256xi32, #tpu.memory_space<hbm>>
    tpu.enqueue_dma source(%dma_start3A_38 : memref<256xi32, #tpu.memory_space<hbm>>) target(%arg12 : memref<256xi32, #tpu.memory_space<vmem>>) target_semaphore(%arg14 : memref<!tpu.dma_semaphore, #tpu.memory_space<semaphore_mem>>)
    %dma_wait3A = tpu.memref_slice %arg3[%mul3A_23] : memref<8192xi32, #tpu.memory_space<hbm>> -> memref<4096xi32, #tpu.memory_space<hbm>>
    %dma_wait3A_39 = tpu.memref_slice %arg3[%mul3A_23] : memref<8192xi32, #tpu.memory_space<hbm>> -> memref<4096xi32, #tpu.memory_space<hbm>>
    tpu.wait_dma2 semaphore(%arg14 : memref<!tpu.dma_semaphore, #tpu.memory_space<semaphore_mem>>) src(%dma_wait3A_39 : memref<4096xi32, #tpu.memory_space<hbm>>) dst(%arg7 : memref<4096xi32, #tpu.memory_space<vmem>>)
    %dma_wait3A_40 = tpu.memref_slice %arg5[%mul3A_25] : memref<8192xi32, #tpu.memory_space<hbm>> -> memref<4096xi32, #tpu.memory_space<hbm>>
    %dma_wait3A_41 = tpu.memref_slice %arg5[%mul3A_25] : memref<8192xi32, #tpu.memory_space<hbm>> -> memref<4096xi32, #tpu.memory_space<hbm>>
    tpu.wait_dma2 semaphore(%arg14 : memref<!tpu.dma_semaphore, #tpu.memory_space<semaphore_mem>>) src(%dma_wait3A_41 : memref<4096xi32, #tpu.memory_space<hbm>>) dst(%arg8 : memref<4096xi32, #tpu.memory_space<vmem>>)
    %dma_wait3A_42 = tpu.memref_slice %arg2[%add3A_28] : memref<8192xi32, #tpu.memory_space<hbm>> -> memref<256xi32, #tpu.memory_space<hbm>>
    %dma_wait3A_43 = tpu.memref_slice %arg2[%add3A_28] : memref<8192xi32, #tpu.memory_space<hbm>> -> memref<256xi32, #tpu.memory_space<hbm>>
    tpu.wait_dma2 semaphore(%arg14 : memref<!tpu.dma_semaphore, #tpu.memory_space<semaphore_mem>>) src(%dma_wait3A_43 : memref<256xi32, #tpu.memory_space<hbm>>) dst(%arg11 : memref<256xi32, #tpu.memory_space<vmem>>)
    %dma_wait3A_44 = tpu.memref_slice %arg4[%add3A_31] : memref<8192xi32, #tpu.memory_space<hbm>> -> memref<256xi32, #tpu.memory_space<hbm>>
    %dma_wait3A_45 = tpu.memref_slice %arg4[%add3A_31] : memref<8192xi32, #tpu.memory_space<hbm>> -> memref<256xi32, #tpu.memory_space<hbm>>
    tpu.wait_dma2 semaphore(%arg14 : memref<!tpu.dma_semaphore, #tpu.memory_space<semaphore_mem>>) src(%dma_wait3A_45 : memref<256xi32, #tpu.memory_space<hbm>>) dst(%arg12 : memref<256xi32, #tpu.memory_space<vmem>>)
    %parallel_loop3A = arith.constant 0 : i32
    %parallel_loop3A_46 = arith.constant 256 : i32
    %parallel_loop3A_47 = arith.constant 1 : i32
    scf.for %parallel_loop3A_75 = %parallel_loop3A to %parallel_loop3A_46 step %parallel_loop3A_47  : i32 {
      %parallel_loop3A_76 = arith.constant 16 : i32
      %parallel_loop3A_77 = arith.muli %parallel_loop3A_75, %parallel_loop3A_76 : i32
      %parallel_loop3A_78 = arith.index_cast %parallel_loop3A_77 : i32 to index
      %parallel_loop3A_79 = tpu.vector_load %arg7[%parallel_loop3A_78] {strides = array<i32>} : memref<4096xi32, #tpu.memory_space<vmem>>, vector<16xi32>,
      %parallel_loop3A_80 = arith.constant 16 : i32
      %parallel_loop3A_81 = arith.muli %parallel_loop3A_75, %parallel_loop3A_80 : i32
      %parallel_loop3A_82 = vector.broadcast %parallel_loop3A_81 : i32 to vector<16xi32>
      %parallel_loop3A_83 = arith.addi %parallel_loop3A_82, %iota3A : vector<16xi32>
      tpu.vector_store_idx %arg9[%parallel_loop3A_79], %parallel_loop3A_83 : memref<4096xi32, #tpu.memory_space<vmem>>[vector<16xi32>], vector<16xi32>,
    } {sc.loop_unroll_factor = 8 : i64, sc.parallel_access}
    %parallel_loop3A_48 = arith.constant 0 : i32
    %parallel_loop3A_49 = arith.constant 256 : i32
    %parallel_loop3A_50 = arith.constant 1 : i32
    scf.for %parallel_loop3A_75 = %parallel_loop3A_48 to %parallel_loop3A_49 step %parallel_loop3A_50  : i32 {
      %parallel_loop3A_76 = arith.constant 16 : i32
      %parallel_loop3A_77 = arith.muli %parallel_loop3A_75, %parallel_loop3A_76 : i32
      %parallel_loop3A_78 = arith.index_cast %parallel_loop3A_77 : i32 to index
      %parallel_loop3A_79 = tpu.vector_load %arg8[%parallel_loop3A_78] {strides = array<i32>} : memref<4096xi32, #tpu.memory_space<vmem>>, vector<16xi32>,
      %parallel_loop3A_80 = arith.constant 16 : i32
      %parallel_loop3A_81 = arith.muli %parallel_loop3A_75, %parallel_loop3A_80 : i32
      %parallel_loop3A_82 = vector.broadcast %parallel_loop3A_81 : i32 to vector<16xi32>
      %parallel_loop3A_83 = arith.addi %parallel_loop3A_82, %iota3A : vector<16xi32>
      tpu.vector_store_idx %arg10[%parallel_loop3A_79], %parallel_loop3A_83 : memref<4096xi32, #tpu.memory_space<vmem>>[vector<16xi32>], vector<16xi32>,
    } {sc.loop_unroll_factor = 8 : i64, sc.parallel_access}
    %parallel_loop3A_51 = arith.constant 0 : i32
    %parallel_loop3A_52 = arith.constant 128 : i32
    %parallel_loop3A_53 = arith.constant 1 : i32
    scf.for %parallel_loop3A_75 = %parallel_loop3A_51 to %parallel_loop3A_52 step %parallel_loop3A_53  : i32 {
      %parallel_loop3A_76 = arith.constant 0 : i32
      %parallel_loop3A_77 = vector.broadcast %parallel_loop3A_76 : i32 to vector<16xi32>
      %parallel_loop3A_78 = vector.broadcast %parallel_loop3A_75 : i32 to vector<16xi32>
      %parallel_loop3A_79 = arith.addi %parallel_loop3A_77, %parallel_loop3A_78 : vector<16xi32>
      %parallel_loop3A_80 = tpu.vector_load_idx %arg11[%parallel_loop3A_79] : memref<256xi32, #tpu.memory_space<vmem>>[vector<16xi32>], vector<16xi32>,
      %parallel_loop3A_81 = arith.constant 127 : i32
      %parallel_loop3A_82 = vector.broadcast %parallel_loop3A_81 : i32 to vector<16xi32>
      %parallel_loop3A_83 = arith.andi %parallel_loop3A_80, %parallel_loop3A_82 : vector<16xi32>
      %parallel_loop3A_84 = arith.constant 7 : i32
      %parallel_loop3A_85 = vector.broadcast %parallel_loop3A_84 : i32 to vector<16xi32>
      %parallel_loop3A_86 = arith.shrsi %parallel_loop3A_80, %parallel_loop3A_85 : vector<16xi32>
      %parallel_loop3A_87 = arith.constant 0 : i32
      %parallel_loop3A_88 = vector.broadcast %parallel_loop3A_87 : i32 to vector<16xi32>
      %parallel_loop3A_89 = arith.addi %iota3A, %parallel_loop3A_88 : vector<16xi32>
      %parallel_loop3A_90 = arith.constant 64 : i32
      %parallel_loop3A_91 = vector.broadcast %parallel_loop3A_90 : i32 to vector<16xi32>
      %parallel_loop3A_92 = arith.subi %parallel_loop3A_89, %parallel_loop3A_91 : vector<16xi32>
      %parallel_loop3A_93 = arith.addi %parallel_loop3A_86, %parallel_loop3A_92 : vector<16xi32>
      %parallel_loop3A_94 = arith.cmpi sge, %parallel_loop3A_89, %parallel_loop3A_83 : vector<16xi32>
      %parallel_loop3A_95 = arith.constant 0 : i32
      %parallel_loop3A_96 = arith.constant 4095 : i32
      %parallel_loop3A_97 = vector.broadcast %parallel_loop3A_95 : i32 to vector<16xi32>
      %parallel_loop3A_98 = arith.maxsi %parallel_loop3A_97, %parallel_loop3A_93 : vector<16xi32>
      %parallel_loop3A_99 = vector.broadcast %parallel_loop3A_96 : i32 to vector<16xi32>
      %parallel_loop3A_100 = arith.minsi %parallel_loop3A_99, %parallel_loop3A_98 : vector<16xi32>
      %parallel_loop3A_101 = tpu.vector_load_idx %arg9[%parallel_loop3A_100] : memref<4096xi32, #tpu.memory_space<vmem>>[vector<16xi32>], vector<16xi32>,
      %parallel_loop3A_102 = arith.constant -1 : i32
      %parallel_loop3A_103 = vector.broadcast %parallel_loop3A_102 : i32 to vector<16xi32>
      %parallel_loop3A_104 = arith.select %parallel_loop3A_94, %parallel_loop3A_101, %parallel_loop3A_103 : vector<16xi1>, vector<16xi32>
      %parallel_loop3A_105 = arith.constant 16 : i32
      %parallel_loop3A_106 = vector.broadcast %parallel_loop3A_105 : i32 to vector<16xi32>
      %parallel_loop3A_107 = arith.addi %iota3A, %parallel_loop3A_106 : vector<16xi32>
      %parallel_loop3A_108 = arith.constant 64 : i32
      %parallel_loop3A_109 = vector.broadcast %parallel_loop3A_108 : i32 to vector<16xi32>
      %parallel_loop3A_110 = arith.subi %parallel_loop3A_107, %parallel_loop3A_109 : vector<16xi32>
      %parallel_loop3A_111 = arith.addi %parallel_loop3A_86, %parallel_loop3A_110 : vector<16xi32>
      %parallel_loop3A_112 = arith.cmpi sge, %parallel_loop3A_107, %parallel_loop3A_83 : vector<16xi32>
      %parallel_loop3A_113 = arith.constant 0 : i32
      %parallel_loop3A_114 = arith.constant 4095 : i32
      %parallel_loop3A_115 = vector.broadcast %parallel_loop3A_113 : i32 to vector<16xi32>
      %parallel_loop3A_116 = arith.maxsi %parallel_loop3A_115, %parallel_loop3A_111 : vector<16xi32>
      %parallel_loop3A_117 = vector.broadcast %parallel_loop3A_114 : i32 to vector<16xi32>
      %parallel_loop3A_118 = arith.minsi %parallel_loop3A_117, %parallel_loop3A_116 : vector<16xi32>
      %parallel_loop3A_119 = tpu.vector_load_idx %arg9[%parallel_loop3A_118] : memref<4096xi32, #tpu.memory_space<vmem>>[vector<16xi32>], vector<16xi32>,
      %parallel_loop3A_120 = arith.constant -1 : i32
      %parallel_loop3A_121 = vector.broadcast %parallel_loop3A_120 : i32 to vector<16xi32>
      %parallel_loop3A_122 = arith.select %parallel_loop3A_112, %parallel_loop3A_119, %parallel_loop3A_121 : vector<16xi1>, vector<16xi32>
      %parallel_loop3A_123 = arith.constant 32 : i32
      %parallel_loop3A_124 = vector.broadcast %parallel_loop3A_123 : i32 to vector<16xi32>
      %parallel_loop3A_125 = arith.addi %iota3A, %parallel_loop3A_124 : vector<16xi32>
      %parallel_loop3A_126 = arith.constant 64 : i32
      %parallel_loop3A_127 = vector.broadcast %parallel_loop3A_126 : i32 to vector<16xi32>
      %parallel_loop3A_128 = arith.subi %parallel_loop3A_125, %parallel_loop3A_127 : vector<16xi32>
      %parallel_loop3A_129 = arith.addi %parallel_loop3A_86, %parallel_loop3A_128 : vector<16xi32>
      %parallel_loop3A_130 = arith.cmpi sge, %parallel_loop3A_125, %parallel_loop3A_83 : vector<16xi32>
      %parallel_loop3A_131 = arith.constant 0 : i32
      %parallel_loop3A_132 = arith.constant 4095 : i32
      %parallel_loop3A_133 = vector.broadcast %parallel_loop3A_131 : i32 to vector<16xi32>
      %parallel_loop3A_134 = arith.maxsi %parallel_loop3A_133, %parallel_loop3A_129 : vector<16xi32>
      %parallel_loop3A_135 = vector.broadcast %parallel_loop3A_132 : i32 to vector<16xi32>
      %parallel_loop3A_136 = arith.minsi %parallel_loop3A_135, %parallel_loop3A_134 : vector<16xi32>
      %parallel_loop3A_137 = tpu.vector_load_idx %arg9[%parallel_loop3A_136] : memref<4096xi32, #tpu.memory_space<vmem>>[vector<16xi32>], vector<16xi32>,
      %parallel_loop3A_138 = arith.constant -1 : i32
      %parallel_loop3A_139 = vector.broadcast %parallel_loop3A_138 : i32 to vector<16xi32>
      %parallel_loop3A_140 = arith.select %parallel_loop3A_130, %parallel_loop3A_137, %parallel_loop3A_139 : vector<16xi1>, vector<16xi32>
      %parallel_loop3A_141 = arith.constant 48 : i32
      %parallel_loop3A_142 = vector.broadcast %parallel_loop3A_141 : i32 to vector<16xi32>
      %parallel_loop3A_143 = arith.addi %iota3A, %parallel_loop3A_142 : vector<16xi32>
      %parallel_loop3A_144 = arith.constant 64 : i32
      %parallel_loop3A_145 = vector.broadcast %parallel_loop3A_144 : i32 to vector<16xi32>
      %parallel_loop3A_146 = arith.subi %parallel_loop3A_143, %parallel_loop3A_145 : vector<16xi32>
      %parallel_loop3A_147 = arith.addi %parallel_loop3A_86, %parallel_loop3A_146 : vector<16xi32>
      %parallel_loop3A_148 = arith.cmpi sge, %parallel_loop3A_143, %parallel_loop3A_83 : vector<16xi32>
      %parallel_loop3A_149 = arith.constant 0 : i32
      %parallel_loop3A_150 = arith.constant 4095 : i32
      %parallel_loop3A_151 = vector.broadcast %parallel_loop3A_149 : i32 to vector<16xi32>
      %parallel_loop3A_152 = arith.maxsi %parallel_loop3A_151, %parallel_loop3A_147 : vector<16xi32>
      %parallel_loop3A_153 = vector.broadcast %parallel_loop3A_150 : i32 to vector<16xi32>
      %parallel_loop3A_154 = arith.minsi %parallel_loop3A_153, %parallel_loop3A_152 : vector<16xi32>
      %parallel_loop3A_155 = tpu.vector_load_idx %arg9[%parallel_loop3A_154] : memref<4096xi32, #tpu.memory_space<vmem>>[vector<16xi32>], vector<16xi32>,
      %parallel_loop3A_156 = arith.constant -1 : i32
      %parallel_loop3A_157 = vector.broadcast %parallel_loop3A_156 : i32 to vector<16xi32>
      %parallel_loop3A_158 = arith.select %parallel_loop3A_148, %parallel_loop3A_155, %parallel_loop3A_157 : vector<16xi1>, vector<16xi32>
      %parallel_loop3A_159 = tpu.vector_load_idx %arg12[%parallel_loop3A_79] : memref<256xi32, #tpu.memory_space<vmem>>[vector<16xi32>], vector<16xi32>,
      %parallel_loop3A_160 = arith.constant 127 : i32
      %parallel_loop3A_161 = vector.broadcast %parallel_loop3A_160 : i32 to vector<16xi32>
      %parallel_loop3A_162 = arith.andi %parallel_loop3A_159, %parallel_loop3A_161 : vector<16xi32>
      %parallel_loop3A_163 = arith.constant 7 : i32
      %parallel_loop3A_164 = vector.broadcast %parallel_loop3A_163 : i32 to vector<16xi32>
      %parallel_loop3A_165 = arith.shrsi %parallel_loop3A_159, %parallel_loop3A_164 : vector<16xi32>
      %parallel_loop3A_166 = arith.constant 0 : i32
      %parallel_loop3A_167 = vector.broadcast %parallel_loop3A_166 : i32 to vector<16xi32>
      %parallel_loop3A_168 = arith.addi %iota3A, %parallel_loop3A_167 : vector<16xi32>
      %parallel_loop3A_169 = arith.constant 1 : i32
      %parallel_loop3A_170 = vector.broadcast %parallel_loop3A_169 : i32 to vector<16xi32>
      %parallel_loop3A_171 = arith.subi %parallel_loop3A_165, %parallel_loop3A_170 : vector<16xi32>
      %parallel_loop3A_172 = arith.subi %parallel_loop3A_171, %parallel_loop3A_168 : vector<16xi32>
      %parallel_loop3A_173 = arith.constant 63 : i32
      %parallel_loop3A_174 = vector.broadcast %parallel_loop3A_173 : i32 to vector<16xi32>
      %parallel_loop3A_175 = arith.subi %parallel_loop3A_174, %parallel_loop3A_168 : vector<16xi32>
      %parallel_loop3A_176 = arith.cmpi sge, %parallel_loop3A_175, %parallel_loop3A_162 : vector<16xi32>
      %parallel_loop3A_177 = arith.constant 0 : i32
      %parallel_loop3A_178 = arith.constant 4095 : i32
      %parallel_loop3A_179 = vector.broadcast %parallel_loop3A_177 : i32 to vector<16xi32>
      %parallel_loop3A_180 = arith.maxsi %parallel_loop3A_179, %parallel_loop3A_172 : vector<16xi32>
      %parallel_loop3A_181 = vector.broadcast %parallel_loop3A_178 : i32 to vector<16xi32>
      %parallel_loop3A_182 = arith.minsi %parallel_loop3A_181, %parallel_loop3A_180 : vector<16xi32>
      %parallel_loop3A_183 = tpu.vector_load_idx %arg10[%parallel_loop3A_182] : memref<4096xi32, #tpu.memory_space<vmem>>[vector<16xi32>], vector<16xi32>,
      %parallel_loop3A_184 = arith.constant -1 : i32
      %parallel_loop3A_185 = vector.broadcast %parallel_loop3A_184 : i32 to vector<16xi32>
      %parallel_loop3A_186 = arith.select %parallel_loop3A_176, %parallel_loop3A_183, %parallel_loop3A_185 : vector<16xi1>, vector<16xi32>
      %parallel_loop3A_187 = arith.constant 16 : i32
      %parallel_loop3A_188 = vector.broadcast %parallel_loop3A_187 : i32 to vector<16xi32>
      %parallel_loop3A_189 = arith.addi %iota3A, %parallel_loop3A_188 : vector<16xi32>
      %parallel_loop3A_190 = arith.constant 1 : i32
      %parallel_loop3A_191 = vector.broadcast %parallel_loop3A_190 : i32 to vector<16xi32>
      %parallel_loop3A_192 = arith.subi %parallel_loop3A_165, %parallel_loop3A_191 : vector<16xi32>
      %parallel_loop3A_193 = arith.subi %parallel_loop3A_192, %parallel_loop3A_189 : vector<16xi32>
      %parallel_loop3A_194 = arith.constant 63 : i32
      %parallel_loop3A_195 = vector.broadcast %parallel_loop3A_194 : i32 to vector<16xi32>
      %parallel_loop3A_196 = arith.subi %parallel_loop3A_195, %parallel_loop3A_189 : vector<16xi32>
      %parallel_loop3A_197 = arith.cmpi sge, %parallel_loop3A_196, %parallel_loop3A_162 : vector<16xi32>
      %parallel_loop3A_198 = arith.constant 0 : i32
      %parallel_loop3A_199 = arith.constant 4095 : i32
      %parallel_loop3A_200 = vector.broadcast %parallel_loop3A_198 : i32 to vector<16xi32>
      %parallel_loop3A_201 = arith.maxsi %parallel_loop3A_200, %parallel_loop3A_193 : vector<16xi32>
      %parallel_loop3A_202 = vector.broadcast %parallel_loop3A_199 : i32 to vector<16xi32>
      %parallel_loop3A_203 = arith.minsi %parallel_loop3A_202, %parallel_loop3A_201 : vector<16xi32>
      %parallel_loop3A_204 = tpu.vector_load_idx %arg10[%parallel_loop3A_203] : memref<4096xi32, #tpu.memory_space<vmem>>[vector<16xi32>], vector<16xi32>,
      %parallel_loop3A_205 = arith.constant -1 : i32
      %parallel_loop3A_206 = vector.broadcast %parallel_loop3A_205 : i32 to vector<16xi32>
      %parallel_loop3A_207 = arith.select %parallel_loop3A_197, %parallel_loop3A_204, %parallel_loop3A_206 : vector<16xi1>, vector<16xi32>
      %parallel_loop3A_208 = arith.constant 32 : i32
      %parallel_loop3A_209 = vector.broadcast %parallel_loop3A_208 : i32 to vector<16xi32>
      %parallel_loop3A_210 = arith.addi %iota3A, %parallel_loop3A_209 : vector<16xi32>
      %parallel_loop3A_211 = arith.constant 1 : i32
      %parallel_loop3A_212 = vector.broadcast %parallel_loop3A_211 : i32 to vector<16xi32>
      %parallel_loop3A_213 = arith.subi %parallel_loop3A_165, %parallel_loop3A_212 : vector<16xi32>
      %parallel_loop3A_214 = arith.subi %parallel_loop3A_213, %parallel_loop3A_210 : vector<16xi32>
      %parallel_loop3A_215 = arith.constant 63 : i32
      %parallel_loop3A_216 = vector.broadcast %parallel_loop3A_215 : i32 to vector<16xi32>
      %parallel_loop3A_217 = arith.subi %parallel_loop3A_216, %parallel_loop3A_210 : vector<16xi32>
      %parallel_loop3A_218 = arith.cmpi sge, %parallel_loop3A_217, %parallel_loop3A_162 : vector<16xi32>
      %parallel_loop3A_219 = arith.constant 0 : i32
      %parallel_loop3A_220 = arith.constant 4095 : i32
      %parallel_loop3A_221 = vector.broadcast %parallel_loop3A_219 : i32 to vector<16xi32>
      %parallel_loop3A_222 = arith.maxsi %parallel_loop3A_221, %parallel_loop3A_214 : vector<16xi32>
      %parallel_loop3A_223 = vector.broadcast %parallel_loop3A_220 : i32 to vector<16xi32>
      %parallel_loop3A_224 = arith.minsi %parallel_loop3A_223, %parallel_loop3A_222 : vector<16xi32>
      %parallel_loop3A_225 = tpu.vector_load_idx %arg10[%parallel_loop3A_224] : memref<4096xi32, #tpu.memory_space<vmem>>[vector<16xi32>], vector<16xi32>,
      %parallel_loop3A_226 = arith.constant -1 : i32
      %parallel_loop3A_227 = vector.broadcast %parallel_loop3A_226 : i32 to vector<16xi32>
      %parallel_loop3A_228 = arith.select %parallel_loop3A_218, %parallel_loop3A_225, %parallel_loop3A_227 : vector<16xi1>, vector<16xi32>
      %parallel_loop3A_229 = arith.constant 48 : i32
      %parallel_loop3A_230 = vector.broadcast %parallel_loop3A_229 : i32 to vector<16xi32>
      %parallel_loop3A_231 = arith.addi %iota3A, %parallel_loop3A_230 : vector<16xi32>
      %parallel_loop3A_232 = arith.constant 1 : i32
      %parallel_loop3A_233 = vector.broadcast %parallel_loop3A_232 : i32 to vector<16xi32>
      %parallel_loop3A_234 = arith.subi %parallel_loop3A_165, %parallel_loop3A_233 : vector<16xi32>
      %parallel_loop3A_235 = arith.subi %parallel_loop3A_234, %parallel_loop3A_231 : vector<16xi32>
      %parallel_loop3A_236 = arith.constant 63 : i32
      %parallel_loop3A_237 = vector.broadcast %parallel_loop3A_236 : i32 to vector<16xi32>
      %parallel_loop3A_238 = arith.subi %parallel_loop3A_237, %parallel_loop3A_231 : vector<16xi32>
      %parallel_loop3A_239 = arith.cmpi sge, %parallel_loop3A_238, %parallel_loop3A_162 : vector<16xi32>
      %parallel_loop3A_240 = arith.constant 0 : i32
      %parallel_loop3A_241 = arith.constant 4095 : i32
      %parallel_loop3A_242 = vector.broadcast %parallel_loop3A_240 : i32 to vector<16xi32>
      %parallel_loop3A_243 = arith.maxsi %parallel_loop3A_242, %parallel_loop3A_235 : vector<16xi32>
      %parallel_loop3A_244 = vector.broadcast %parallel_loop3A_241 : i32 to vector<16xi32>
      %parallel_loop3A_245 = arith.minsi %parallel_loop3A_244, %parallel_loop3A_243 : vector<16xi32>
      %parallel_loop3A_246 = tpu.vector_load_idx %arg10[%parallel_loop3A_245] : memref<4096xi32, #tpu.memory_space<vmem>>[vector<16xi32>], vector<16xi32>,
      %parallel_loop3A_247 = arith.constant -1 : i32
      %parallel_loop3A_248 = vector.broadcast %parallel_loop3A_247 : i32 to vector<16xi32>
      %parallel_loop3A_249 = arith.select %parallel_loop3A_239, %parallel_loop3A_246, %parallel_loop3A_248 : vector<16xi1>, vector<16xi32>
      %parallel_loop3A_250 = arith.minsi %parallel_loop3A_104, %parallel_loop3A_186 : vector<16xi32>
      %parallel_loop3A_251 = arith.minsi %parallel_loop3A_122, %parallel_loop3A_207 : vector<16xi32>
      %parallel_loop3A_252 = arith.minsi %parallel_loop3A_140, %parallel_loop3A_228 : vector<16xi32>
      %parallel_loop3A_253 = arith.minsi %parallel_loop3A_158, %parallel_loop3A_249 : vector<16xi32>
      %parallel_loop3A_254 = arith.minsi %parallel_loop3A_250, %parallel_loop3A_252 : vector<16xi32>
      %parallel_loop3A_255 = arith.maxsi %parallel_loop3A_250, %parallel_loop3A_252 : vector<16xi32>
      %parallel_loop3A_256 = arith.minsi %parallel_loop3A_251, %parallel_loop3A_253 : vector<16xi32>
      %parallel_loop3A_257 = arith.maxsi %parallel_loop3A_251, %parallel_loop3A_253 : vector<16xi32>
      %parallel_loop3A_258 = arith.minsi %parallel_loop3A_254, %parallel_loop3A_256 : vector<16xi32>
      %parallel_loop3A_259 = arith.maxsi %parallel_loop3A_254, %parallel_loop3A_256 : vector<16xi32>
      %parallel_loop3A_260 = arith.minsi %parallel_loop3A_255, %parallel_loop3A_257 : vector<16xi32>
      %parallel_loop3A_261 = arith.maxsi %parallel_loop3A_255, %parallel_loop3A_257 : vector<16xi32>
      %parallel_loop3A_262 = arith.constant dense<true> : vector<16xi1>
      %parallel_loop3A_263, %parallel_loop3A_264, %parallel_loop3A_265 = tpu.sort %parallel_loop3A_258, %parallel_loop3A_258 masked %parallel_loop3A_262 : (vector<16xi32>, vector<16xi32>, vector<16xi1>) -> (vector<16xi1>, vector<16xi32>, vector<16xi32>)
      %parallel_loop3A_266 = arith.constant 64 : i32
      %parallel_loop3A_267 = arith.muli %parallel_loop3A_75, %parallel_loop3A_266 : i32
      %parallel_loop3A_268 = arith.constant 0 : i32
      %parallel_loop3A_269 = arith.addi %parallel_loop3A_267, %parallel_loop3A_268 : i32
      %parallel_loop3A_270 = arith.index_cast %parallel_loop3A_269 : i32 to index
      %parallel_loop3A_271 = tpu.vector_load %arg13[%parallel_loop3A_270] {strides = array<i32>} : memref<16384xi32, #tpu.memory_space<vmem>>, vector<16xi32>,
      tpu.vector_store %arg13[%parallel_loop3A_270], %parallel_loop3A_264 {strides = array<i32>} : memref<16384xi32, #tpu.memory_space<vmem>>, vector<16xi32>,
      %parallel_loop3A_272 = arith.constant dense<true> : vector<16xi1>
      %parallel_loop3A_273, %parallel_loop3A_274, %parallel_loop3A_275 = tpu.sort %parallel_loop3A_259, %parallel_loop3A_259 masked %parallel_loop3A_272 : (vector<16xi32>, vector<16xi32>, vector<16xi1>) -> (vector<16xi1>, vector<16xi32>, vector<16xi32>)
      %parallel_loop3A_276 = arith.constant 64 : i32
      %parallel_loop3A_277 = arith.muli %parallel_loop3A_75, %parallel_loop3A_276 : i32
      %parallel_loop3A_278 = arith.constant 16 : i32
      %parallel_loop3A_279 = arith.addi %parallel_loop3A_277, %parallel_loop3A_278 : i32
      %parallel_loop3A_280 = arith.index_cast %parallel_loop3A_279 : i32 to index
      %parallel_loop3A_281 = tpu.vector_load %arg13[%parallel_loop3A_280] {strides = array<i32>} : memref<16384xi32, #tpu.memory_space<vmem>>, vector<16xi32>,
      tpu.vector_store %arg13[%parallel_loop3A_280], %parallel_loop3A_274 {strides = array<i32>} : memref<16384xi32, #tpu.memory_space<vmem>>, vector<16xi32>,
      %parallel_loop3A_282 = arith.constant dense<true> : vector<16xi1>
      %parallel_loop3A_283, %parallel_loop3A_284, %parallel_loop3A_285 = tpu.sort %parallel_loop3A_260, %parallel_loop3A_260 masked %parallel_loop3A_282 : (vector<16xi32>, vector<16xi32>, vector<16xi1>) -> (vector<16xi1>, vector<16xi32>, vector<16xi32>)
      %parallel_loop3A_286 = arith.constant 64 : i32
      %parallel_loop3A_287 = arith.muli %parallel_loop3A_75, %parallel_loop3A_286 : i32
      %parallel_loop3A_288 = arith.constant 32 : i32
      %parallel_loop3A_289 = arith.addi %parallel_loop3A_287, %parallel_loop3A_288 : i32
      %parallel_loop3A_290 = arith.index_cast %parallel_loop3A_289 : i32 to index
      %parallel_loop3A_291 = tpu.vector_load %arg13[%parallel_loop3A_290] {strides = array<i32>} : memref<16384xi32, #tpu.memory_space<vmem>>, vector<16xi32>,
      tpu.vector_store %arg13[%parallel_loop3A_290], %parallel_loop3A_284 {strides = array<i32>} : memref<16384xi32, #tpu.memory_space<vmem>>, vector<16xi32>,
      %parallel_loop3A_292 = arith.constant dense<true> : vector<16xi1>
      %parallel_loop3A_293, %parallel_loop3A_294, %parallel_loop3A_295 = tpu.sort %parallel_loop3A_261, %parallel_loop3A_261 masked %parallel_loop3A_292 : (vector<16xi32>, vector<16xi32>, vector<16xi1>) -> (vector<16xi1>, vector<16xi32>, vector<16xi32>)
      %parallel_loop3A_296 = arith.constant 64 : i32
      %parallel_loop3A_297 = arith.muli %parallel_loop3A_75, %parallel_loop3A_296 : i32
      %parallel_loop3A_298 = arith.constant 48 : i32
      %parallel_loop3A_299 = arith.addi %parallel_loop3A_297, %parallel_loop3A_298 : i32
      %parallel_loop3A_300 = arith.index_cast %parallel_loop3A_299 : i32 to index
      %parallel_loop3A_301 = tpu.vector_load %arg13[%parallel_loop3A_300] {strides = array<i32>} : memref<16384xi32, #tpu.memory_space<vmem>>, vector<16xi32>,
      tpu.vector_store %arg13[%parallel_loop3A_300], %parallel_loop3A_294 {strides = array<i32>} : memref<16384xi32, #tpu.memory_space<vmem>>, vector<16xi32>,
    } {sc.loop_unroll_factor = 2 : i64, sc.parallel_access}
    %mul3A_54 = arith.constant 64 : i32
    %mul3A_55 = arith.muli %mul3A_18, %mul3A_54 : i32
    %dma_start3A_56 = arith.constant 0 : i32
    %dma_start3A_57 = tpu.memref_slice %arg13[%dma_start3A_56] : memref<16384xi32, #tpu.memory_space<vmem>> -> memref<8192xi32, #tpu.memory_space<vmem>>
    %dma_start3A_58 = tpu.memref_slice %arg6[%mul3A_55] : memref<524288xi32, #tpu.memory_space<hbm>> -> memref<8192xi32, #tpu.memory_space<hbm>>
    %dma_start3A_59 = tpu.memref_slice %arg6[%mul3A_55] : memref<524288xi32, #tpu.memory_space<hbm>> -> memref<8192xi32, #tpu.memory_space<hbm>>
    %dma_start3A_60 = arith.constant 0 : i32
    %dma_start3A_61 = tpu.memref_slice %arg13[%dma_start3A_60] : memref<16384xi32, #tpu.memory_space<vmem>> -> memref<8192xi32, #tpu.memory_space<vmem>>
    tpu.enqueue_dma source(%dma_start3A_61 : memref<8192xi32, #tpu.memory_space<vmem>>) target(%dma_start3A_59 : memref<8192xi32, #tpu.memory_space<hbm>>) target_semaphore(%arg14 : memref<!tpu.dma_semaphore, #tpu.memory_space<semaphore_mem>>)
    %parallel_loop3A_62 = arith.constant 128 : i32
    %parallel_loop3A_63 = arith.constant 256 : i32
    %parallel_loop3A_64 = arith.constant 1 : i32
    scf.for %parallel_loop3A_75 = %parallel_loop3A_62 to %parallel_loop3A_63 step %parallel_loop3A_64  : i32 {
      %parallel_loop3A_76 = arith.constant 0 : i32
      %parallel_loop3A_77 = vector.broadcast %parallel_loop3A_76 : i32 to vector<16xi32>
      %parallel_loop3A_78 = vector.broadcast %parallel_loop3A_75 : i32 to vector<16xi32>
      %parallel_loop3A_79 = arith.addi %parallel_loop3A_77, %parallel_loop3A_78 : vector<16xi32>
      %parallel_loop3A_80 = tpu.vector_load_idx %arg11[%parallel_loop3A_79] : memref<256xi32, #tpu.memory_space<vmem>>[vector<16xi32>], vector<16xi32>,
      %parallel_loop3A_81 = arith.constant 127 : i32
      %parallel_loop3A_82 = vector.broadcast %parallel_loop3A_81 : i32 to vector<16xi32>
      %parallel_loop3A_83 = arith.andi %parallel_loop3A_80, %parallel_loop3A_82 : vector<16xi32>
      %parallel_loop3A_84 = arith.constant 7 : i32
      %parallel_loop3A_85 = vector.broadcast %parallel_loop3A_84 : i32 to vector<16xi32>
      %parallel_loop3A_86 = arith.shrsi %parallel_loop3A_80, %parallel_loop3A_85 : vector<16xi32>
      %parallel_loop3A_87 = arith.constant 0 : i32
      %parallel_loop3A_88 = vector.broadcast %parallel_loop3A_87 : i32 to vector<16xi32>
      %parallel_loop3A_89 = arith.addi %iota3A, %parallel_loop3A_88 : vector<16xi32>
      %parallel_loop3A_90 = arith.constant 64 : i32
      %parallel_loop3A_91 = vector.broadcast %parallel_loop3A_90 : i32 to vector<16xi32>
      %parallel_loop3A_92 = arith.subi %parallel_loop3A_89, %parallel_loop3A_91 : vector<16xi32>
      %parallel_loop3A_93 = arith.addi %parallel_loop3A_86, %parallel_loop3A_92 : vector<16xi32>
      %parallel_loop3A_94 = arith.cmpi sge, %parallel_loop3A_89, %parallel_loop3A_83 : vector<16xi32>
      %parallel_loop3A_95 = arith.constant 0 : i32
      %parallel_loop3A_96 = arith.constant 4095 : i32
      %parallel_loop3A_97 = vector.broadcast %parallel_loop3A_95 : i32 to vector<16xi32>
      %parallel_loop3A_98 = arith.maxsi %parallel_loop3A_97, %parallel_loop3A_93 : vector<16xi32>
      %parallel_loop3A_99 = vector.broadcast %parallel_loop3A_96 : i32 to vector<16xi32>
      %parallel_loop3A_100 = arith.minsi %parallel_loop3A_99, %parallel_loop3A_98 : vector<16xi32>
      %parallel_loop3A_101 = tpu.vector_load_idx %arg9[%parallel_loop3A_100] : memref<4096xi32, #tpu.memory_space<vmem>>[vector<16xi32>], vector<16xi32>,
      %parallel_loop3A_102 = arith.constant -1 : i32
      %parallel_loop3A_103 = vector.broadcast %parallel_loop3A_102 : i32 to vector<16xi32>
      %parallel_loop3A_104 = arith.select %parallel_loop3A_94, %parallel_loop3A_101, %parallel_loop3A_103 : vector<16xi1>, vector<16xi32>
      %parallel_loop3A_105 = arith.constant 16 : i32
      %parallel_loop3A_106 = vector.broadcast %parallel_loop3A_105 : i32 to vector<16xi32>
      %parallel_loop3A_107 = arith.addi %iota3A, %parallel_loop3A_106 : vector<16xi32>
      %parallel_loop3A_108 = arith.constant 64 : i32
      %parallel_loop3A_109 = vector.broadcast %parallel_loop3A_108 : i32 to vector<16xi32>
      %parallel_loop3A_110 = arith.subi %parallel_loop3A_107, %parallel_loop3A_109 : vector<16xi32>
      %parallel_loop3A_111 = arith.addi %parallel_loop3A_86, %parallel_loop3A_110 : vector<16xi32>
      %parallel_loop3A_112 = arith.cmpi sge, %parallel_loop3A_107, %parallel_loop3A_83 : vector<16xi32>
      %parallel_loop3A_113 = arith.constant 0 : i32
      %parallel_loop3A_114 = arith.constant 4095 : i32
      %parallel_loop3A_115 = vector.broadcast %parallel_loop3A_113 : i32 to vector<16xi32>
      %parallel_loop3A_116 = arith.maxsi %parallel_loop3A_115, %parallel_loop3A_111 : vector<16xi32>
      %parallel_loop3A_117 = vector.broadcast %parallel_loop3A_114 : i32 to vector<16xi32>
      %parallel_loop3A_118 = arith.minsi %parallel_loop3A_117, %parallel_loop3A_116 : vector<16xi32>
      %parallel_loop3A_119 = tpu.vector_load_idx %arg9[%parallel_loop3A_118] : memref<4096xi32, #tpu.memory_space<vmem>>[vector<16xi32>], vector<16xi32>,
      %parallel_loop3A_120 = arith.constant -1 : i32
      %parallel_loop3A_121 = vector.broadcast %parallel_loop3A_120 : i32 to vector<16xi32>
      %parallel_loop3A_122 = arith.select %parallel_loop3A_112, %parallel_loop3A_119, %parallel_loop3A_121 : vector<16xi1>, vector<16xi32>
      %parallel_loop3A_123 = arith.constant 32 : i32
      %parallel_loop3A_124 = vector.broadcast %parallel_loop3A_123 : i32 to vector<16xi32>
      %parallel_loop3A_125 = arith.addi %iota3A, %parallel_loop3A_124 : vector<16xi32>
      %parallel_loop3A_126 = arith.constant 64 : i32
      %parallel_loop3A_127 = vector.broadcast %parallel_loop3A_126 : i32 to vector<16xi32>
      %parallel_loop3A_128 = arith.subi %parallel_loop3A_125, %parallel_loop3A_127 : vector<16xi32>
      %parallel_loop3A_129 = arith.addi %parallel_loop3A_86, %parallel_loop3A_128 : vector<16xi32>
      %parallel_loop3A_130 = arith.cmpi sge, %parallel_loop3A_125, %parallel_loop3A_83 : vector<16xi32>
      %parallel_loop3A_131 = arith.constant 0 : i32
      %parallel_loop3A_132 = arith.constant 4095 : i32
      %parallel_loop3A_133 = vector.broadcast %parallel_loop3A_131 : i32 to vector<16xi32>
      %parallel_loop3A_134 = arith.maxsi %parallel_loop3A_133, %parallel_loop3A_129 : vector<16xi32>
      %parallel_loop3A_135 = vector.broadcast %parallel_loop3A_132 : i32 to vector<16xi32>
      %parallel_loop3A_136 = arith.minsi %parallel_loop3A_135, %parallel_loop3A_134 : vector<16xi32>
      %parallel_loop3A_137 = tpu.vector_load_idx %arg9[%parallel_loop3A_136] : memref<4096xi32, #tpu.memory_space<vmem>>[vector<16xi32>], vector<16xi32>,
      %parallel_loop3A_138 = arith.constant -1 : i32
      %parallel_loop3A_139 = vector.broadcast %parallel_loop3A_138 : i32 to vector<16xi32>
      %parallel_loop3A_140 = arith.select %parallel_loop3A_130, %parallel_loop3A_137, %parallel_loop3A_139 : vector<16xi1>, vector<16xi32>
      %parallel_loop3A_141 = arith.constant 48 : i32
      %parallel_loop3A_142 = vector.broadcast %parallel_loop3A_141 : i32 to vector<16xi32>
      %parallel_loop3A_143 = arith.addi %iota3A, %parallel_loop3A_142 : vector<16xi32>
      %parallel_loop3A_144 = arith.constant 64 : i32
      %parallel_loop3A_145 = vector.broadcast %parallel_loop3A_144 : i32 to vector<16xi32>
      %parallel_loop3A_146 = arith.subi %parallel_loop3A_143, %parallel_loop3A_145 : vector<16xi32>
      %parallel_loop3A_147 = arith.addi %parallel_loop3A_86, %parallel_loop3A_146 : vector<16xi32>
      %parallel_loop3A_148 = arith.cmpi sge, %parallel_loop3A_143, %parallel_loop3A_83 : vector<16xi32>
      %parallel_loop3A_149 = arith.constant 0 : i32
      %parallel_loop3A_150 = arith.constant 4095 : i32
      %parallel_loop3A_151 = vector.broadcast %parallel_loop3A_149 : i32 to vector<16xi32>
      %parallel_loop3A_152 = arith.maxsi %parallel_loop3A_151, %parallel_loop3A_147 : vector<16xi32>
      %parallel_loop3A_153 = vector.broadcast %parallel_loop3A_150 : i32 to vector<16xi32>
      %parallel_loop3A_154 = arith.minsi %parallel_loop3A_153, %parallel_loop3A_152 : vector<16xi32>
      %parallel_loop3A_155 = tpu.vector_load_idx %arg9[%parallel_loop3A_154] : memref<4096xi32, #tpu.memory_space<vmem>>[vector<16xi32>], vector<16xi32>,
      %parallel_loop3A_156 = arith.constant -1 : i32
      %parallel_loop3A_157 = vector.broadcast %parallel_loop3A_156 : i32 to vector<16xi32>
      %parallel_loop3A_158 = arith.select %parallel_loop3A_148, %parallel_loop3A_155, %parallel_loop3A_157 : vector<16xi1>, vector<16xi32>
      %parallel_loop3A_159 = tpu.vector_load_idx %arg12[%parallel_loop3A_79] : memref<256xi32, #tpu.memory_space<vmem>>[vector<16xi32>], vector<16xi32>,
      %parallel_loop3A_160 = arith.constant 127 : i32
      %parallel_loop3A_161 = vector.broadcast %parallel_loop3A_160 : i32 to vector<16xi32>
      %parallel_loop3A_162 = arith.andi %parallel_loop3A_159, %parallel_loop3A_161 : vector<16xi32>
      %parallel_loop3A_163 = arith.constant 7 : i32
      %parallel_loop3A_164 = vector.broadcast %parallel_loop3A_163 : i32 to vector<16xi32>
      %parallel_loop3A_165 = arith.shrsi %parallel_loop3A_159, %parallel_loop3A_164 : vector<16xi32>
      %parallel_loop3A_166 = arith.constant 0 : i32
      %parallel_loop3A_167 = vector.broadcast %parallel_loop3A_166 : i32 to vector<16xi32>
      %parallel_loop3A_168 = arith.addi %iota3A, %parallel_loop3A_167 : vector<16xi32>
      %parallel_loop3A_169 = arith.constant 1 : i32
      %parallel_loop3A_170 = vector.broadcast %parallel_loop3A_169 : i32 to vector<16xi32>
      %parallel_loop3A_171 = arith.subi %parallel_loop3A_165, %parallel_loop3A_170 : vector<16xi32>
      %parallel_loop3A_172 = arith.subi %parallel_loop3A_171, %parallel_loop3A_168 : vector<16xi32>
      %parallel_loop3A_173 = arith.constant 63 : i32
      %parallel_loop3A_174 = vector.broadcast %parallel_loop3A_173 : i32 to vector<16xi32>
      %parallel_loop3A_175 = arith.subi %parallel_loop3A_174, %parallel_loop3A_168 : vector<16xi32>
      %parallel_loop3A_176 = arith.cmpi sge, %parallel_loop3A_175, %parallel_loop3A_162 : vector<16xi32>
      %parallel_loop3A_177 = arith.constant 0 : i32
      %parallel_loop3A_178 = arith.constant 4095 : i32
      %parallel_loop3A_179 = vector.broadcast %parallel_loop3A_177 : i32 to vector<16xi32>
      %parallel_loop3A_180 = arith.maxsi %parallel_loop3A_179, %parallel_loop3A_172 : vector<16xi32>
      %parallel_loop3A_181 = vector.broadcast %parallel_loop3A_178 : i32 to vector<16xi32>
      %parallel_loop3A_182 = arith.minsi %parallel_loop3A_181, %parallel_loop3A_180 : vector<16xi32>
      %parallel_loop3A_183 = tpu.vector_load_idx %arg10[%parallel_loop3A_182] : memref<4096xi32, #tpu.memory_space<vmem>>[vector<16xi32>], vector<16xi32>,
      %parallel_loop3A_184 = arith.constant -1 : i32
      %parallel_loop3A_185 = vector.broadcast %parallel_loop3A_184 : i32 to vector<16xi32>
      %parallel_loop3A_186 = arith.select %parallel_loop3A_176, %parallel_loop3A_183, %parallel_loop3A_185 : vector<16xi1>, vector<16xi32>
      %parallel_loop3A_187 = arith.constant 16 : i32
      %parallel_loop3A_188 = vector.broadcast %parallel_loop3A_187 : i32 to vector<16xi32>
      %parallel_loop3A_189 = arith.addi %iota3A, %parallel_loop3A_188 : vector<16xi32>
      %parallel_loop3A_190 = arith.constant 1 : i32
      %parallel_loop3A_191 = vector.broadcast %parallel_loop3A_190 : i32 to vector<16xi32>
      %parallel_loop3A_192 = arith.subi %parallel_loop3A_165, %parallel_loop3A_191 : vector<16xi32>
      %parallel_loop3A_193 = arith.subi %parallel_loop3A_192, %parallel_loop3A_189 : vector<16xi32>
      %parallel_loop3A_194 = arith.constant 63 : i32
      %parallel_loop3A_195 = vector.broadcast %parallel_loop3A_194 : i32 to vector<16xi32>
      %parallel_loop3A_196 = arith.subi %parallel_loop3A_195, %parallel_loop3A_189 : vector<16xi32>
      %parallel_loop3A_197 = arith.cmpi sge, %parallel_loop3A_196, %parallel_loop3A_162 : vector<16xi32>
      %parallel_loop3A_198 = arith.constant 0 : i32
      %parallel_loop3A_199 = arith.constant 4095 : i32
      %parallel_loop3A_200 = vector.broadcast %parallel_loop3A_198 : i32 to vector<16xi32>
      %parallel_loop3A_201 = arith.maxsi %parallel_loop3A_200, %parallel_loop3A_193 : vector<16xi32>
      %parallel_loop3A_202 = vector.broadcast %parallel_loop3A_199 : i32 to vector<16xi32>
      %parallel_loop3A_203 = arith.minsi %parallel_loop3A_202, %parallel_loop3A_201 : vector<16xi32>
      %parallel_loop3A_204 = tpu.vector_load_idx %arg10[%parallel_loop3A_203] : memref<4096xi32, #tpu.memory_space<vmem>>[vector<16xi32>], vector<16xi32>,
      %parallel_loop3A_205 = arith.constant -1 : i32
      %parallel_loop3A_206 = vector.broadcast %parallel_loop3A_205 : i32 to vector<16xi32>
      %parallel_loop3A_207 = arith.select %parallel_loop3A_197, %parallel_loop3A_204, %parallel_loop3A_206 : vector<16xi1>, vector<16xi32>
      %parallel_loop3A_208 = arith.constant 32 : i32
      %parallel_loop3A_209 = vector.broadcast %parallel_loop3A_208 : i32 to vector<16xi32>
      %parallel_loop3A_210 = arith.addi %iota3A, %parallel_loop3A_209 : vector<16xi32>
      %parallel_loop3A_211 = arith.constant 1 : i32
      %parallel_loop3A_212 = vector.broadcast %parallel_loop3A_211 : i32 to vector<16xi32>
      %parallel_loop3A_213 = arith.subi %parallel_loop3A_165, %parallel_loop3A_212 : vector<16xi32>
      %parallel_loop3A_214 = arith.subi %parallel_loop3A_213, %parallel_loop3A_210 : vector<16xi32>
      %parallel_loop3A_215 = arith.constant 63 : i32
      %parallel_loop3A_216 = vector.broadcast %parallel_loop3A_215 : i32 to vector<16xi32>
      %parallel_loop3A_217 = arith.subi %parallel_loop3A_216, %parallel_loop3A_210 : vector<16xi32>
      %parallel_loop3A_218 = arith.cmpi sge, %parallel_loop3A_217, %parallel_loop3A_162 : vector<16xi32>
      %parallel_loop3A_219 = arith.constant 0 : i32
      %parallel_loop3A_220 = arith.constant 4095 : i32
      %parallel_loop3A_221 = vector.broadcast %parallel_loop3A_219 : i32 to vector<16xi32>
      %parallel_loop3A_222 = arith.maxsi %parallel_loop3A_221, %parallel_loop3A_214 : vector<16xi32>
      %parallel_loop3A_223 = vector.broadcast %parallel_loop3A_220 : i32 to vector<16xi32>
      %parallel_loop3A_224 = arith.minsi %parallel_loop3A_223, %parallel_loop3A_222 : vector<16xi32>
      %parallel_loop3A_225 = tpu.vector_load_idx %arg10[%parallel_loop3A_224] : memref<4096xi32, #tpu.memory_space<vmem>>[vector<16xi32>], vector<16xi32>,
      %parallel_loop3A_226 = arith.constant -1 : i32
      %parallel_loop3A_227 = vector.broadcast %parallel_loop3A_226 : i32 to vector<16xi32>
      %parallel_loop3A_228 = arith.select %parallel_loop3A_218, %parallel_loop3A_225, %parallel_loop3A_227 : vector<16xi1>, vector<16xi32>
      %parallel_loop3A_229 = arith.constant 48 : i32
      %parallel_loop3A_230 = vector.broadcast %parallel_loop3A_229 : i32 to vector<16xi32>
      %parallel_loop3A_231 = arith.addi %iota3A, %parallel_loop3A_230 : vector<16xi32>
      %parallel_loop3A_232 = arith.constant 1 : i32
      %parallel_loop3A_233 = vector.broadcast %parallel_loop3A_232 : i32 to vector<16xi32>
      %parallel_loop3A_234 = arith.subi %parallel_loop3A_165, %parallel_loop3A_233 : vector<16xi32>
      %parallel_loop3A_235 = arith.subi %parallel_loop3A_234, %parallel_loop3A_231 : vector<16xi32>
      %parallel_loop3A_236 = arith.constant 63 : i32
      %parallel_loop3A_237 = vector.broadcast %parallel_loop3A_236 : i32 to vector<16xi32>
      %parallel_loop3A_238 = arith.subi %parallel_loop3A_237, %parallel_loop3A_231 : vector<16xi32>
      %parallel_loop3A_239 = arith.cmpi sge, %parallel_loop3A_238, %parallel_loop3A_162 : vector<16xi32>
      %parallel_loop3A_240 = arith.constant 0 : i32
      %parallel_loop3A_241 = arith.constant 4095 : i32
      %parallel_loop3A_242 = vector.broadcast %parallel_loop3A_240 : i32 to vector<16xi32>
      %parallel_loop3A_243 = arith.maxsi %parallel_loop3A_242, %parallel_loop3A_235 : vector<16xi32>
      %parallel_loop3A_244 = vector.broadcast %parallel_loop3A_241 : i32 to vector<16xi32>
      %parallel_loop3A_245 = arith.minsi %parallel_loop3A_244, %parallel_loop3A_243 : vector<16xi32>
      %parallel_loop3A_246 = tpu.vector_load_idx %arg10[%parallel_loop3A_245] : memref<4096xi32, #tpu.memory_space<vmem>>[vector<16xi32>], vector<16xi32>,
      %parallel_loop3A_247 = arith.constant -1 : i32
      %parallel_loop3A_248 = vector.broadcast %parallel_loop3A_247 : i32 to vector<16xi32>
      %parallel_loop3A_249 = arith.select %parallel_loop3A_239, %parallel_loop3A_246, %parallel_loop3A_248 : vector<16xi1>, vector<16xi32>
      %parallel_loop3A_250 = arith.minsi %parallel_loop3A_104, %parallel_loop3A_186 : vector<16xi32>
      %parallel_loop3A_251 = arith.minsi %parallel_loop3A_122, %parallel_loop3A_207 : vector<16xi32>
      %parallel_loop3A_252 = arith.minsi %parallel_loop3A_140, %parallel_loop3A_228 : vector<16xi32>
      %parallel_loop3A_253 = arith.minsi %parallel_loop3A_158, %parallel_loop3A_249 : vector<16xi32>
      %parallel_loop3A_254 = arith.minsi %parallel_loop3A_250, %parallel_loop3A_252 : vector<16xi32>
      %parallel_loop3A_255 = arith.maxsi %parallel_loop3A_250, %parallel_loop3A_252 : vector<16xi32>
      %parallel_loop3A_256 = arith.minsi %parallel_loop3A_251, %parallel_loop3A_253 : vector<16xi32>
      %parallel_loop3A_257 = arith.maxsi %parallel_loop3A_251, %parallel_loop3A_253 : vector<16xi32>
      %parallel_loop3A_258 = arith.minsi %parallel_loop3A_254, %parallel_loop3A_256 : vector<16xi32>
      %parallel_loop3A_259 = arith.maxsi %parallel_loop3A_254, %parallel_loop3A_256 : vector<16xi32>
      %parallel_loop3A_260 = arith.minsi %parallel_loop3A_255, %parallel_loop3A_257 : vector<16xi32>
      %parallel_loop3A_261 = arith.maxsi %parallel_loop3A_255, %parallel_loop3A_257 : vector<16xi32>
      %parallel_loop3A_262 = arith.constant dense<true> : vector<16xi1>
      %parallel_loop3A_263, %parallel_loop3A_264, %parallel_loop3A_265 = tpu.sort %parallel_loop3A_258, %parallel_loop3A_258 masked %parallel_loop3A_262 : (vector<16xi32>, vector<16xi32>, vector<16xi1>) -> (vector<16xi1>, vector<16xi32>, vector<16xi32>)
      %parallel_loop3A_266 = arith.constant 64 : i32
      %parallel_loop3A_267 = arith.muli %parallel_loop3A_75, %parallel_loop3A_266 : i32
      %parallel_loop3A_268 = arith.constant 0 : i32
      %parallel_loop3A_269 = arith.addi %parallel_loop3A_267, %parallel_loop3A_268 : i32
      %parallel_loop3A_270 = arith.index_cast %parallel_loop3A_269 : i32 to index
      %parallel_loop3A_271 = tpu.vector_load %arg13[%parallel_loop3A_270] {strides = array<i32>} : memref<16384xi32, #tpu.memory_space<vmem>>, vector<16xi32>,
      tpu.vector_store %arg13[%parallel_loop3A_270], %parallel_loop3A_264 {strides = array<i32>} : memref<16384xi32, #tpu.memory_space<vmem>>, vector<16xi32>,
      %parallel_loop3A_272 = arith.constant dense<true> : vector<16xi1>
      %parallel_loop3A_273, %parallel_loop3A_274, %parallel_loop3A_275 = tpu.sort %parallel_loop3A_259, %parallel_loop3A_259 masked %parallel_loop3A_272 : (vector<16xi32>, vector<16xi32>, vector<16xi1>) -> (vector<16xi1>, vector<16xi32>, vector<16xi32>)
      %parallel_loop3A_276 = arith.constant 64 : i32
      %parallel_loop3A_277 = arith.muli %parallel_loop3A_75, %parallel_loop3A_276 : i32
      %parallel_loop3A_278 = arith.constant 16 : i32
      %parallel_loop3A_279 = arith.addi %parallel_loop3A_277, %parallel_loop3A_278 : i32
      %parallel_loop3A_280 = arith.index_cast %parallel_loop3A_279 : i32 to index
      %parallel_loop3A_281 = tpu.vector_load %arg13[%parallel_loop3A_280] {strides = array<i32>} : memref<16384xi32, #tpu.memory_space<vmem>>, vector<16xi32>,
      tpu.vector_store %arg13[%parallel_loop3A_280], %parallel_loop3A_274 {strides = array<i32>} : memref<16384xi32, #tpu.memory_space<vmem>>, vector<16xi32>,
      %parallel_loop3A_282 = arith.constant dense<true> : vector<16xi1>
      %parallel_loop3A_283, %parallel_loop3A_284, %parallel_loop3A_285 = tpu.sort %parallel_loop3A_260, %parallel_loop3A_260 masked %parallel_loop3A_282 : (vector<16xi32>, vector<16xi32>, vector<16xi1>) -> (vector<16xi1>, vector<16xi32>, vector<16xi32>)
      %parallel_loop3A_286 = arith.constant 64 : i32
      %parallel_loop3A_287 = arith.muli %parallel_loop3A_75, %parallel_loop3A_286 : i32
      %parallel_loop3A_288 = arith.constant 32 : i32
      %parallel_loop3A_289 = arith.addi %parallel_loop3A_287, %parallel_loop3A_288 : i32
      %parallel_loop3A_290 = arith.index_cast %parallel_loop3A_289 : i32 to index
      %parallel_loop3A_291 = tpu.vector_load %arg13[%parallel_loop3A_290] {strides = array<i32>} : memref<16384xi32, #tpu.memory_space<vmem>>, vector<16xi32>,
      tpu.vector_store %arg13[%parallel_loop3A_290], %parallel_loop3A_284 {strides = array<i32>} : memref<16384xi32, #tpu.memory_space<vmem>>, vector<16xi32>,
      %parallel_loop3A_292 = arith.constant dense<true> : vector<16xi1>
      %parallel_loop3A_293, %parallel_loop3A_294, %parallel_loop3A_295 = tpu.sort %parallel_loop3A_261, %parallel_loop3A_261 masked %parallel_loop3A_292 : (vector<16xi32>, vector<16xi32>, vector<16xi1>) -> (vector<16xi1>, vector<16xi32>, vector<16xi32>)
      %parallel_loop3A_296 = arith.constant 64 : i32
      %parallel_loop3A_297 = arith.muli %parallel_loop3A_75, %parallel_loop3A_296 : i32
      %parallel_loop3A_298 = arith.constant 48 : i32
      %parallel_loop3A_299 = arith.addi %parallel_loop3A_297, %parallel_loop3A_298 : i32
      %parallel_loop3A_300 = arith.index_cast %parallel_loop3A_299 : i32 to index
      %parallel_loop3A_301 = tpu.vector_load %arg13[%parallel_loop3A_300] {strides = array<i32>} : memref<16384xi32, #tpu.memory_space<vmem>>, vector<16xi32>,
      tpu.vector_store %arg13[%parallel_loop3A_300], %parallel_loop3A_294 {strides = array<i32>} : memref<16384xi32, #tpu.memory_space<vmem>>, vector<16xi32>,
    } {sc.loop_unroll_factor = 2 : i64, sc.parallel_access}
    %mul3A_65 = arith.constant 64 : i32
    %mul3A_66 = arith.muli %mul3A_18, %mul3A_65 : i32
    %add3A_67 = arith.constant 8192 : i32
    %add3A_68 = arith.addi %mul3A_66, %add3A_67 : i32
    "tpu.region"() ({
      %run_scoped3A = tpu.sem_alloc : memref<!tpu.dma_semaphore, #tpu.memory_space<semaphore_mem>>
      %dma_start3A_75 = arith.constant 8192 : i32
      %dma_start3A_76 = tpu.memref_slice %arg13[%dma_start3A_75] : memref<16384xi32, #tpu.memory_space<vmem>> -> memref<8192xi32, #tpu.memory_space<vmem>>
      %dma_start3A_77 = tpu.memref_slice %arg6[%add3A_68] : memref<524288xi32, #tpu.memory_space<hbm>> -> memref<8192xi32, #tpu.memory_space<hbm>>
      %dma_start3A_78 = tpu.memref_slice %arg6[%add3A_68] : memref<524288xi32, #tpu.memory_space<hbm>> -> memref<8192xi32, #tpu.memory_space<hbm>>
      %dma_start3A_79 = arith.constant 8192 : i32
      %dma_start3A_80 = tpu.memref_slice %arg13[%dma_start3A_79] : memref<16384xi32, #tpu.memory_space<vmem>> -> memref<8192xi32, #tpu.memory_space<vmem>>
      tpu.enqueue_dma source(%dma_start3A_80 : memref<8192xi32, #tpu.memory_space<vmem>>) target(%dma_start3A_78 : memref<8192xi32, #tpu.memory_space<hbm>>) target_semaphore(%run_scoped3A : memref<!tpu.dma_semaphore, #tpu.memory_space<semaphore_mem>>)
      %dma_wait3A_81 = arith.constant 8192 : i32
      %dma_wait3A_82 = tpu.memref_slice %arg13[%dma_wait3A_81] : memref<16384xi32, #tpu.memory_space<vmem>> -> memref<8192xi32, #tpu.memory_space<vmem>>
      %dma_wait3A_83 = tpu.memref_slice %arg6[%add3A_68] : memref<524288xi32, #tpu.memory_space<hbm>> -> memref<8192xi32, #tpu.memory_space<hbm>>
      %dma_wait3A_84 = tpu.memref_slice %arg6[%add3A_68] : memref<524288xi32, #tpu.memory_space<hbm>> -> memref<8192xi32, #tpu.memory_space<hbm>>
      %dma_wait3A_85 = arith.constant 8192 : i32
      %dma_wait3A_86 = tpu.memref_slice %arg13[%dma_wait3A_85] : memref<16384xi32, #tpu.memory_space<vmem>> -> memref<8192xi32, #tpu.memory_space<vmem>>
      tpu.wait_dma2 semaphore(%run_scoped3A : memref<!tpu.dma_semaphore, #tpu.memory_space<semaphore_mem>>) src(%dma_wait3A_86 : memref<8192xi32, #tpu.memory_space<vmem>>) dst(%dma_wait3A_84 : memref<8192xi32, #tpu.memory_space<hbm>>)
      tpu.yield
    }) : () -> ()
    %dma_wait3A_69 = arith.constant 0 : i32
    %dma_wait3A_70 = tpu.memref_slice %arg13[%dma_wait3A_69] : memref<16384xi32, #tpu.memory_space<vmem>> -> memref<8192xi32, #tpu.memory_space<vmem>>
    %dma_wait3A_71 = tpu.memref_slice %arg6[%mul3A_55] : memref<524288xi32, #tpu.memory_space<hbm>> -> memref<8192xi32, #tpu.memory_space<hbm>>
    %dma_wait3A_72 = tpu.memref_slice %arg6[%mul3A_55] : memref<524288xi32, #tpu.memory_space<hbm>> -> memref<8192xi32, #tpu.memory_space<hbm>>
    %dma_wait3A_73 = arith.constant 0 : i32
    %dma_wait3A_74 = tpu.memref_slice %arg13[%dma_wait3A_73] : memref<16384xi32, #tpu.memory_space<vmem>> -> memref<8192xi32, #tpu.memory_space<vmem>>
    tpu.wait_dma2 semaphore(%arg14 : memref<!tpu.dma_semaphore, #tpu.memory_space<semaphore_mem>>) src(%dma_wait3A_74 : memref<8192xi32, #tpu.memory_space<vmem>>) dst(%dma_wait3A_72 : memref<8192xi32, #tpu.memory_space<hbm>>)
    return
  }
}

module attributes {stable_mosaic.version = 14 : i64} {
  func.func @_prep_body(%arg0: i32, %arg1: i32, %arg2: memref<1x512x32xf32, #tpu.memory_space<vmem>>, %arg3: memref<1x512x32xf32, #tpu.memory_space<vmem>>, %arg4: memref<1x4096x32xf32, #tpu.memory_space<vmem>>, %arg5: memref<512xi32, #tpu.memory_space<vmem>>, %arg6: memref<512xi32, #tpu.memory_space<vmem>>, %arg7: memref<512xi32, #tpu.memory_space<vmem>>, %arg8: memref<512xi32, #tpu.memory_space<vmem>>, %arg9: memref<256x256xbf16, #tpu.memory_space<vmem>>, %arg10: memref<256x256xbf16, #tpu.memory_space<vmem>>, %arg11: memref<256x256xi32, #tpu.memory_space<vmem>>, %arg12: memref<256x1xbf16, #tpu.memory_space<vmem>>, %arg13: memref<256x1xbf16, #tpu.memory_space<vmem>>, %arg14: memref<256x256xi32, #tpu.memory_space<vmem>>, %arg15: memref<256x256xbf16, #tpu.memory_space<vmem>>, %arg16: memref<256x256xbf16, #tpu.memory_space<vmem>>, %arg17: memref<256x256xi32, #tpu.memory_space<vmem>>, %arg18: memref<256x1xbf16, #tpu.memory_space<vmem>>, %arg19: memref<256x1xbf16, #tpu.memory_space<vmem>>, %arg20: memref<256x256xi32, #tpu.memory_space<vmem>>) attributes {dimension_semantics = [#tpu.dimension_semantics<arbitrary>, #tpu.dimension_semantics<arbitrary>], iteration_bounds = array<i64: 2, 8>, scalar_prefetch = 0 : i64, scratch_operands = 12 : i64, tpu.core_type = #tpu.core_type<tc>, window_params = [{transform_indices = @transform_0, window_bounds = array<i64: 1, 512, 32>}, {transform_indices = @transform_1, window_bounds = array<i64: 1, 512, 32>}, {transform_indices = @transform_2, window_bounds = array<i64: 1, 4096, 32>}, {transform_indices = @transform_3, window_bounds = array<i64: 512>}, {transform_indices = @transform_4, window_bounds = array<i64: 512>}, {transform_indices = @transform_5, window_bounds = array<i64: 512>}, {transform_indices = @transform_6, window_bounds = array<i64: 512>}]} {
    %eq3A = arith.constant 0 : i32
    %eq3A_0 = arith.cmpi eq, %arg1, %eq3A : i32
    %convert_element_type3A = arith.extui %eq3A_0 : i1 to i32
    %cond3A = arith.constant 0 : i32
    %cond3A_1 = arith.cmpi ne, %convert_element_type3A, %cond3A : i32
    scf.if %cond3A_1 {
      %get3A_433 = arith.constant 0 : index
      %get3A_434 = arith.constant 0 : index
      %get3A_435 = arith.constant 0 : index
      %get3A_436 = vector.load %arg4[%get3A_433, %get3A_434, %get3A_435] : memref<1x4096x32xf32, #tpu.memory_space<vmem>>, vector<1x4096x32xf32>
      %get3A_437 = vector.shape_cast %get3A_436 : vector<1x4096x32xf32> to vector<4096x32xf32>
      %iota3A_438 = tpu.iota {dimensions = array<i32: 1>} : vector<4096x32xi32>
      %and3A_439 = arith.constant 15 : i32
      %and3A_440 = vector.broadcast %and3A_439 : i32 to vector<4096x32xi32>
      %and3A_441 = arith.andi %iota3A_438, %and3A_440 : vector<4096x32xi32>
      %add3A_442 = arith.constant 127 : i32
      %add3A_443 = vector.broadcast %add3A_442 : i32 to vector<4096x32xi32>
      %add3A_444 = arith.addi %and3A_441, %add3A_443 : vector<4096x32xi32>
      %shift_left3A_445 = arith.constant 23 : i32
      %shift_left3A_446 = vector.broadcast %shift_left3A_445 : i32 to vector<4096x32xi32>
      %shift_left3A_447 = arith.shli %add3A_444, %shift_left3A_446 : vector<4096x32xi32>
      %bitcast_convert_type3A_448 = tpu.bitcast %shift_left3A_447 : vector<4096x32xi32> -> vector<4096x32xf32>
      %gt3A_449 = arith.constant 0.000000e+00 : f32
      %gt3A_450 = vector.broadcast %gt3A_449 : f32 to vector<4096x32xf32>
      %gt3A_451 = arith.cmpf ogt, %get3A_437, %gt3A_450 : vector<4096x32xf32>
      %lt3A_452 = arith.constant 16 : i32
      %lt3A_453 = vector.broadcast %lt3A_452 : i32 to vector<4096x32xi32>
      %lt3A_454 = arith.cmpi slt, %iota3A_438, %lt3A_453 : vector<4096x32xi32>
      %and3A_455 = arith.andi %gt3A_451, %lt3A_454 : vector<4096x32xi1>
      %jit3A_456 = arith.constant 0.000000e+00 : f32
      %broadcast_in_dim3A_457 = vector.broadcast %jit3A_456 : f32 to vector<4096x32xf32>
      %select_n3A_458 = arith.select %and3A_455, %bitcast_convert_type3A_448, %broadcast_in_dim3A_457 : vector<4096x32xi1>, vector<4096x32xf32>
      %reduce_sum3A_459 = arith.constant dense<0.000000e+00> : vector<4096xf32>
      %reduce_sum3A_460 = vector.multi_reduction <add>, %select_n3A_458, %reduce_sum3A_459 [1] : vector<4096x32xf32> to vector<4096xf32>
      %broadcast_in_dim3A_461 = vector.shape_cast %reduce_sum3A_460 : vector<4096xf32> to vector<4096x1xf32>
      %ge3A_462 = arith.constant 16 : i32
      %ge3A_463 = vector.broadcast %ge3A_462 : i32 to vector<4096x32xi32>
      %ge3A_464 = arith.cmpi sge, %iota3A_438, %ge3A_463 : vector<4096x32xi32>
      %and3A_465 = arith.andi %gt3A_451, %ge3A_464 : vector<4096x32xi1>
      %jit3A_466 = arith.constant 0.000000e+00 : f32
      %broadcast_in_dim3A_467 = vector.broadcast %jit3A_466 : f32 to vector<4096x32xf32>
      %select_n3A_468 = arith.select %and3A_465, %bitcast_convert_type3A_448, %broadcast_in_dim3A_467 : vector<4096x32xi1>, vector<4096x32xf32>
      %reduce_sum3A_469 = arith.constant dense<0.000000e+00> : vector<4096xf32>
      %reduce_sum3A_470 = vector.multi_reduction <add>, %select_n3A_468, %reduce_sum3A_469 [1] : vector<4096x32xf32> to vector<4096xf32>
      %broadcast_in_dim3A_471 = vector.shape_cast %reduce_sum3A_470 : vector<4096xf32> to vector<4096x1xf32>
      %convert_element_type3A_472 = arith.fptosi %broadcast_in_dim3A_461 : vector<4096x1xf32> to vector<4096x1xi32>
      %convert_element_type3A_473 = arith.fptosi %broadcast_in_dim3A_471 : vector<4096x1xf32> to vector<4096x1xi32>
      %iota3A_474 = tpu.iota {dimensions = array<i32: 0>} : vector<256x256xi32>
      %iota3A_475 = tpu.iota {dimensions = array<i32: 1>} : vector<256x256xi32>
      %lt3A_476 = arith.cmpi slt, %iota3A_474, %iota3A_475 : vector<256x256xi32>
      %jit3A_477 = arith.constant 1.000000e+00 : f32
      %jit3A_478 = arith.constant 0.000000e+00 : f32
      %broadcast_in_dim3A_479 = vector.broadcast %jit3A_477 : f32 to vector<256x256xf32>
      %broadcast_in_dim3A_480 = vector.broadcast %jit3A_478 : f32 to vector<256x256xf32>
      %select_n3A_481 = arith.select %lt3A_476, %broadcast_in_dim3A_479, %broadcast_in_dim3A_480 : vector<256x256xi1>, vector<256x256xf32>
      %convert_element_type3A_482 = arith.truncf %select_n3A_481 : vector<256x256xf32> to vector<256x256xbf16>
      %lt3A_483 = arith.cmpi slt, %iota3A_475, %iota3A_474 : vector<256x256xi32>
      %jit3A_484 = arith.constant 1.000000e+00 : f32
      %jit3A_485 = arith.constant 0.000000e+00 : f32
      %broadcast_in_dim3A_486 = vector.broadcast %jit3A_484 : f32 to vector<256x256xf32>
      %broadcast_in_dim3A_487 = vector.broadcast %jit3A_485 : f32 to vector<256x256xf32>
      %select_n3A_488 = arith.select %lt3A_483, %broadcast_in_dim3A_486, %broadcast_in_dim3A_487 : vector<256x256xi1>, vector<256x256xf32>
      %shift_right_arithmetic3A_489 = arith.constant 8 : i32
      %shift_right_arithmetic3A_490 = vector.broadcast %shift_right_arithmetic3A_489 : i32 to vector<4096x1xi32>
      %shift_right_arithmetic3A_491 = arith.shrsi %convert_element_type3A_472, %shift_right_arithmetic3A_490 : vector<4096x1xi32>
      %iota3A_492 = tpu.iota {dimensions = array<i32: 1>} : vector<4096x256xi32>
      %eq3A_493 = vector.broadcast %shift_right_arithmetic3A_491 : vector<4096x1xi32> to vector<4096x256xi32>
      %eq3A_494 = arith.cmpi eq, %eq3A_493, %iota3A_492 : vector<4096x256xi32>
      %jit3A_495 = arith.constant 1.000000e+00 : f32
      %jit3A_496 = arith.constant 0.000000e+00 : f32
      %broadcast_in_dim3A_497 = vector.broadcast %jit3A_495 : f32 to vector<4096x256xf32>
      %broadcast_in_dim3A_498 = vector.broadcast %jit3A_496 : f32 to vector<4096x256xf32>
      %select_n3A_499 = arith.select %eq3A_494, %broadcast_in_dim3A_497, %broadcast_in_dim3A_498 : vector<4096x256xi1>, vector<4096x256xf32>
      %convert_element_type3A_500 = arith.truncf %select_n3A_499 : vector<4096x256xf32> to vector<4096x256xbf16>
      %and3A_501 = arith.constant 255 : i32
      %and3A_502 = vector.broadcast %and3A_501 : i32 to vector<4096x1xi32>
      %and3A_503 = arith.andi %convert_element_type3A_472, %and3A_502 : vector<4096x1xi32>
      %iota3A_504 = tpu.iota {dimensions = array<i32: 1>} : vector<4096x256xi32>
      %eq3A_505 = vector.broadcast %and3A_503 : vector<4096x1xi32> to vector<4096x256xi32>
      %eq3A_506 = arith.cmpi eq, %eq3A_505, %iota3A_504 : vector<4096x256xi32>
      %jit3A_507 = arith.constant 1.000000e+00 : f32
      %jit3A_508 = arith.constant 0.000000e+00 : f32
      %broadcast_in_dim3A_509 = vector.broadcast %jit3A_507 : f32 to vector<4096x256xf32>
      %broadcast_in_dim3A_510 = vector.broadcast %jit3A_508 : f32 to vector<4096x256xf32>
      %select_n3A_511 = arith.select %eq3A_506, %broadcast_in_dim3A_509, %broadcast_in_dim3A_510 : vector<4096x256xi1>, vector<4096x256xf32>
      %convert_element_type3A_512 = arith.truncf %select_n3A_511 : vector<4096x256xf32> to vector<4096x256xbf16>
      %dot_general3A_513 = arith.constant dense<0.000000e+00> : vector<256x256xf32>
      %dot_general3A_514 = tpu.matmul %convert_element_type3A_500, %convert_element_type3A_512, %dot_general3A_513 {dimension_numbers = #tpu.dot_dimension_numbers<[0], [0], [1], [1], [0, 1, 1, 1], [], []>, transpose_lhs_hint = false} : vector<4096x256xbf16>, vector<4096x256xbf16>, vector<256x256xf32> -> vector<256x256xf32>
      %round3A_515 = math.roundeven %dot_general3A_514 : vector<256x256xf32>
      %convert_element_type3A_516 = arith.fptosi %round3A_515 : vector<256x256xf32> to vector<256x256xi32>
      %shift_right_arithmetic3A_517 = arith.constant 7 : i32
      %shift_right_arithmetic3A_518 = vector.broadcast %shift_right_arithmetic3A_517 : i32 to vector<256x256xi32>
      %shift_right_arithmetic3A_519 = arith.shrsi %convert_element_type3A_516, %shift_right_arithmetic3A_518 : vector<256x256xi32>
      %convert_element_type3A_520 = arith.sitofp %shift_right_arithmetic3A_519 : vector<256x256xi32> to vector<256x256xbf16>
      %and3A_521 = arith.constant 127 : i32
      %and3A_522 = vector.broadcast %and3A_521 : i32 to vector<256x256xi32>
      %and3A_523 = arith.andi %convert_element_type3A_516, %and3A_522 : vector<256x256xi32>
      %convert_element_type3A_524 = arith.sitofp %and3A_523 : vector<256x256xi32> to vector<256x256xbf16>
      %dot_general3A_525 = arith.constant dense<0.000000e+00> : vector<256x256xf32>
      %dot_general3A_526 = tpu.matmul %convert_element_type3A_520, %convert_element_type3A_482, %dot_general3A_525 {dimension_numbers = #tpu.dot_dimension_numbers<[1], [0], [0], [1], [0, 0, 1, 1], [], []>, transpose_lhs_hint = false} : vector<256x256xbf16>, vector<256x256xbf16>, vector<256x256xf32> -> vector<256x256xf32>
      %mul3A_527 = arith.constant 1.280000e+02 : f32
      %mul3A_528 = vector.broadcast %mul3A_527 : f32 to vector<256x256xf32>
      %mul3A_529 = arith.mulf %dot_general3A_526, %mul3A_528 : vector<256x256xf32>
      %dot_general3A_530 = arith.constant dense<0.000000e+00> : vector<256x256xf32>
      %dot_general3A_531 = tpu.matmul %convert_element_type3A_524, %convert_element_type3A_482, %dot_general3A_530 {dimension_numbers = #tpu.dot_dimension_numbers<[1], [0], [0], [1], [0, 0, 1, 1], [], []>, transpose_lhs_hint = false} : vector<256x256xbf16>, vector<256x256xbf16>, vector<256x256xf32> -> vector<256x256xf32>
      %add3A_532 = arith.addf %mul3A_529, %dot_general3A_531 : vector<256x256xf32>
      %reduce_sum3A_533 = arith.constant dense<0.000000e+00> : vector<256xf32>
      %reduce_sum3A_534 = vector.multi_reduction <add>, %dot_general3A_514, %reduce_sum3A_533 [1] : vector<256x256xf32> to vector<256xf32>
      %broadcast_in_dim3A_535 = vector.shape_cast %reduce_sum3A_534 : vector<256xf32> to vector<256x1xf32>
      %dot_general3A_536 = arith.constant dense<0.000000e+00> : vector<256x1xf32>
      %dot_general3A_537 = tpu.matmul %select_n3A_488, %broadcast_in_dim3A_535, %dot_general3A_536 {dimension_numbers = #tpu.dot_dimension_numbers<[1], [0], [0], [1], [0, 0, 1, 1], [], []>, precision = #tpu.contract_precision<fp32>, transpose_lhs_hint = false} : vector<256x256xf32>, vector<256x1xf32>, vector<256x1xf32> -> vector<256x1xf32>
      %add3A_538 = vector.broadcast %dot_general3A_537 : vector<256x1xf32> to vector<256x256xf32>
      %add3A_539 = arith.addf %add3A_538, %add3A_532 : vector<256x256xf32>
      %round3A_540 = math.roundeven %add3A_539 : vector<256x256xf32>
      %convert_element_type3A_541 = arith.fptosi %round3A_540 : vector<256x256xf32> to vector<256x256xi32>
      %shift_right_arithmetic3A_542 = arith.constant 7 : i32
      %shift_right_arithmetic3A_543 = vector.broadcast %shift_right_arithmetic3A_542 : i32 to vector<256x256xi32>
      %shift_right_arithmetic3A_544 = arith.shrsi %convert_element_type3A_541, %shift_right_arithmetic3A_543 : vector<256x256xi32>
      %convert_element_type3A_545 = arith.sitofp %shift_right_arithmetic3A_544 : vector<256x256xi32> to vector<256x256xbf16>
      %swap3A_546 = arith.constant 0 : index
      %swap3A_547 = arith.constant 0 : index
      %swap3A_548 = vector.load %arg9[%swap3A_546, %swap3A_547] : memref<256x256xbf16, #tpu.memory_space<vmem>>, vector<256x256xbf16>
      tpu.vector_store %arg9[%swap3A_546, %swap3A_547], %convert_element_type3A_545 {strides = array<i32>} : memref<256x256xbf16, #tpu.memory_space<vmem>>, vector<256x256xbf16>,
      %and3A_549 = arith.constant 127 : i32
      %and3A_550 = vector.broadcast %and3A_549 : i32 to vector<256x256xi32>
      %and3A_551 = arith.andi %convert_element_type3A_541, %and3A_550 : vector<256x256xi32>
      %convert_element_type3A_552 = arith.sitofp %and3A_551 : vector<256x256xi32> to vector<256x256xbf16>
      %swap3A_553 = arith.constant 0 : index
      %swap3A_554 = arith.constant 0 : index
      %swap3A_555 = vector.load %arg10[%swap3A_553, %swap3A_554] : memref<256x256xbf16, #tpu.memory_space<vmem>>, vector<256x256xbf16>
      tpu.vector_store %arg10[%swap3A_553, %swap3A_554], %convert_element_type3A_552 {strides = array<i32>} : memref<256x256xbf16, #tpu.memory_space<vmem>>, vector<256x256xbf16>,
      %swap3A_556 = arith.constant 0 : index
      %swap3A_557 = arith.constant 0 : index
      %swap3A_558 = vector.load %arg11[%swap3A_556, %swap3A_557] : memref<256x256xi32, #tpu.memory_space<vmem>>, vector<256x256xi32>
      tpu.vector_store %arg11[%swap3A_556, %swap3A_557], %convert_element_type3A_541 {strides = array<i32>} : memref<256x256xi32, #tpu.memory_space<vmem>>, vector<256x256xi32>,
      %add3A_559 = arith.addf %dot_general3A_537, %broadcast_in_dim3A_535 : vector<256x1xf32>
      %round3A_560 = math.roundeven %add3A_559 : vector<256x1xf32>
      %convert_element_type3A_561 = arith.fptosi %round3A_560 : vector<256x1xf32> to vector<256x1xi32>
      %shift_right_arithmetic3A_562 = arith.constant 7 : i32
      %shift_right_arithmetic3A_563 = vector.broadcast %shift_right_arithmetic3A_562 : i32 to vector<256x1xi32>
      %shift_right_arithmetic3A_564 = arith.shrsi %convert_element_type3A_561, %shift_right_arithmetic3A_563 : vector<256x1xi32>
      %convert_element_type3A_565 = arith.sitofp %shift_right_arithmetic3A_564 : vector<256x1xi32> to vector<256x1xbf16>
      %swap3A_566 = arith.constant 0 : index
      %swap3A_567 = arith.constant 0 : index
      %swap3A_568 = vector.load %arg12[%swap3A_566, %swap3A_567] : memref<256x1xbf16, #tpu.memory_space<vmem>>, vector<256x1xbf16>
      tpu.vector_store %arg12[%swap3A_566, %swap3A_567], %convert_element_type3A_565 {strides = array<i32>} : memref<256x1xbf16, #tpu.memory_space<vmem>>, vector<256x1xbf16>,
      %and3A_569 = arith.constant 127 : i32
      %and3A_570 = vector.broadcast %and3A_569 : i32 to vector<256x1xi32>
      %and3A_571 = arith.andi %convert_element_type3A_561, %and3A_570 : vector<256x1xi32>
      %convert_element_type3A_572 = arith.sitofp %and3A_571 : vector<256x1xi32> to vector<256x1xbf16>
      %swap3A_573 = arith.constant 0 : index
      %swap3A_574 = arith.constant 0 : index
      %swap3A_575 = vector.load %arg13[%swap3A_573, %swap3A_574] : memref<256x1xbf16, #tpu.memory_space<vmem>>, vector<256x1xbf16>
      tpu.vector_store %arg13[%swap3A_573, %swap3A_574], %convert_element_type3A_572 {strides = array<i32>} : memref<256x1xbf16, #tpu.memory_space<vmem>>, vector<256x1xbf16>,
      %broadcast_in_dim3A_576 = arith.constant 0 : i32
      %broadcast_in_dim3A_577 = vector.broadcast %broadcast_in_dim3A_576 : i32 to vector<256x256xi32>
      %swap3A_578 = arith.constant 0 : index
      %swap3A_579 = arith.constant 0 : index
      %swap3A_580 = vector.load %arg14[%swap3A_578, %swap3A_579] : memref<256x256xi32, #tpu.memory_space<vmem>>, vector<256x256xi32>
      tpu.vector_store %arg14[%swap3A_578, %swap3A_579], %broadcast_in_dim3A_577 {strides = array<i32>} : memref<256x256xi32, #tpu.memory_space<vmem>>, vector<256x256xi32>,
      %shift_right_arithmetic3A_581 = arith.constant 8 : i32
      %shift_right_arithmetic3A_582 = vector.broadcast %shift_right_arithmetic3A_581 : i32 to vector<4096x1xi32>
      %shift_right_arithmetic3A_583 = arith.shrsi %convert_element_type3A_473, %shift_right_arithmetic3A_582 : vector<4096x1xi32>
      %iota3A_584 = tpu.iota {dimensions = array<i32: 1>} : vector<4096x256xi32>
      %eq3A_585 = vector.broadcast %shift_right_arithmetic3A_583 : vector<4096x1xi32> to vector<4096x256xi32>
      %eq3A_586 = arith.cmpi eq, %eq3A_585, %iota3A_584 : vector<4096x256xi32>
      %jit3A_587 = arith.constant 1.000000e+00 : f32
      %jit3A_588 = arith.constant 0.000000e+00 : f32
      %broadcast_in_dim3A_589 = vector.broadcast %jit3A_587 : f32 to vector<4096x256xf32>
      %broadcast_in_dim3A_590 = vector.broadcast %jit3A_588 : f32 to vector<4096x256xf32>
      %select_n3A_591 = arith.select %eq3A_586, %broadcast_in_dim3A_589, %broadcast_in_dim3A_590 : vector<4096x256xi1>, vector<4096x256xf32>
      %convert_element_type3A_592 = arith.truncf %select_n3A_591 : vector<4096x256xf32> to vector<4096x256xbf16>
      %and3A_593 = arith.constant 255 : i32
      %and3A_594 = vector.broadcast %and3A_593 : i32 to vector<4096x1xi32>
      %and3A_595 = arith.andi %convert_element_type3A_473, %and3A_594 : vector<4096x1xi32>
      %iota3A_596 = tpu.iota {dimensions = array<i32: 1>} : vector<4096x256xi32>
      %eq3A_597 = vector.broadcast %and3A_595 : vector<4096x1xi32> to vector<4096x256xi32>
      %eq3A_598 = arith.cmpi eq, %eq3A_597, %iota3A_596 : vector<4096x256xi32>
      %jit3A_599 = arith.constant 1.000000e+00 : f32
      %jit3A_600 = arith.constant 0.000000e+00 : f32
      %broadcast_in_dim3A_601 = vector.broadcast %jit3A_599 : f32 to vector<4096x256xf32>
      %broadcast_in_dim3A_602 = vector.broadcast %jit3A_600 : f32 to vector<4096x256xf32>
      %select_n3A_603 = arith.select %eq3A_598, %broadcast_in_dim3A_601, %broadcast_in_dim3A_602 : vector<4096x256xi1>, vector<4096x256xf32>
      %convert_element_type3A_604 = arith.truncf %select_n3A_603 : vector<4096x256xf32> to vector<4096x256xbf16>
      %dot_general3A_605 = arith.constant dense<0.000000e+00> : vector<256x256xf32>
      %dot_general3A_606 = tpu.matmul %convert_element_type3A_592, %convert_element_type3A_604, %dot_general3A_605 {dimension_numbers = #tpu.dot_dimension_numbers<[0], [0], [1], [1], [0, 1, 1, 1], [], []>, transpose_lhs_hint = false} : vector<4096x256xbf16>, vector<4096x256xbf16>, vector<256x256xf32> -> vector<256x256xf32>
      %round3A_607 = math.roundeven %dot_general3A_606 : vector<256x256xf32>
      %convert_element_type3A_608 = arith.fptosi %round3A_607 : vector<256x256xf32> to vector<256x256xi32>
      %shift_right_arithmetic3A_609 = arith.constant 7 : i32
      %shift_right_arithmetic3A_610 = vector.broadcast %shift_right_arithmetic3A_609 : i32 to vector<256x256xi32>
      %shift_right_arithmetic3A_611 = arith.shrsi %convert_element_type3A_608, %shift_right_arithmetic3A_610 : vector<256x256xi32>
      %convert_element_type3A_612 = arith.sitofp %shift_right_arithmetic3A_611 : vector<256x256xi32> to vector<256x256xbf16>
      %and3A_613 = arith.constant 127 : i32
      %and3A_614 = vector.broadcast %and3A_613 : i32 to vector<256x256xi32>
      %and3A_615 = arith.andi %convert_element_type3A_608, %and3A_614 : vector<256x256xi32>
      %convert_element_type3A_616 = arith.sitofp %and3A_615 : vector<256x256xi32> to vector<256x256xbf16>
      %dot_general3A_617 = arith.constant dense<0.000000e+00> : vector<256x256xf32>
      %dot_general3A_618 = tpu.matmul %convert_element_type3A_612, %convert_element_type3A_482, %dot_general3A_617 {dimension_numbers = #tpu.dot_dimension_numbers<[1], [0], [0], [1], [0, 0, 1, 1], [], []>, transpose_lhs_hint = false} : vector<256x256xbf16>, vector<256x256xbf16>, vector<256x256xf32> -> vector<256x256xf32>
      %mul3A_619 = arith.constant 1.280000e+02 : f32
      %mul3A_620 = vector.broadcast %mul3A_619 : f32 to vector<256x256xf32>
      %mul3A_621 = arith.mulf %dot_general3A_618, %mul3A_620 : vector<256x256xf32>
      %dot_general3A_622 = arith.constant dense<0.000000e+00> : vector<256x256xf32>
      %dot_general3A_623 = tpu.matmul %convert_element_type3A_616, %convert_element_type3A_482, %dot_general3A_622 {dimension_numbers = #tpu.dot_dimension_numbers<[1], [0], [0], [1], [0, 0, 1, 1], [], []>, transpose_lhs_hint = false} : vector<256x256xbf16>, vector<256x256xbf16>, vector<256x256xf32> -> vector<256x256xf32>
      %add3A_624 = arith.addf %mul3A_621, %dot_general3A_623 : vector<256x256xf32>
      %reduce_sum3A_625 = arith.constant dense<0.000000e+00> : vector<256xf32>
      %reduce_sum3A_626 = vector.multi_reduction <add>, %dot_general3A_606, %reduce_sum3A_625 [1] : vector<256x256xf32> to vector<256xf32>
      %broadcast_in_dim3A_627 = vector.shape_cast %reduce_sum3A_626 : vector<256xf32> to vector<256x1xf32>
      %dot_general3A_628 = arith.constant dense<0.000000e+00> : vector<256x1xf32>
      %dot_general3A_629 = tpu.matmul %select_n3A_488, %broadcast_in_dim3A_627, %dot_general3A_628 {dimension_numbers = #tpu.dot_dimension_numbers<[1], [0], [0], [1], [0, 0, 1, 1], [], []>, precision = #tpu.contract_precision<fp32>, transpose_lhs_hint = false} : vector<256x256xf32>, vector<256x1xf32>, vector<256x1xf32> -> vector<256x1xf32>
      %add3A_630 = vector.broadcast %dot_general3A_629 : vector<256x1xf32> to vector<256x256xf32>
      %add3A_631 = arith.addf %add3A_630, %add3A_624 : vector<256x256xf32>
      %round3A_632 = math.roundeven %add3A_631 : vector<256x256xf32>
      %convert_element_type3A_633 = arith.fptosi %round3A_632 : vector<256x256xf32> to vector<256x256xi32>
      %shift_right_arithmetic3A_634 = arith.constant 7 : i32
      %shift_right_arithmetic3A_635 = vector.broadcast %shift_right_arithmetic3A_634 : i32 to vector<256x256xi32>
      %shift_right_arithmetic3A_636 = arith.shrsi %convert_element_type3A_633, %shift_right_arithmetic3A_635 : vector<256x256xi32>
      %convert_element_type3A_637 = arith.sitofp %shift_right_arithmetic3A_636 : vector<256x256xi32> to vector<256x256xbf16>
      %swap3A_638 = arith.constant 0 : index
      %swap3A_639 = arith.constant 0 : index
      %swap3A_640 = vector.load %arg15[%swap3A_638, %swap3A_639] : memref<256x256xbf16, #tpu.memory_space<vmem>>, vector<256x256xbf16>
      tpu.vector_store %arg15[%swap3A_638, %swap3A_639], %convert_element_type3A_637 {strides = array<i32>} : memref<256x256xbf16, #tpu.memory_space<vmem>>, vector<256x256xbf16>,
      %and3A_641 = arith.constant 127 : i32
      %and3A_642 = vector.broadcast %and3A_641 : i32 to vector<256x256xi32>
      %and3A_643 = arith.andi %convert_element_type3A_633, %and3A_642 : vector<256x256xi32>
      %convert_element_type3A_644 = arith.sitofp %and3A_643 : vector<256x256xi32> to vector<256x256xbf16>
      %swap3A_645 = arith.constant 0 : index
      %swap3A_646 = arith.constant 0 : index
      %swap3A_647 = vector.load %arg16[%swap3A_645, %swap3A_646] : memref<256x256xbf16, #tpu.memory_space<vmem>>, vector<256x256xbf16>
      tpu.vector_store %arg16[%swap3A_645, %swap3A_646], %convert_element_type3A_644 {strides = array<i32>} : memref<256x256xbf16, #tpu.memory_space<vmem>>, vector<256x256xbf16>,
      %swap3A_648 = arith.constant 0 : index
      %swap3A_649 = arith.constant 0 : index
      %swap3A_650 = vector.load %arg17[%swap3A_648, %swap3A_649] : memref<256x256xi32, #tpu.memory_space<vmem>>, vector<256x256xi32>
      tpu.vector_store %arg17[%swap3A_648, %swap3A_649], %convert_element_type3A_633 {strides = array<i32>} : memref<256x256xi32, #tpu.memory_space<vmem>>, vector<256x256xi32>,
      %add3A_651 = arith.addf %dot_general3A_629, %broadcast_in_dim3A_627 : vector<256x1xf32>
      %round3A_652 = math.roundeven %add3A_651 : vector<256x1xf32>
      %convert_element_type3A_653 = arith.fptosi %round3A_652 : vector<256x1xf32> to vector<256x1xi32>
      %shift_right_arithmetic3A_654 = arith.constant 7 : i32
      %shift_right_arithmetic3A_655 = vector.broadcast %shift_right_arithmetic3A_654 : i32 to vector<256x1xi32>
      %shift_right_arithmetic3A_656 = arith.shrsi %convert_element_type3A_653, %shift_right_arithmetic3A_655 : vector<256x1xi32>
      %convert_element_type3A_657 = arith.sitofp %shift_right_arithmetic3A_656 : vector<256x1xi32> to vector<256x1xbf16>
      %swap3A_658 = arith.constant 0 : index
      %swap3A_659 = arith.constant 0 : index
      %swap3A_660 = vector.load %arg18[%swap3A_658, %swap3A_659] : memref<256x1xbf16, #tpu.memory_space<vmem>>, vector<256x1xbf16>
      tpu.vector_store %arg18[%swap3A_658, %swap3A_659], %convert_element_type3A_657 {strides = array<i32>} : memref<256x1xbf16, #tpu.memory_space<vmem>>, vector<256x1xbf16>,
      %and3A_661 = arith.constant 127 : i32
      %and3A_662 = vector.broadcast %and3A_661 : i32 to vector<256x1xi32>
      %and3A_663 = arith.andi %convert_element_type3A_653, %and3A_662 : vector<256x1xi32>
      %convert_element_type3A_664 = arith.sitofp %and3A_663 : vector<256x1xi32> to vector<256x1xbf16>
      %swap3A_665 = arith.constant 0 : index
      %swap3A_666 = arith.constant 0 : index
      %swap3A_667 = vector.load %arg19[%swap3A_665, %swap3A_666] : memref<256x1xbf16, #tpu.memory_space<vmem>>, vector<256x1xbf16>
      tpu.vector_store %arg19[%swap3A_665, %swap3A_666], %convert_element_type3A_664 {strides = array<i32>} : memref<256x1xbf16, #tpu.memory_space<vmem>>, vector<256x1xbf16>,
      %broadcast_in_dim3A_668 = arith.constant 0 : i32
      %broadcast_in_dim3A_669 = vector.broadcast %broadcast_in_dim3A_668 : i32 to vector<256x256xi32>
      %swap3A_670 = arith.constant 0 : index
      %swap3A_671 = arith.constant 0 : index
      %swap3A_672 = vector.load %arg20[%swap3A_670, %swap3A_671] : memref<256x256xi32, #tpu.memory_space<vmem>>, vector<256x256xi32>
      tpu.vector_store %arg20[%swap3A_670, %swap3A_671], %broadcast_in_dim3A_669 {strides = array<i32>} : memref<256x256xi32, #tpu.memory_space<vmem>>, vector<256x256xi32>,
    } else {
    }
    %get3A = arith.constant 0 : index
    %get3A_2 = arith.constant 0 : index
    %get3A_3 = arith.constant 0 : index
    %get3A_4 = vector.load %arg2[%get3A, %get3A_2, %get3A_3] : memref<1x512x32xf32, #tpu.memory_space<vmem>>, vector<1x512x32xf32>
    %get3A_5 = vector.shape_cast %get3A_4 : vector<1x512x32xf32> to vector<512x32xf32>
    %iota3A = tpu.iota {dimensions = array<i32: 1>} : vector<512x32xi32>
    %and3A = arith.constant 15 : i32
    %and3A_6 = vector.broadcast %and3A : i32 to vector<512x32xi32>
    %and3A_7 = arith.andi %iota3A, %and3A_6 : vector<512x32xi32>
    %add3A = arith.constant 127 : i32
    %add3A_8 = vector.broadcast %add3A : i32 to vector<512x32xi32>
    %add3A_9 = arith.addi %and3A_7, %add3A_8 : vector<512x32xi32>
    %shift_left3A = arith.constant 23 : i32
    %shift_left3A_10 = vector.broadcast %shift_left3A : i32 to vector<512x32xi32>
    %shift_left3A_11 = arith.shli %add3A_9, %shift_left3A_10 : vector<512x32xi32>
    %bitcast_convert_type3A = tpu.bitcast %shift_left3A_11 : vector<512x32xi32> -> vector<512x32xf32>
    %gt3A = arith.constant 0.000000e+00 : f32
    %gt3A_12 = vector.broadcast %gt3A : f32 to vector<512x32xf32>
    %gt3A_13 = arith.cmpf ogt, %get3A_5, %gt3A_12 : vector<512x32xf32>
    %lt3A = arith.constant 16 : i32
    %lt3A_14 = vector.broadcast %lt3A : i32 to vector<512x32xi32>
    %lt3A_15 = arith.cmpi slt, %iota3A, %lt3A_14 : vector<512x32xi32>
    %and3A_16 = arith.andi %gt3A_13, %lt3A_15 : vector<512x32xi1>
    %jit3A = arith.constant 0.000000e+00 : f32
    %broadcast_in_dim3A = vector.broadcast %jit3A : f32 to vector<512x32xf32>
    %select_n3A = arith.select %and3A_16, %bitcast_convert_type3A, %broadcast_in_dim3A : vector<512x32xi1>, vector<512x32xf32>
    %reduce_sum3A = arith.constant dense<0.000000e+00> : vector<512xf32>
    %reduce_sum3A_17 = vector.multi_reduction <add>, %select_n3A, %reduce_sum3A [1] : vector<512x32xf32> to vector<512xf32>
    %broadcast_in_dim3A_18 = vector.shape_cast %reduce_sum3A_17 : vector<512xf32> to vector<512x1xf32>
    %ge3A = arith.constant 16 : i32
    %ge3A_19 = vector.broadcast %ge3A : i32 to vector<512x32xi32>
    %ge3A_20 = arith.cmpi sge, %iota3A, %ge3A_19 : vector<512x32xi32>
    %and3A_21 = arith.andi %gt3A_13, %ge3A_20 : vector<512x32xi1>
    %jit3A_22 = arith.constant 0.000000e+00 : f32
    %broadcast_in_dim3A_23 = vector.broadcast %jit3A_22 : f32 to vector<512x32xf32>
    %select_n3A_24 = arith.select %and3A_21, %bitcast_convert_type3A, %broadcast_in_dim3A_23 : vector<512x32xi1>, vector<512x32xf32>
    %reduce_sum3A_25 = arith.constant dense<0.000000e+00> : vector<512xf32>
    %reduce_sum3A_26 = vector.multi_reduction <add>, %select_n3A_24, %reduce_sum3A_25 [1] : vector<512x32xf32> to vector<512xf32>
    %broadcast_in_dim3A_27 = vector.shape_cast %reduce_sum3A_26 : vector<512xf32> to vector<512x1xf32>
    %convert_element_type3A_28 = arith.fptosi %broadcast_in_dim3A_18 : vector<512x1xf32> to vector<512x1xi32>
    %convert_element_type3A_29 = arith.fptosi %broadcast_in_dim3A_27 : vector<512x1xf32> to vector<512x1xi32>
    %get3A_30 = arith.constant 0 : index
    %get3A_31 = arith.constant 0 : index
    %get3A_32 = arith.constant 0 : index
    %get3A_33 = vector.load %arg3[%get3A_30, %get3A_31, %get3A_32] : memref<1x512x32xf32, #tpu.memory_space<vmem>>, vector<1x512x32xf32>
    %get3A_34 = vector.shape_cast %get3A_33 : vector<1x512x32xf32> to vector<512x32xf32>
    %iota3A_35 = tpu.iota {dimensions = array<i32: 1>} : vector<512x32xi32>
    %and3A_36 = arith.constant 15 : i32
    %and3A_37 = vector.broadcast %and3A_36 : i32 to vector<512x32xi32>
    %and3A_38 = arith.andi %iota3A_35, %and3A_37 : vector<512x32xi32>
    %add3A_39 = arith.constant 127 : i32
    %add3A_40 = vector.broadcast %add3A_39 : i32 to vector<512x32xi32>
    %add3A_41 = arith.addi %and3A_38, %add3A_40 : vector<512x32xi32>
    %shift_left3A_42 = arith.constant 23 : i32
    %shift_left3A_43 = vector.broadcast %shift_left3A_42 : i32 to vector<512x32xi32>
    %shift_left3A_44 = arith.shli %add3A_41, %shift_left3A_43 : vector<512x32xi32>
    %bitcast_convert_type3A_45 = tpu.bitcast %shift_left3A_44 : vector<512x32xi32> -> vector<512x32xf32>
    %gt3A_46 = arith.constant 0.000000e+00 : f32
    %gt3A_47 = vector.broadcast %gt3A_46 : f32 to vector<512x32xf32>
    %gt3A_48 = arith.cmpf ogt, %get3A_34, %gt3A_47 : vector<512x32xf32>
    %lt3A_49 = arith.constant 16 : i32
    %lt3A_50 = vector.broadcast %lt3A_49 : i32 to vector<512x32xi32>
    %lt3A_51 = arith.cmpi slt, %iota3A_35, %lt3A_50 : vector<512x32xi32>
    %and3A_52 = arith.andi %gt3A_48, %lt3A_51 : vector<512x32xi1>
    %jit3A_53 = arith.constant 0.000000e+00 : f32
    %broadcast_in_dim3A_54 = vector.broadcast %jit3A_53 : f32 to vector<512x32xf32>
    %select_n3A_55 = arith.select %and3A_52, %bitcast_convert_type3A_45, %broadcast_in_dim3A_54 : vector<512x32xi1>, vector<512x32xf32>
    %reduce_sum3A_56 = arith.constant dense<0.000000e+00> : vector<512xf32>
    %reduce_sum3A_57 = vector.multi_reduction <add>, %select_n3A_55, %reduce_sum3A_56 [1] : vector<512x32xf32> to vector<512xf32>
    %broadcast_in_dim3A_58 = vector.shape_cast %reduce_sum3A_57 : vector<512xf32> to vector<512x1xf32>
    %ge3A_59 = arith.constant 16 : i32
    %ge3A_60 = vector.broadcast %ge3A_59 : i32 to vector<512x32xi32>
    %ge3A_61 = arith.cmpi sge, %iota3A_35, %ge3A_60 : vector<512x32xi32>
    %and3A_62 = arith.andi %gt3A_48, %ge3A_61 : vector<512x32xi1>
    %jit3A_63 = arith.constant 0.000000e+00 : f32
    %broadcast_in_dim3A_64 = vector.broadcast %jit3A_63 : f32 to vector<512x32xf32>
    %select_n3A_65 = arith.select %and3A_62, %bitcast_convert_type3A_45, %broadcast_in_dim3A_64 : vector<512x32xi1>, vector<512x32xf32>
    %reduce_sum3A_66 = arith.constant dense<0.000000e+00> : vector<512xf32>
    %reduce_sum3A_67 = vector.multi_reduction <add>, %select_n3A_65, %reduce_sum3A_66 [1] : vector<512x32xf32> to vector<512xf32>
    %broadcast_in_dim3A_68 = vector.shape_cast %reduce_sum3A_67 : vector<512xf32> to vector<512x1xf32>
    %convert_element_type3A_69 = arith.fptosi %broadcast_in_dim3A_58 : vector<512x1xf32> to vector<512x1xi32>
    %convert_element_type3A_70 = arith.fptosi %broadcast_in_dim3A_68 : vector<512x1xf32> to vector<512x1xi32>
    %iota3A_71 = tpu.iota {dimensions = array<i32: 0>} : vector<512x512xi32>
    %iota3A_72 = tpu.iota {dimensions = array<i32: 1>} : vector<512x512xi32>
    %shift_right_arithmetic3A = arith.constant 8 : i32
    %shift_right_arithmetic3A_73 = vector.broadcast %shift_right_arithmetic3A : i32 to vector<512x1xi32>
    %shift_right_arithmetic3A_74 = arith.shrsi %convert_element_type3A_28, %shift_right_arithmetic3A_73 : vector<512x1xi32>
    %iota3A_75 = tpu.iota {dimensions = array<i32: 1>} : vector<512x256xi32>
    %eq3A_76 = vector.broadcast %shift_right_arithmetic3A_74 : vector<512x1xi32> to vector<512x256xi32>
    %eq3A_77 = arith.cmpi eq, %eq3A_76, %iota3A_75 : vector<512x256xi32>
    %jit3A_78 = arith.constant 1.000000e+00 : f32
    %jit3A_79 = arith.constant 0.000000e+00 : f32
    %broadcast_in_dim3A_80 = vector.broadcast %jit3A_78 : f32 to vector<512x256xf32>
    %broadcast_in_dim3A_81 = vector.broadcast %jit3A_79 : f32 to vector<512x256xf32>
    %select_n3A_82 = arith.select %eq3A_77, %broadcast_in_dim3A_80, %broadcast_in_dim3A_81 : vector<512x256xi1>, vector<512x256xf32>
    %convert_element_type3A_83 = arith.truncf %select_n3A_82 : vector<512x256xf32> to vector<512x256xbf16>
    %and3A_84 = arith.constant 255 : i32
    %and3A_85 = vector.broadcast %and3A_84 : i32 to vector<512x1xi32>
    %and3A_86 = arith.andi %convert_element_type3A_28, %and3A_85 : vector<512x1xi32>
    %iota3A_87 = tpu.iota {dimensions = array<i32: 1>} : vector<512x256xi32>
    %eq3A_88 = vector.broadcast %and3A_86 : vector<512x1xi32> to vector<512x256xi32>
    %eq3A_89 = arith.cmpi eq, %eq3A_88, %iota3A_87 : vector<512x256xi32>
    %jit3A_90 = arith.constant 1.000000e+00 : f32
    %jit3A_91 = arith.constant 0.000000e+00 : f32
    %broadcast_in_dim3A_92 = vector.broadcast %jit3A_90 : f32 to vector<512x256xf32>
    %broadcast_in_dim3A_93 = vector.broadcast %jit3A_91 : f32 to vector<512x256xf32>
    %select_n3A_94 = arith.select %eq3A_89, %broadcast_in_dim3A_92, %broadcast_in_dim3A_93 : vector<512x256xi1>, vector<512x256xf32>
    %add3A_95 = arith.constant 1 : i32
    %add3A_96 = vector.broadcast %add3A_95 : i32 to vector<512x1xi32>
    %add3A_97 = arith.addi %and3A_86, %add3A_96 : vector<512x1xi32>
    %iota3A_98 = tpu.iota {dimensions = array<i32: 1>} : vector<512x256xi32>
    %eq3A_99 = vector.broadcast %add3A_97 : vector<512x1xi32> to vector<512x256xi32>
    %eq3A_100 = arith.cmpi eq, %eq3A_99, %iota3A_98 : vector<512x256xi32>
    %jit3A_101 = arith.constant 1.000000e+00 : f32
    %jit3A_102 = arith.constant 0.000000e+00 : f32
    %broadcast_in_dim3A_103 = vector.broadcast %jit3A_101 : f32 to vector<512x256xf32>
    %broadcast_in_dim3A_104 = vector.broadcast %jit3A_102 : f32 to vector<512x256xf32>
    %select_n3A_105 = arith.select %eq3A_100, %broadcast_in_dim3A_103, %broadcast_in_dim3A_104 : vector<512x256xi1>, vector<512x256xf32>
    %get3A_106 = arith.constant 0 : index
    %get3A_107 = arith.constant 0 : index
    %get3A_108 = vector.load %arg9[%get3A_106, %get3A_107] : memref<256x256xbf16, #tpu.memory_space<vmem>>, vector<256x256xbf16>
    %dot_general3A = arith.constant dense<0.000000e+00> : vector<512x256xf32>
    %dot_general3A_109 = tpu.matmul %convert_element_type3A_83, %get3A_108, %dot_general3A {dimension_numbers = #tpu.dot_dimension_numbers<[1], [0], [0], [1], [0, 0, 1, 1], [], []>, transpose_lhs_hint = false} : vector<512x256xbf16>, vector<256x256xbf16>, vector<512x256xf32> -> vector<512x256xf32>
    %mul3A = arith.constant 1.280000e+02 : f32
    %mul3A_110 = vector.broadcast %mul3A : f32 to vector<512x256xf32>
    %mul3A_111 = arith.mulf %dot_general3A_109, %mul3A_110 : vector<512x256xf32>
    %get3A_112 = arith.constant 0 : index
    %get3A_113 = arith.constant 0 : index
    %get3A_114 = vector.load %arg10[%get3A_112, %get3A_113] : memref<256x256xbf16, #tpu.memory_space<vmem>>, vector<256x256xbf16>
    %dot_general3A_115 = arith.constant dense<0.000000e+00> : vector<512x256xf32>
    %dot_general3A_116 = tpu.matmul %convert_element_type3A_83, %get3A_114, %dot_general3A_115 {dimension_numbers = #tpu.dot_dimension_numbers<[1], [0], [0], [1], [0, 0, 1, 1], [], []>, transpose_lhs_hint = false} : vector<512x256xbf16>, vector<256x256xbf16>, vector<512x256xf32> -> vector<512x256xf32>
    %add3A_117 = arith.addf %mul3A_111, %dot_general3A_116 : vector<512x256xf32>
    %get3A_118 = arith.constant 0 : index
    %get3A_119 = arith.constant 0 : index
    %get3A_120 = vector.load %arg12[%get3A_118, %get3A_119] : memref<256x1xbf16, #tpu.memory_space<vmem>>, vector<256x1xbf16>
    %dot_general3A_121 = arith.constant dense<0.000000e+00> : vector<512x1xf32>
    %dot_general3A_122 = tpu.matmul %convert_element_type3A_83, %get3A_120, %dot_general3A_121 {dimension_numbers = #tpu.dot_dimension_numbers<[1], [0], [0], [1], [0, 0, 1, 1], [], []>, transpose_lhs_hint = false} : vector<512x256xbf16>, vector<256x1xbf16>, vector<512x1xf32> -> vector<512x1xf32>
    %mul3A_123 = arith.constant 1.280000e+02 : f32
    %mul3A_124 = vector.broadcast %mul3A_123 : f32 to vector<512x1xf32>
    %mul3A_125 = arith.mulf %dot_general3A_122, %mul3A_124 : vector<512x1xf32>
    %get3A_126 = arith.constant 0 : index
    %get3A_127 = arith.constant 0 : index
    %get3A_128 = vector.load %arg13[%get3A_126, %get3A_127] : memref<256x1xbf16, #tpu.memory_space<vmem>>, vector<256x1xbf16>
    %dot_general3A_129 = arith.constant dense<0.000000e+00> : vector<512x1xf32>
    %dot_general3A_130 = tpu.matmul %convert_element_type3A_83, %get3A_128, %dot_general3A_129 {dimension_numbers = #tpu.dot_dimension_numbers<[1], [0], [0], [1], [0, 0, 1, 1], [], []>, transpose_lhs_hint = false} : vector<512x256xbf16>, vector<256x1xbf16>, vector<512x1xf32> -> vector<512x1xf32>
    %add3A_131 = arith.addf %mul3A_125, %dot_general3A_130 : vector<512x1xf32>
    %mul3A_132 = arith.mulf %add3A_117, %select_n3A_94 : vector<512x256xf32>
    %reduce_sum3A_133 = arith.constant dense<0.000000e+00> : vector<512xf32>
    %reduce_sum3A_134 = vector.multi_reduction <add>, %mul3A_132, %reduce_sum3A_133 [1] : vector<512x256xf32> to vector<512xf32>
    %broadcast_in_dim3A_135 = vector.shape_cast %reduce_sum3A_134 : vector<512xf32> to vector<512x1xf32>
    %mul3A_136 = arith.mulf %add3A_117, %select_n3A_105 : vector<512x256xf32>
    %reduce_sum3A_137 = arith.constant dense<0.000000e+00> : vector<512xf32>
    %reduce_sum3A_138 = vector.multi_reduction <add>, %mul3A_136, %reduce_sum3A_137 [1] : vector<512x256xf32> to vector<512xf32>
    %broadcast_in_dim3A_139 = vector.shape_cast %reduce_sum3A_138 : vector<512xf32> to vector<512x1xf32>
    %eq3A_140 = arith.constant 255 : i32
    %eq3A_141 = vector.broadcast %eq3A_140 : i32 to vector<512x1xi32>
    %eq3A_142 = arith.cmpi eq, %and3A_86, %eq3A_141 : vector<512x1xi32>
    %select_n3A_143 = arith.select %eq3A_142, %add3A_131, %broadcast_in_dim3A_139 : vector<512x1xi1>, vector<512x1xf32>
    %round3A = math.roundeven %broadcast_in_dim3A_135 : vector<512x1xf32>
    %convert_element_type3A_144 = arith.fptosi %round3A : vector<512x1xf32> to vector<512x1xi32>
    %round3A_145 = math.roundeven %select_n3A_143 : vector<512x1xf32>
    %convert_element_type3A_146 = arith.fptosi %round3A_145 : vector<512x1xf32> to vector<512x1xi32>
    %sub3A = arith.subi %convert_element_type3A_146, %convert_element_type3A_144 : vector<512x1xi32>
    %min3A = arith.constant 64 : i32
    %min3A_147 = vector.broadcast %min3A : i32 to vector<512x1xi32>
    %min3A_148 = arith.minsi %sub3A, %min3A_147 : vector<512x1xi32>
    %sub3A_149 = arith.constant 64 : i32
    %sub3A_150 = vector.broadcast %sub3A_149 : i32 to vector<512x1xi32>
    %sub3A_151 = arith.subi %sub3A_150, %min3A_148 : vector<512x1xi32>
    %sub3A_152 = arith.subi %convert_element_type3A_144, %sub3A_151 : vector<512x1xi32>
    %add3A_153 = arith.constant 64 : i32
    %add3A_154 = vector.broadcast %add3A_153 : i32 to vector<512x1xi32>
    %add3A_155 = arith.addi %sub3A_152, %add3A_154 : vector<512x1xi32>
    %shift_left3A_156 = arith.constant 7 : i32
    %shift_left3A_157 = vector.broadcast %shift_left3A_156 : i32 to vector<512x1xi32>
    %shift_left3A_158 = arith.shli %add3A_155, %shift_left3A_157 : vector<512x1xi32>
    %or3A = arith.ori %shift_left3A_158, %sub3A_151 : vector<512x1xi32>
    %transpose3A = tpu.transpose %convert_element_type3A_69, [1, 0] : vector<512x1xi32> -> vector<1x512xi32>
    %shift_right_arithmetic3A_159 = arith.constant 8 : i32
    %shift_right_arithmetic3A_160 = vector.broadcast %shift_right_arithmetic3A_159 : i32 to vector<512x1xi32>
    %shift_right_arithmetic3A_161 = arith.shrsi %convert_element_type3A_69, %shift_right_arithmetic3A_160 : vector<512x1xi32>
    %iota3A_162 = tpu.iota {dimensions = array<i32: 1>} : vector<512x256xi32>
    %eq3A_163 = vector.broadcast %shift_right_arithmetic3A_161 : vector<512x1xi32> to vector<512x256xi32>
    %eq3A_164 = arith.cmpi eq, %eq3A_163, %iota3A_162 : vector<512x256xi32>
    %jit3A_165 = arith.constant 1.000000e+00 : f32
    %jit3A_166 = arith.constant 0.000000e+00 : f32
    %broadcast_in_dim3A_167 = vector.broadcast %jit3A_165 : f32 to vector<512x256xf32>
    %broadcast_in_dim3A_168 = vector.broadcast %jit3A_166 : f32 to vector<512x256xf32>
    %select_n3A_169 = arith.select %eq3A_164, %broadcast_in_dim3A_167, %broadcast_in_dim3A_168 : vector<512x256xi1>, vector<512x256xf32>
    %convert_element_type3A_170 = arith.truncf %select_n3A_169 : vector<512x256xf32> to vector<512x256xbf16>
    %and3A_171 = arith.constant 255 : i32
    %and3A_172 = vector.broadcast %and3A_171 : i32 to vector<512x1xi32>
    %and3A_173 = arith.andi %convert_element_type3A_69, %and3A_172 : vector<512x1xi32>
    %iota3A_174 = tpu.iota {dimensions = array<i32: 1>} : vector<512x256xi32>
    %eq3A_175 = vector.broadcast %and3A_173 : vector<512x1xi32> to vector<512x256xi32>
    %eq3A_176 = arith.cmpi eq, %eq3A_175, %iota3A_174 : vector<512x256xi32>
    %jit3A_177 = arith.constant 1.000000e+00 : f32
    %jit3A_178 = arith.constant 0.000000e+00 : f32
    %broadcast_in_dim3A_179 = vector.broadcast %jit3A_177 : f32 to vector<512x256xf32>
    %broadcast_in_dim3A_180 = vector.broadcast %jit3A_178 : f32 to vector<512x256xf32>
    %select_n3A_181 = arith.select %eq3A_176, %broadcast_in_dim3A_179, %broadcast_in_dim3A_180 : vector<512x256xi1>, vector<512x256xf32>
    %convert_element_type3A_182 = arith.truncf %select_n3A_181 : vector<512x256xf32> to vector<512x256xbf16>
    %get3A_183 = arith.constant 0 : index
    %get3A_184 = arith.constant 0 : index
    %get3A_185 = vector.load %arg14[%get3A_183, %get3A_184] : memref<256x256xi32, #tpu.memory_space<vmem>>, vector<256x256xi32>
    %get3A_186 = arith.constant 0 : index
    %get3A_187 = arith.constant 0 : index
    %get3A_188 = vector.load %arg11[%get3A_186, %get3A_187] : memref<256x256xi32, #tpu.memory_space<vmem>>, vector<256x256xi32>
    %add3A_189 = arith.addi %get3A_188, %get3A_185 : vector<256x256xi32>
    %shift_right_arithmetic3A_190 = arith.constant 7 : i32
    %shift_right_arithmetic3A_191 = vector.broadcast %shift_right_arithmetic3A_190 : i32 to vector<256x256xi32>
    %shift_right_arithmetic3A_192 = arith.shrsi %add3A_189, %shift_right_arithmetic3A_191 : vector<256x256xi32>
    %convert_element_type3A_193 = arith.sitofp %shift_right_arithmetic3A_192 : vector<256x256xi32> to vector<256x256xbf16>
    %and3A_194 = arith.constant 127 : i32
    %and3A_195 = vector.broadcast %and3A_194 : i32 to vector<256x256xi32>
    %and3A_196 = arith.andi %add3A_189, %and3A_195 : vector<256x256xi32>
    %convert_element_type3A_197 = arith.sitofp %and3A_196 : vector<256x256xi32> to vector<256x256xbf16>
    %dot_general3A_198 = arith.constant dense<0.000000e+00> : vector<512x256xf32>
    %dot_general3A_199 = tpu.matmul %convert_element_type3A_170, %convert_element_type3A_193, %dot_general3A_198 {dimension_numbers = #tpu.dot_dimension_numbers<[1], [0], [0], [1], [0, 0, 1, 1], [], []>, transpose_lhs_hint = false} : vector<512x256xbf16>, vector<256x256xbf16>, vector<512x256xf32> -> vector<512x256xf32>
    %mul3A_200 = arith.constant 1.280000e+02 : f32
    %mul3A_201 = vector.broadcast %mul3A_200 : f32 to vector<512x256xf32>
    %mul3A_202 = arith.mulf %dot_general3A_199, %mul3A_201 : vector<512x256xf32>
    %dot_general3A_203 = arith.constant dense<0.000000e+00> : vector<512x256xf32>
    %dot_general3A_204 = tpu.matmul %convert_element_type3A_170, %convert_element_type3A_197, %dot_general3A_203 {dimension_numbers = #tpu.dot_dimension_numbers<[1], [0], [0], [1], [0, 0, 1, 1], [], []>, transpose_lhs_hint = false} : vector<512x256xbf16>, vector<256x256xbf16>, vector<512x256xf32> -> vector<512x256xf32>
    %add3A_205 = arith.addf %mul3A_202, %dot_general3A_204 : vector<512x256xf32>
    %mul3A_206 = arith.mulf %add3A_205, %select_n3A_181 : vector<512x256xf32>
    %reduce_sum3A_207 = arith.constant dense<0.000000e+00> : vector<512xf32>
    %reduce_sum3A_208 = vector.multi_reduction <add>, %mul3A_206, %reduce_sum3A_207 [1] : vector<512x256xf32> to vector<512xf32>
    %broadcast_in_dim3A_209 = vector.shape_cast %reduce_sum3A_208 : vector<512xf32> to vector<512x1xf32>
    %eq3A_210 = vector.broadcast %convert_element_type3A_69 : vector<512x1xi32> to vector<512x512xi32>
    %eq3A_211 = vector.broadcast %transpose3A : vector<1x512xi32> to vector<512x512xi32>
    %eq3A_212 = arith.cmpi eq, %eq3A_210, %eq3A_211 : vector<512x512xi32>
    %lt3A_213 = arith.cmpi slt, %iota3A_72, %iota3A_71 : vector<512x512xi32>
    %and3A_214 = arith.andi %eq3A_212, %lt3A_213 : vector<512x512xi1>
    %convert_element_type3A_215 = arith.extui %and3A_214 : vector<512x512xi1> to vector<512x512xi32>
    %reduce_sum3A_216 = arith.constant dense<0> : vector<512xi32>
    %reduce_sum3A_217 = vector.multi_reduction <add>, %convert_element_type3A_215, %reduce_sum3A_216 [1] : vector<512x512xi32> to vector<512xi32>
    %broadcast_in_dim3A_218 = vector.shape_cast %reduce_sum3A_217 : vector<512xi32> to vector<512x1xi32>
    %round3A_219 = math.roundeven %broadcast_in_dim3A_209 : vector<512x1xf32>
    %convert_element_type3A_220 = arith.fptosi %round3A_219 : vector<512x1xf32> to vector<512x1xi32>
    %add3A_221 = arith.addi %convert_element_type3A_220, %broadcast_in_dim3A_218 : vector<512x1xi32>
    %shift_right_arithmetic3A_222 = arith.constant 8 : i32
    %shift_right_arithmetic3A_223 = vector.broadcast %shift_right_arithmetic3A_222 : i32 to vector<1x512xi32>
    %shift_right_arithmetic3A_224 = arith.shrsi %transpose3A, %shift_right_arithmetic3A_223 : vector<1x512xi32>
    %iota3A_225 = tpu.iota {dimensions = array<i32: 0>} : vector<256x512xi32>
    %eq3A_226 = vector.broadcast %shift_right_arithmetic3A_224 : vector<1x512xi32> to vector<256x512xi32>
    %eq3A_227 = arith.cmpi eq, %eq3A_226, %iota3A_225 : vector<256x512xi32>
    %jit3A_228 = arith.constant 1.000000e+00 : f32
    %jit3A_229 = arith.constant 0.000000e+00 : f32
    %broadcast_in_dim3A_230 = vector.broadcast %jit3A_228 : f32 to vector<256x512xf32>
    %broadcast_in_dim3A_231 = vector.broadcast %jit3A_229 : f32 to vector<256x512xf32>
    %select_n3A_232 = arith.select %eq3A_227, %broadcast_in_dim3A_230, %broadcast_in_dim3A_231 : vector<256x512xi1>, vector<256x512xf32>
    %convert_element_type3A_233 = arith.truncf %select_n3A_232 : vector<256x512xf32> to vector<256x512xbf16>
    %dot_general3A_234 = arith.constant dense<0.000000e+00> : vector<256x256xf32>
    %dot_general3A_235 = tpu.matmul %convert_element_type3A_233, %convert_element_type3A_182, %dot_general3A_234 {dimension_numbers = #tpu.dot_dimension_numbers<[1], [0], [0], [1], [0, 0, 1, 1], [], []>, transpose_lhs_hint = false} : vector<256x512xbf16>, vector<512x256xbf16>, vector<256x256xf32> -> vector<256x256xf32>
    %round3A_236 = math.roundeven %dot_general3A_235 : vector<256x256xf32>
    %convert_element_type3A_237 = arith.fptosi %round3A_236 : vector<256x256xf32> to vector<256x256xi32>
    %add3A_238 = arith.addi %get3A_185, %convert_element_type3A_237 : vector<256x256xi32>
    %swap3A = arith.constant 0 : index
    %swap3A_239 = arith.constant 0 : index
    %swap3A_240 = vector.load %arg14[%swap3A, %swap3A_239] : memref<256x256xi32, #tpu.memory_space<vmem>>, vector<256x256xi32>
    tpu.vector_store %arg14[%swap3A, %swap3A_239], %add3A_238 {strides = array<i32>} : memref<256x256xi32, #tpu.memory_space<vmem>>, vector<256x256xi32>,
    %transpose3A_241 = tpu.transpose %or3A, [1, 0] : vector<512x1xi32> -> vector<1x512xi32>
    %squeeze3A = vector.shape_cast %transpose3A_241 : vector<1x512xi32> to vector<512xi32>
    %swap3A_242 = arith.constant 0 : index
    %swap3A_243 = vector.load %arg5[%swap3A_242] : memref<512xi32, #tpu.memory_space<vmem>>, vector<512xi32>
    tpu.vector_store %arg5[%swap3A_242], %squeeze3A {strides = array<i32>} : memref<512xi32, #tpu.memory_space<vmem>>, vector<512xi32>,
    %transpose3A_244 = tpu.transpose %add3A_221, [1, 0] : vector<512x1xi32> -> vector<1x512xi32>
    %squeeze3A_245 = vector.shape_cast %transpose3A_244 : vector<1x512xi32> to vector<512xi32>
    %swap3A_246 = arith.constant 0 : index
    %swap3A_247 = vector.load %arg6[%swap3A_246] : memref<512xi32, #tpu.memory_space<vmem>>, vector<512xi32>
    tpu.vector_store %arg6[%swap3A_246], %squeeze3A_245 {strides = array<i32>} : memref<512xi32, #tpu.memory_space<vmem>>, vector<512xi32>,
    %shift_right_arithmetic3A_248 = arith.constant 8 : i32
    %shift_right_arithmetic3A_249 = vector.broadcast %shift_right_arithmetic3A_248 : i32 to vector<512x1xi32>
    %shift_right_arithmetic3A_250 = arith.shrsi %convert_element_type3A_29, %shift_right_arithmetic3A_249 : vector<512x1xi32>
    %iota3A_251 = tpu.iota {dimensions = array<i32: 1>} : vector<512x256xi32>
    %eq3A_252 = vector.broadcast %shift_right_arithmetic3A_250 : vector<512x1xi32> to vector<512x256xi32>
    %eq3A_253 = arith.cmpi eq, %eq3A_252, %iota3A_251 : vector<512x256xi32>
    %jit3A_254 = arith.constant 1.000000e+00 : f32
    %jit3A_255 = arith.constant 0.000000e+00 : f32
    %broadcast_in_dim3A_256 = vector.broadcast %jit3A_254 : f32 to vector<512x256xf32>
    %broadcast_in_dim3A_257 = vector.broadcast %jit3A_255 : f32 to vector<512x256xf32>
    %select_n3A_258 = arith.select %eq3A_253, %broadcast_in_dim3A_256, %broadcast_in_dim3A_257 : vector<512x256xi1>, vector<512x256xf32>
    %convert_element_type3A_259 = arith.truncf %select_n3A_258 : vector<512x256xf32> to vector<512x256xbf16>
    %and3A_260 = arith.constant 255 : i32
    %and3A_261 = vector.broadcast %and3A_260 : i32 to vector<512x1xi32>
    %and3A_262 = arith.andi %convert_element_type3A_29, %and3A_261 : vector<512x1xi32>
    %iota3A_263 = tpu.iota {dimensions = array<i32: 1>} : vector<512x256xi32>
    %eq3A_264 = vector.broadcast %and3A_262 : vector<512x1xi32> to vector<512x256xi32>
    %eq3A_265 = arith.cmpi eq, %eq3A_264, %iota3A_263 : vector<512x256xi32>
    %jit3A_266 = arith.constant 1.000000e+00 : f32
    %jit3A_267 = arith.constant 0.000000e+00 : f32
    %broadcast_in_dim3A_268 = vector.broadcast %jit3A_266 : f32 to vector<512x256xf32>
    %broadcast_in_dim3A_269 = vector.broadcast %jit3A_267 : f32 to vector<512x256xf32>
    %select_n3A_270 = arith.select %eq3A_265, %broadcast_in_dim3A_268, %broadcast_in_dim3A_269 : vector<512x256xi1>, vector<512x256xf32>
    %add3A_271 = arith.constant 1 : i32
    %add3A_272 = vector.broadcast %add3A_271 : i32 to vector<512x1xi32>
    %add3A_273 = arith.addi %and3A_262, %add3A_272 : vector<512x1xi32>
    %iota3A_274 = tpu.iota {dimensions = array<i32: 1>} : vector<512x256xi32>
    %eq3A_275 = vector.broadcast %add3A_273 : vector<512x1xi32> to vector<512x256xi32>
    %eq3A_276 = arith.cmpi eq, %eq3A_275, %iota3A_274 : vector<512x256xi32>
    %jit3A_277 = arith.constant 1.000000e+00 : f32
    %jit3A_278 = arith.constant 0.000000e+00 : f32
    %broadcast_in_dim3A_279 = vector.broadcast %jit3A_277 : f32 to vector<512x256xf32>
    %broadcast_in_dim3A_280 = vector.broadcast %jit3A_278 : f32 to vector<512x256xf32>
    %select_n3A_281 = arith.select %eq3A_276, %broadcast_in_dim3A_279, %broadcast_in_dim3A_280 : vector<512x256xi1>, vector<512x256xf32>
    %get3A_282 = arith.constant 0 : index
    %get3A_283 = arith.constant 0 : index
    %get3A_284 = vector.load %arg15[%get3A_282, %get3A_283] : memref<256x256xbf16, #tpu.memory_space<vmem>>, vector<256x256xbf16>
    %dot_general3A_285 = arith.constant dense<0.000000e+00> : vector<512x256xf32>
    %dot_general3A_286 = tpu.matmul %convert_element_type3A_259, %get3A_284, %dot_general3A_285 {dimension_numbers = #tpu.dot_dimension_numbers<[1], [0], [0], [1], [0, 0, 1, 1], [], []>, transpose_lhs_hint = false} : vector<512x256xbf16>, vector<256x256xbf16>, vector<512x256xf32> -> vector<512x256xf32>
    %mul3A_287 = arith.constant 1.280000e+02 : f32
    %mul3A_288 = vector.broadcast %mul3A_287 : f32 to vector<512x256xf32>
    %mul3A_289 = arith.mulf %dot_general3A_286, %mul3A_288 : vector<512x256xf32>
    %get3A_290 = arith.constant 0 : index
    %get3A_291 = arith.constant 0 : index
    %get3A_292 = vector.load %arg16[%get3A_290, %get3A_291] : memref<256x256xbf16, #tpu.memory_space<vmem>>, vector<256x256xbf16>
    %dot_general3A_293 = arith.constant dense<0.000000e+00> : vector<512x256xf32>
    %dot_general3A_294 = tpu.matmul %convert_element_type3A_259, %get3A_292, %dot_general3A_293 {dimension_numbers = #tpu.dot_dimension_numbers<[1], [0], [0], [1], [0, 0, 1, 1], [], []>, transpose_lhs_hint = false} : vector<512x256xbf16>, vector<256x256xbf16>, vector<512x256xf32> -> vector<512x256xf32>
    %add3A_295 = arith.addf %mul3A_289, %dot_general3A_294 : vector<512x256xf32>
    %get3A_296 = arith.constant 0 : index
    %get3A_297 = arith.constant 0 : index
    %get3A_298 = vector.load %arg18[%get3A_296, %get3A_297] : memref<256x1xbf16, #tpu.memory_space<vmem>>, vector<256x1xbf16>
    %dot_general3A_299 = arith.constant dense<0.000000e+00> : vector<512x1xf32>
    %dot_general3A_300 = tpu.matmul %convert_element_type3A_259, %get3A_298, %dot_general3A_299 {dimension_numbers = #tpu.dot_dimension_numbers<[1], [0], [0], [1], [0, 0, 1, 1], [], []>, transpose_lhs_hint = false} : vector<512x256xbf16>, vector<256x1xbf16>, vector<512x1xf32> -> vector<512x1xf32>
    %mul3A_301 = arith.constant 1.280000e+02 : f32
    %mul3A_302 = vector.broadcast %mul3A_301 : f32 to vector<512x1xf32>
    %mul3A_303 = arith.mulf %dot_general3A_300, %mul3A_302 : vector<512x1xf32>
    %get3A_304 = arith.constant 0 : index
    %get3A_305 = arith.constant 0 : index
    %get3A_306 = vector.load %arg19[%get3A_304, %get3A_305] : memref<256x1xbf16, #tpu.memory_space<vmem>>, vector<256x1xbf16>
    %dot_general3A_307 = arith.constant dense<0.000000e+00> : vector<512x1xf32>
    %dot_general3A_308 = tpu.matmul %convert_element_type3A_259, %get3A_306, %dot_general3A_307 {dimension_numbers = #tpu.dot_dimension_numbers<[1], [0], [0], [1], [0, 0, 1, 1], [], []>, transpose_lhs_hint = false} : vector<512x256xbf16>, vector<256x1xbf16>, vector<512x1xf32> -> vector<512x1xf32>
    %add3A_309 = arith.addf %mul3A_303, %dot_general3A_308 : vector<512x1xf32>
    %mul3A_310 = arith.mulf %add3A_295, %select_n3A_270 : vector<512x256xf32>
    %reduce_sum3A_311 = arith.constant dense<0.000000e+00> : vector<512xf32>
    %reduce_sum3A_312 = vector.multi_reduction <add>, %mul3A_310, %reduce_sum3A_311 [1] : vector<512x256xf32> to vector<512xf32>
    %broadcast_in_dim3A_313 = vector.shape_cast %reduce_sum3A_312 : vector<512xf32> to vector<512x1xf32>
    %mul3A_314 = arith.mulf %add3A_295, %select_n3A_281 : vector<512x256xf32>
    %reduce_sum3A_315 = arith.constant dense<0.000000e+00> : vector<512xf32>
    %reduce_sum3A_316 = vector.multi_reduction <add>, %mul3A_314, %reduce_sum3A_315 [1] : vector<512x256xf32> to vector<512xf32>
    %broadcast_in_dim3A_317 = vector.shape_cast %reduce_sum3A_316 : vector<512xf32> to vector<512x1xf32>
    %eq3A_318 = arith.constant 255 : i32
    %eq3A_319 = vector.broadcast %eq3A_318 : i32 to vector<512x1xi32>
    %eq3A_320 = arith.cmpi eq, %and3A_262, %eq3A_319 : vector<512x1xi32>
    %select_n3A_321 = arith.select %eq3A_320, %add3A_309, %broadcast_in_dim3A_317 : vector<512x1xi1>, vector<512x1xf32>
    %round3A_322 = math.roundeven %broadcast_in_dim3A_313 : vector<512x1xf32>
    %convert_element_type3A_323 = arith.fptosi %round3A_322 : vector<512x1xf32> to vector<512x1xi32>
    %round3A_324 = math.roundeven %select_n3A_321 : vector<512x1xf32>
    %convert_element_type3A_325 = arith.fptosi %round3A_324 : vector<512x1xf32> to vector<512x1xi32>
    %sub3A_326 = arith.subi %convert_element_type3A_325, %convert_element_type3A_323 : vector<512x1xi32>
    %min3A_327 = arith.constant 64 : i32
    %min3A_328 = vector.broadcast %min3A_327 : i32 to vector<512x1xi32>
    %min3A_329 = arith.minsi %sub3A_326, %min3A_328 : vector<512x1xi32>
    %sub3A_330 = arith.constant 64 : i32
    %sub3A_331 = vector.broadcast %sub3A_330 : i32 to vector<512x1xi32>
    %sub3A_332 = arith.subi %sub3A_331, %min3A_329 : vector<512x1xi32>
    %sub3A_333 = arith.subi %convert_element_type3A_323, %sub3A_332 : vector<512x1xi32>
    %add3A_334 = arith.constant 64 : i32
    %add3A_335 = vector.broadcast %add3A_334 : i32 to vector<512x1xi32>
    %add3A_336 = arith.addi %sub3A_333, %add3A_335 : vector<512x1xi32>
    %shift_left3A_337 = arith.constant 7 : i32
    %shift_left3A_338 = vector.broadcast %shift_left3A_337 : i32 to vector<512x1xi32>
    %shift_left3A_339 = arith.shli %add3A_336, %shift_left3A_338 : vector<512x1xi32>
    %or3A_340 = arith.ori %shift_left3A_339, %sub3A_332 : vector<512x1xi32>
    %transpose3A_341 = tpu.transpose %convert_element_type3A_70, [1, 0] : vector<512x1xi32> -> vector<1x512xi32>
    %shift_right_arithmetic3A_342 = arith.constant 8 : i32
    %shift_right_arithmetic3A_343 = vector.broadcast %shift_right_arithmetic3A_342 : i32 to vector<512x1xi32>
    %shift_right_arithmetic3A_344 = arith.shrsi %convert_element_type3A_70, %shift_right_arithmetic3A_343 : vector<512x1xi32>
    %iota3A_345 = tpu.iota {dimensions = array<i32: 1>} : vector<512x256xi32>
    %eq3A_346 = vector.broadcast %shift_right_arithmetic3A_344 : vector<512x1xi32> to vector<512x256xi32>
    %eq3A_347 = arith.cmpi eq, %eq3A_346, %iota3A_345 : vector<512x256xi32>
    %jit3A_348 = arith.constant 1.000000e+00 : f32
    %jit3A_349 = arith.constant 0.000000e+00 : f32
    %broadcast_in_dim3A_350 = vector.broadcast %jit3A_348 : f32 to vector<512x256xf32>
    %broadcast_in_dim3A_351 = vector.broadcast %jit3A_349 : f32 to vector<512x256xf32>
    %select_n3A_352 = arith.select %eq3A_347, %broadcast_in_dim3A_350, %broadcast_in_dim3A_351 : vector<512x256xi1>, vector<512x256xf32>
    %convert_element_type3A_353 = arith.truncf %select_n3A_352 : vector<512x256xf32> to vector<512x256xbf16>
    %and3A_354 = arith.constant 255 : i32
    %and3A_355 = vector.broadcast %and3A_354 : i32 to vector<512x1xi32>
    %and3A_356 = arith.andi %convert_element_type3A_70, %and3A_355 : vector<512x1xi32>
    %iota3A_357 = tpu.iota {dimensions = array<i32: 1>} : vector<512x256xi32>
    %eq3A_358 = vector.broadcast %and3A_356 : vector<512x1xi32> to vector<512x256xi32>
    %eq3A_359 = arith.cmpi eq, %eq3A_358, %iota3A_357 : vector<512x256xi32>
    %jit3A_360 = arith.constant 1.000000e+00 : f32
    %jit3A_361 = arith.constant 0.000000e+00 : f32
    %broadcast_in_dim3A_362 = vector.broadcast %jit3A_360 : f32 to vector<512x256xf32>
    %broadcast_in_dim3A_363 = vector.broadcast %jit3A_361 : f32 to vector<512x256xf32>
    %select_n3A_364 = arith.select %eq3A_359, %broadcast_in_dim3A_362, %broadcast_in_dim3A_363 : vector<512x256xi1>, vector<512x256xf32>
    %convert_element_type3A_365 = arith.truncf %select_n3A_364 : vector<512x256xf32> to vector<512x256xbf16>
    %get3A_366 = arith.constant 0 : index
    %get3A_367 = arith.constant 0 : index
    %get3A_368 = vector.load %arg20[%get3A_366, %get3A_367] : memref<256x256xi32, #tpu.memory_space<vmem>>, vector<256x256xi32>
    %get3A_369 = arith.constant 0 : index
    %get3A_370 = arith.constant 0 : index
    %get3A_371 = vector.load %arg17[%get3A_369, %get3A_370] : memref<256x256xi32, #tpu.memory_space<vmem>>, vector<256x256xi32>
    %add3A_372 = arith.addi %get3A_371, %get3A_368 : vector<256x256xi32>
    %shift_right_arithmetic3A_373 = arith.constant 7 : i32
    %shift_right_arithmetic3A_374 = vector.broadcast %shift_right_arithmetic3A_373 : i32 to vector<256x256xi32>
    %shift_right_arithmetic3A_375 = arith.shrsi %add3A_372, %shift_right_arithmetic3A_374 : vector<256x256xi32>
    %convert_element_type3A_376 = arith.sitofp %shift_right_arithmetic3A_375 : vector<256x256xi32> to vector<256x256xbf16>
    %and3A_377 = arith.constant 127 : i32
    %and3A_378 = vector.broadcast %and3A_377 : i32 to vector<256x256xi32>
    %and3A_379 = arith.andi %add3A_372, %and3A_378 : vector<256x256xi32>
    %convert_element_type3A_380 = arith.sitofp %and3A_379 : vector<256x256xi32> to vector<256x256xbf16>
    %dot_general3A_381 = arith.constant dense<0.000000e+00> : vector<512x256xf32>
    %dot_general3A_382 = tpu.matmul %convert_element_type3A_353, %convert_element_type3A_376, %dot_general3A_381 {dimension_numbers = #tpu.dot_dimension_numbers<[1], [0], [0], [1], [0, 0, 1, 1], [], []>, transpose_lhs_hint = false} : vector<512x256xbf16>, vector<256x256xbf16>, vector<512x256xf32> -> vector<512x256xf32>
    %mul3A_383 = arith.constant 1.280000e+02 : f32
    %mul3A_384 = vector.broadcast %mul3A_383 : f32 to vector<512x256xf32>
    %mul3A_385 = arith.mulf %dot_general3A_382, %mul3A_384 : vector<512x256xf32>
    %dot_general3A_386 = arith.constant dense<0.000000e+00> : vector<512x256xf32>
    %dot_general3A_387 = tpu.matmul %convert_element_type3A_353, %convert_element_type3A_380, %dot_general3A_386 {dimension_numbers = #tpu.dot_dimension_numbers<[1], [0], [0], [1], [0, 0, 1, 1], [], []>, transpose_lhs_hint = false} : vector<512x256xbf16>, vector<256x256xbf16>, vector<512x256xf32> -> vector<512x256xf32>
    %add3A_388 = arith.addf %mul3A_385, %dot_general3A_387 : vector<512x256xf32>
    %mul3A_389 = arith.mulf %add3A_388, %select_n3A_364 : vector<512x256xf32>
    %reduce_sum3A_390 = arith.constant dense<0.000000e+00> : vector<512xf32>
    %reduce_sum3A_391 = vector.multi_reduction <add>, %mul3A_389, %reduce_sum3A_390 [1] : vector<512x256xf32> to vector<512xf32>
    %broadcast_in_dim3A_392 = vector.shape_cast %reduce_sum3A_391 : vector<512xf32> to vector<512x1xf32>
    %eq3A_393 = vector.broadcast %convert_element_type3A_70 : vector<512x1xi32> to vector<512x512xi32>
    %eq3A_394 = vector.broadcast %transpose3A_341 : vector<1x512xi32> to vector<512x512xi32>
    %eq3A_395 = arith.cmpi eq, %eq3A_393, %eq3A_394 : vector<512x512xi32>
    %lt3A_396 = arith.cmpi slt, %iota3A_72, %iota3A_71 : vector<512x512xi32>
    %and3A_397 = arith.andi %eq3A_395, %lt3A_396 : vector<512x512xi1>
    %convert_element_type3A_398 = arith.extui %and3A_397 : vector<512x512xi1> to vector<512x512xi32>
    %reduce_sum3A_399 = arith.constant dense<0> : vector<512xi32>
    %reduce_sum3A_400 = vector.multi_reduction <add>, %convert_element_type3A_398, %reduce_sum3A_399 [1] : vector<512x512xi32> to vector<512xi32>
    %broadcast_in_dim3A_401 = vector.shape_cast %reduce_sum3A_400 : vector<512xi32> to vector<512x1xi32>
    %round3A_402 = math.roundeven %broadcast_in_dim3A_392 : vector<512x1xf32>
    %convert_element_type3A_403 = arith.fptosi %round3A_402 : vector<512x1xf32> to vector<512x1xi32>
    %add3A_404 = arith.addi %convert_element_type3A_403, %broadcast_in_dim3A_401 : vector<512x1xi32>
    %shift_right_arithmetic3A_405 = arith.constant 8 : i32
    %shift_right_arithmetic3A_406 = vector.broadcast %shift_right_arithmetic3A_405 : i32 to vector<1x512xi32>
    %shift_right_arithmetic3A_407 = arith.shrsi %transpose3A_341, %shift_right_arithmetic3A_406 : vector<1x512xi32>
    %iota3A_408 = tpu.iota {dimensions = array<i32: 0>} : vector<256x512xi32>
    %eq3A_409 = vector.broadcast %shift_right_arithmetic3A_407 : vector<1x512xi32> to vector<256x512xi32>
    %eq3A_410 = arith.cmpi eq, %eq3A_409, %iota3A_408 : vector<256x512xi32>
    %jit3A_411 = arith.constant 1.000000e+00 : f32
    %jit3A_412 = arith.constant 0.000000e+00 : f32
    %broadcast_in_dim3A_413 = vector.broadcast %jit3A_411 : f32 to vector<256x512xf32>
    %broadcast_in_dim3A_414 = vector.broadcast %jit3A_412 : f32 to vector<256x512xf32>
    %select_n3A_415 = arith.select %eq3A_410, %broadcast_in_dim3A_413, %broadcast_in_dim3A_414 : vector<256x512xi1>, vector<256x512xf32>
    %convert_element_type3A_416 = arith.truncf %select_n3A_415 : vector<256x512xf32> to vector<256x512xbf16>
    %dot_general3A_417 = arith.constant dense<0.000000e+00> : vector<256x256xf32>
    %dot_general3A_418 = tpu.matmul %convert_element_type3A_416, %convert_element_type3A_365, %dot_general3A_417 {dimension_numbers = #tpu.dot_dimension_numbers<[1], [0], [0], [1], [0, 0, 1, 1], [], []>, transpose_lhs_hint = false} : vector<256x512xbf16>, vector<512x256xbf16>, vector<256x256xf32> -> vector<256x256xf32>
    %round3A_419 = math.roundeven %dot_general3A_418 : vector<256x256xf32>
    %convert_element_type3A_420 = arith.fptosi %round3A_419 : vector<256x256xf32> to vector<256x256xi32>
    %add3A_421 = arith.addi %get3A_368, %convert_element_type3A_420 : vector<256x256xi32>
    %swap3A_422 = arith.constant 0 : index
    %swap3A_423 = arith.constant 0 : index
    %swap3A_424 = vector.load %arg20[%swap3A_422, %swap3A_423] : memref<256x256xi32, #tpu.memory_space<vmem>>, vector<256x256xi32>
    tpu.vector_store %arg20[%swap3A_422, %swap3A_423], %add3A_421 {strides = array<i32>} : memref<256x256xi32, #tpu.memory_space<vmem>>, vector<256x256xi32>,
    %transpose3A_425 = tpu.transpose %or3A_340, [1, 0] : vector<512x1xi32> -> vector<1x512xi32>
    %squeeze3A_426 = vector.shape_cast %transpose3A_425 : vector<1x512xi32> to vector<512xi32>
    %swap3A_427 = arith.constant 0 : index
    %swap3A_428 = vector.load %arg7[%swap3A_427] : memref<512xi32, #tpu.memory_space<vmem>>, vector<512xi32>
    tpu.vector_store %arg7[%swap3A_427], %squeeze3A_426 {strides = array<i32>} : memref<512xi32, #tpu.memory_space<vmem>>, vector<512xi32>,
    %transpose3A_429 = tpu.transpose %add3A_404, [1, 0] : vector<512x1xi32> -> vector<1x512xi32>
    %squeeze3A_430 = vector.shape_cast %transpose3A_429 : vector<1x512xi32> to vector<512xi32>
    %swap3A_431 = arith.constant 0 : index
    %swap3A_432 = vector.load %arg8[%swap3A_431] : memref<512xi32, #tpu.memory_space<vmem>>, vector<512xi32>
    tpu.vector_store %arg8[%swap3A_431], %squeeze3A_430 {strides = array<i32>} : memref<512xi32, #tpu.memory_space<vmem>>, vector<512xi32>,
    return
  }
  func.func @transform_0(%arg0: i32, %arg1: i32) -> (i32, i32, i32) {
    %c0_i32 = arith.constant 0 : i32
    %c0_i32_0 = arith.constant 0 : i32
    return %arg0, %arg1, %c0_i32 : i32, i32, i32
  }
  func.func @transform_1(%arg0: i32, %arg1: i32) -> (i32, i32, i32) {
    %c0_i32 = arith.constant 0 : i32
    %c0_i32_0 = arith.constant 0 : i32
    return %arg0, %arg1, %c0_i32 : i32, i32, i32
  }
  func.func @transform_2(%arg0: i32, %arg1: i32) -> (i32, i32, i32) {
    %c0_i32 = arith.constant 0 : i32
    %c0_i32_0 = arith.constant 0 : i32
    %c0_i32_1 = arith.constant 0 : i32
    return %arg0, %c0_i32, %c0_i32_0 : i32, i32, i32
  }
  func.func @transform_3(%arg0: i32, %arg1: i32) -> i32 {
    %mul3A = arith.constant 8 : i32
    %mul3A_0 = arith.muli %arg0, %mul3A : i32
    %add3A = arith.addi %mul3A_0, %arg1 : i32
    %c0_i32 = arith.constant 0 : i32
    return %add3A : i32
  }
  func.func @transform_4(%arg0: i32, %arg1: i32) -> i32 {
    %mul3A = arith.constant 8 : i32
    %mul3A_0 = arith.muli %arg0, %mul3A : i32
    %add3A = arith.addi %mul3A_0, %arg1 : i32
    %c0_i32 = arith.constant 0 : i32
    return %add3A : i32
  }
  func.func @transform_5(%arg0: i32, %arg1: i32) -> i32 {
    %mul3A = arith.constant 8 : i32
    %mul3A_0 = arith.muli %arg0, %mul3A : i32
    %add3A = arith.addi %mul3A_0, %arg1 : i32
    %c0_i32 = arith.constant 0 : i32
    return %add3A : i32
  }
  func.func @transform_6(%arg0: i32, %arg1: i32) -> i32 {
    %mul3A = arith.constant 8 : i32
    %mul3A_0 = arith.muli %arg0, %mul3A : i32
    %add3A = arith.addi %mul3A_0, %arg1 : i32
    %c0_i32 = arith.constant 0 : i32
    return %add3A : i32
  }
}

</mosaic_0001>

<sc_bundles>
// kernel: kernel.4.cloned.1.call-start
scs
__scs_entry_jumppad:
0x0: {  	(pc) =	sbr.rel $0x88, $3  }
0x1: {  	(tag) =	ssettag $0x0;
	lr =	simm.s32 $0x1  }
0x2: {  	[smem:$0x3F9F] =	sst lr;
	_ =	strace $0xD0000000  }
0x3: {  	_ = 	snop  }
0x4: {  	_ = 	snop  }
0x5: {  	_ = 	snop  }
0x6: {  	_ = 	snop  }
0x7: {  	_ = 	snop  }
__scs_overlays_trampoline_lowered:
0x8: {  	[smem:$0x3FAE] =	sst s0  }
0x9: {  	[smem:$0x3FAF] =	sst s1  }
0xa: {  	[smem:$0x3FB0] =	sst s2  }
0xb: {  	[smem:$0x3FB1] =	sst s3  }
0xc: {  	[smem:$0x3FB2] =	sst s4  }
0xd: {  	[smem:$0x3FB3] =	sst s5  }
0xe: {  	[smem:$0x3FB4] =	sst s6  }
0xf: {  	[smem:$0x3FB5] =	sst s7  }
0x10: {  	[smem:$0x3FB6] =	sst s8  }
0x11: {  	[smem:$0x3FB7] =	sst s9;
	s0 =	simm.s32 @!p0 $0x0  }
0x12: {  	s1 =	sld [smem:$0x3F9D];
	s0 =	simm.s32 @p0 $0x1  }
0x13: {  	[smem:$0x3FB8] =	sst s0;
	s0 =	simm.s32 @!p1 $0x0  }
0x14: {  	s2 =	sld [smem:$0x3F9C];
	s0 =	simm.s32 @p1 $0x1  }
0x15: {  	[smem:$0x3FB9] =	sst s0;
	s0 =	simm.s32 @!p2 $0x0  }
0x16: {  	s3 =	sld [smem:$0x3FDB];
	s0 =	simm.s32 @p2 $0x1  }
0x17: {  	s4 =	simm.s32 $0x1BF5;
	[smem:$0x3FBB] =	sst s0  }
0x18: {  	s0 =	sld [smem:$0x3F9E];
	_ =	swait.ge [sflag:s4], $0x0  }
0x19: {  	s7 =	sld [smem:$0x3F9F]  }
0x1a: {  	s8 =	sadd.s32 $0xFFFFE003, lr  }
0x1b: {  	s9 =	sadd.s32 $0xFFFFFEF7, lr;
	s5 =	simm.s32 $0xFFFFFFFF;
	p2 =	slt.u32 s8, $0xFFFFF086  }
0x1c: {  	p1 =	slt.u32 s9, $0xF7A;
	s5 =	simm.s32 @!p2 $0x0  }
0x1d: {  	s5 =	simm.s32 @p1 $0x1;
	p0 =	seq.s32 s7, s2  }
0x1e: {  	s7 =	smul.u32 @!p0 $0xF7A, s2;
	p2 =	seq.s32 @!p0 s5, $0x0  }
0x1f: {  	s9 =	smul.u32 $0xF7A, s1;
	s8 =	simm.s32 @!p0 $0x1BF5;
	p2 =	por !p2, p0  }
0x20: {  	[sflag:s8] =	ssyncset.s32 @!p0 $0xFFFFF086;
	s6 =	sadd.s32 @!p0 s3, s7;
	s7 =	simm.s32 @!p0 $0x108  }
0x21: {  	s3 =	sadd.s32 s3, s9;
	s6 =	sadd.s32 @!p0 $0x88, s6;
	s7 =	simm.s32 @p2 $0x1082  }
0x22: {  	[simem:s7], [sflag:s8] =	dma.local @!p0 [hbm:s6], $0xF7A  }
0x23: {  	s9 =	sor.u32 $0xD0000000, s2;
	s6 =	simm.s32 $0x108;
	_ =	swait.ge @!p0 [sflag:s8], $0x0  }
0x24: {  	s3 =	sadd.s32 $0x88, s3;
	s6 =	simm.s32 @!p1 $0x1082;
	[sflag:s4] =	ssyncset.s32 $0xFFFFF086  }
0x25: {  	[simem:s6], [sflag:s4] =	dma.local [hbm:s3], $0xF7A  }
0x26: {  	[smem:$0x3F9F] =	sst s1;
	(tag) =	ssettag s2;
	_ =	strace s9  }
0x27: {  	s1 =	sld [smem:$0x3FAF]  }
0x28: {  	s2 =	sld [smem:$0x3FB0]  }
0x29: {  	s4 =	sld [smem:$0x3FB2]  }
0x2a: {  	p0 =	seq.s32 s5, $0x0;
	s5 =	sld [smem:$0x3FB3]  }
0x2b: {  	s6 =	sld [smem:$0x3FB4]  }
0x2c: {  	s7 =	sld [smem:$0x3FB5]  }
0x2d: {  	s3 =	simm.s32 $0x108;
	s8 =	sld [smem:$0x3FB6]  }
0x2e: {  	s3 =	simm.s32 @!p0 $0x1082;
	s9 =	sld [smem:$0x3FB7]  }
0x2f: {  	lr =	sadd.s32 s0, s3;
	s0 =	sld [smem:$0x3FAE]  }
0x30: {  	s3 =	sld [smem:$0x3FB1]  }
0x31: {  	[smem:$0x3FBA] =	sst s10  }
0x32: {  	s10 =	sld [smem:$0x3FB8];
	_ =	sdelay $0x3  }
0x33: {  	p0 =	seq.s32 s10, $0x1;
	s10 =	sld [smem:$0x3FBA];
	_ =	sdelay $0x3  }
0x34: {  	[smem:$0x3FBA] =	sst s10  }
0x35: {  	s10 =	sld [smem:$0x3FB9];
	_ =	sdelay $0x3  }
0x36: {  	p1 =	seq.s32 s10, $0x1;
	s10 =	sld [smem:$0x3FBA];
	_ =	sdelay $0x3  }
0x37: {  	[smem:$0x3FBA] =	sst s10  }
0x38: {  	s10 =	sld [smem:$0x3FBB]  }
0x39: {  	_ = 	snop;
	(pc) =	sbr.ind lr, $3  }
0x3a: {  	_ = 	snop  }
0x3b: {  	_ = 	snop  }
0x3c: {  	p2 =	seq.s32 s10, $0x1;
	s10 =	sld [smem:$0x3FBA]  }
0x3d: {  	_ =	shalt  }
0x3e: {  	_ =	shalt  }
0x3f: {  	_ =	shalt  }
0x40: {  	_ =	shalt  }
0x41: {  	_ =	shalt  }
0x42: {  	_ =	shalt  }
0x43: {  	_ =	shalt  }
0x44: {  	_ =	shalt  }
0x45: {  	_ =	shalt  }
0x46: {  	_ =	shalt  }
0x47: {  	_ =	shalt  }
0x48: {  	_ =	shalt  }
0x49: {  	_ =	shalt  }
0x4a: {  	_ =	shalt  }
0x4b: {  	_ =	shalt  }
0x4c: {  	_ =	shalt  }
0x4d: {  	_ =	shalt  }
0x4e: {  	_ =	shalt  }
0x4f: {  	_ =	shalt  }
0x50: {  	_ =	shalt  }
0x51: {  	_ =	shalt  }
0x52: {  	_ =	shalt  }
0x53: {  	_ =	shalt  }
0x54: {  	_ =	shalt  }
0x55: {  	_ =	shalt  }
0x56: {  	_ =	shalt  }
0x57: {  	_ =	shalt  }
0x58: {  	_ =	shalt  }
0x59: {  	_ =	shalt  }
0x5a: {  	_ =	shalt  }
0x5b: {  	_ =	shalt  }
0x5c: {  	_ =	shalt  }
0x5d: {  	_ =	shalt  }
0x5e: {  	_ =	shalt  }
0x5f: {  	_ =	shalt  }
0x60: {  	_ =	shalt  }
0x61: {  	_ =	shalt  }
0x62: {  	_ =	shalt  }
0x63: {  	_ =	shalt  }
0x64: {  	_ =	shalt  }
0x65: {  	_ =	shalt  }
0x66: {  	_ =	shalt  }
0x67: {  	_ =	shalt  }
0x68: {  	_ =	shalt  }
0x69: {  	_ =	shalt  }
0x6a: {  	_ =	shalt  }
0x6b: {  	_ =	shalt  }
0x6c: {  	_ =	shalt  }
0x6d: {  	_ =	shalt  }
0x6e: {  	_ =	shalt  }
0x6f: {  	_ =	shalt  }
0x70: {  	_ =	shalt  }
0x71: {  	_ =	shalt  }
0x72: {  	_ =	shalt  }
0x73: {  	_ =	shalt  }
0x74: {  	_ =	shalt  }
0x75: {  	_ =	shalt  }
0x76: {  	_ =	shalt  }
0x77: {  	_ =	shalt  }
0x78: {  	_ =	shalt  }
0x79: {  	_ =	shalt  }
0x7a: {  	_ =	shalt  }
0x7b: {  	_ =	shalt  }
0x7c: {  	_ =	shalt  }
0x7d: {  	_ =	shalt  }
0x7e: {  	_ =	shalt  }
0x7f: {  	_ =	shalt  }
0x80: {  	_ =	shalt  }
0x81: {  	_ =	shalt  }
0x82: {  	_ =	shalt  }
0x83: {  	_ =	shalt  }
0x84: {  	_ =	shalt  }
0x85: {  	_ =	shalt  }
0x86: {  	_ =	shalt  }
0x87: {  	_ =	shalt  }
.Lfunc_end0:
.L_simem_size_0:
called_computation_lowered:
.L_overlay_start_0:
0x88: {  	s2 =	sld [smem:$0x3FD9]  }
0x89: {  	s3 =	sld [smem:$0x3FFE];
	_ =	sdelay $0x1  }
0x8a: {  	s1 =	srdreg.scid  }
0x8b: {  	s0 =	sand.u32 $0x1, s1  }
0x8c: {  	s17 =	sshll.u32 s0, $0xA;
	s2 =	sadd.s32 s3, s2  }
0x8d: {  	s2 =	sadd.s32 s2, s17  }
0x8e: {  	[smem:$0x3FC6] =	sst s2  }
0x8f: {  	_ = 	snop  }
0x90: {  	s2 =	sld [smem:$0x3FD0];
	(tm) =	ssettm $0x1  }
0x91: {  	s18 =	sld [smem:$0x3FFB];
	_ =	sdelay $0x3  }
0x92: {  	_ =	strace s18  }
0x93: {  	s3 =	sld [smem:$0x3FFC];
	_ =	sdelay $0x3  }
0x94: {  	_ =	strace s3  }
0x95: {  	s3 =	sld [smem:$0x3FFD];
	_ =	sdelay $0x3  }
0x96: {  	_ =	strace s3  }
0x97: {  	_ =	strace $0x8FFFFFFF  }
0x98: {  	s19 =	sld [smem:$0x3FDB];
	_ =	sdelay $0x1  }
0x99: {  	s4 =	simm.s32 $_scs_section_size  }
0x9a: {  	s5 =	simm.s32 $_size__tile_overlayer_lowered;
	s6 =	simm.s32 $_tile_overlayer_lowered  }
0x9b: {  	s22 =	simm.s32 $0x1BFF;
	s21 =	sshll.u32 s6, $0x1;
	s3 =	sadd.s32 s4, s19  }
0x9c: {  	s7 =	simm.s32 $0x0;
	s20 =	sshll.u32 s5, $0x1;
	s5 =	sadd.s32 s21, s3  }
0x9d: {  	[timem:s7], [sflag:s22] =	dma.local [hbm:s5], s20  }
0x9e: {  	_ =	swait.ge [sflag:s22], s20  }
0x9f: {  	s4 =	ssub.s32 $0x0, s20;
	[sflag:s22] =	ssyncset.done $0x0  }
0xa0: {  	[sflag:s22] =	ssyncadd.s32 s4;
	_ =	sdelay $0x1  }
0xa1: {  	s23 =	simm.s32 $0x1B8B  }
0xa2: {  	_ =	swait.ge [sflag:s23], $0x1  }
0xa3: {  	[sflag:s23] =	ssyncset.done $0x0  }
0xa4: {  	s25 =	simm.s32 $0x1B8E;
	s24 =	sld [smem:$0x3FFE];
	[sflag:s23] =	ssyncadd.s32 $0xFFFFFFFF  }
0xa5: {  	s26 =	simm.s32 $execute0_lowered;
	[smem:$0x3FD2] =	sst s25  }
0xa6: {  	s5 =	sshll.u32 s26, $0x1;
	_ =	strace $0x80000046;
	[dreg:$0x1] =	wrdreg $0xFFFFFFFF  }
0xa7: {  	s28 =	simm.s32 $_size_execute0_lowered;
	s3 =	sadd.s32 s3, s5;
	[dreg:$0x0] =	wrdreg $0x0  }
0xa8: {  	s5 =	sshll.u32 s28, $0x1;
	[dreg:$0x2] =	wrdreg s3  }
0xa9: {  	[dreg:$0x3] =	wrdreg s5  }
0xaa: {  	[dreg:$0x4] =	wrdreg $0xC0  }
0xab: {  	_ =	task [dreg:s7], $0x5FFFF  }
0xac: {  	[dreg:$0x1] =	wrdreg $0xFFFFFFFF  }
0xad: {  	[dreg:$0x0] =	wrdreg $0x60  }
0xae: {  	[dreg:$0x2] =	wrdreg s24  }
0xaf: {  	[dreg:$0x3] =	wrdreg s2  }
0xb0: {  	[dreg:$0x4] =	wrdreg $0x9  }
0xb1: {  	_ =	task.clear_ibuf [dreg:s7], $0x5FFFF;
	_ =	strace $0x90000046  }
0xb2: {  	s29 =	simm.s32 $0x9;
	_ =	strace $0x80000048  }
0xb3: {  	_ =	swait.ge [sflag:s29], $0x1  }
0xb4: {  	[sflag:s29] =	ssyncadd.s32 $0xFFFFFFFF  }
0xb5: {  	_ =	strace $0x90000048  }
0xb6: {  	_ =	sfence  }
0xb7: {  	s30 =	sld [smem:$0x0];
	_ =	sdelay $0x2  }
0xb8: {  	s31 =	sshll.u32 s1, $0xD;
	s1 =	sshrl.u32 s1, $0x2  }
0xb9: {  	s3 =	sand.u32 $0x4000, s31;
	s1 =	sadd.s32 s1, s30  }
0xba: {  	s0 =	sor.u32 s3, s0;
	s1 =	sshll.u32 s1, $0x11  }
0xbb: {  	s0 =	sor.u32 s1, s0  }
0xbc: {  	s0 =	sadd.s32 $0x8F2B, s0  }
0xbd: {  	[sflag:s0] =	ssyncadd.remote.s32 $0x1  }
0xbe: {  	_ =	sfence.sel $0xFFFF  }
0xbf: {  	[dreg:$0x0] =	wrdreg $0xFFFFFFFF;
	(pc) =	sbr.abs _section_cstart, $3  }
0xc0: {  	[dreg:$0x1] =	wrdreg $0xFFFFFFFF  }
0xc1: {  	_ =	task.clear_ibuf [dreg:s7], $0x2FFFF;
	_ =	strace $0x9FFFFFFF  }
0xc2: {  	(tm) =	ssettm $0x7FFFFFFF  }
0xc3: {  	_ =	shalt  }
tec
execute0_lowered:
.L_overlay_start_1:
0x0: {  	(tag) =	ssettag $0x1  }
0x1: {  	s3 =	rddreg [dreg:$0x0]  }
0x2: {  	s7 =	rddreg [dreg:$0x1]  }
0x3: {  	s0 =	rddreg [dreg:$0x2];
	s2 =	simm.s32 $0x0  }
0x4: {  	s4 =	srdreg.scid;
	s1 =	stileid.u32;
	s11 =	simm.s32 $0x4000  }
0x5: {  	s12 =	simm.s32 $0x4100;
	s13 =	simm.s32 $0x1;
	s14 =	simm.s32 $0x2000  }
0x6: {  	s15 =	simm.s32 $0x3000;
	s16 =	simm.s32 $0x4200;
	s17 =	simm.s32 $0x6200  }
0x7: {  	s18 =	simm.s32 $0x2;
	s19 =	simm.s32 $0x0;
	[smem:$0x7FF] =	sst s2  }
0x8: {  	v0 =	vlaneseq.u32;
	s4 =	sand.u32 $0x1, s4;
	s5 =	sshll.u32 s1, $0x1;
	s6 =	sshll.u32 s1, $0x6  }
0x9: {  	v1 =	vor.u32 $0xFFFFFFC0, v0;
	v2 =	vadd.s32 $0x1, v0;
	_ =	strace $0x80000047;
	s5 =	sor.u32 s4, s5;
	s4 =	ssub.s32 $0x2, s4  }
0xa: {  	v3 =	vor.u32 $0xFFFFFFD0, v0;
	v4 =	vadd.s32 $0x11, v0;
	v16 =	vmul.u32 $0xFFFFFFFF, v0;
	s6 =	sand.u32 $0x200, s6;
	s8 =	sshll.u32 s5, $0x5;
	s9 =	sshrl.u32 s4, $0x1  }
0xb: {  	v5 =	vor.u32 $0xFFFFFFE0, v0;
	v6 =	vadd.s32 $0x21, v0;
	v7 =	vor.u32 $0xFFFFFFF0, v0;
	s6 =	sadd.s32 s6, s3;
	s10 =	sshll.u32 s5, $0xB;
	s8 =	sadd.s32 s8, s3  }
0xc: {  	v8 =	vadd.s32 $0x31, v0;
	v9 =	vadd.s32 $0xFFFFFFFF, v16;
	v10 =	vadd.s32 $0x40, v16;
	s9 =	ssub.s32 s4, s9;
	s3 =	sadd.s32 $0x1400, s6;
	s4 =	sadd.s32 $0x1C00, s6  }
0xd: {  	v11 =	vadd.s32 $0xFFFFFFEF, v16;
	v12 =	vadd.s32 $0x30, v16;
	v13 =	vadd.s32 $0xFFFFFFDF, v16;
	s7 =	sadd.s32 s7, s10;
	s10 =	simm.s32 $0x1000;
	s5 =	sadd.s32 $0x1000, s8  }
0xe: {  	v14 =	vadd.s32 $0x20, v16;
	v15 =	vadd.s32 $0xFFFFFFCF, v16;
	v16 =	vadd.s32 $0x10, v16;
	s6 =	sadd.s32 $0x1800, s8;
	s8 =	sadd.s32 $0x400, s7;
	s9 =	smax.u32 s9, $0x1  }
.LBB2_1:
0xf: {  	[tilespmem:s2], [sflag:$0x1] =	stream.linear.gather [hbm4b:s3+s2], $0x1000, $0x38;
	[tilespmem:$0x8200] =	vst v63  }
0x10: {  	_ = 	snop  }
0x11: {  	[tilespmem:s10], [sflag:$0x1] =	stream.linear.gather [hbm4b:s4+s2], $0x1000, $0x38;
	[tilespmem:$0x8200] =	vst v63  }
0x12: {  	_ = 	snop  }
0x13: {  	[tilespmem:s11], [sflag:$0x1] =	stream.linear.gather [hbm4b:s5+s2], $0x100, $0x38;
	[tilespmem:$0x8200] =	vst v63  }
0x14: {  	_ = 	snop  }
0x15: {  	[tilespmem:s12], [sflag:$0x1] =	stream.linear.gather [hbm4b:s6+s2], $0x100, $0x38;
	[tilespmem:$0x8200] =	vst v63  }
0x16: {  	_ =	swait.ge [sflag:s13], $0x1000  }
0x17: {  	[sflag:s13] =	ssyncset.done $0x0  }
0x18: {  	[sflag:s13] =	ssyncadd.s32 $0xFFFFF000  }
0x19: {  	_ =	swait.ge [sflag:s13], $0x1000  }
0x1a: {  	[sflag:s13] =	ssyncset.done $0x0  }
0x1b: {  	[sflag:s13] =	ssyncadd.s32 $0xFFFFF000  }
0x1c: {  	_ =	swait.ge [sflag:s13], $0x100  }
0x1d: {  	[sflag:s13] =	ssyncset.done $0x0  }
0x1e: {  	[sflag:s13] =	ssyncadd.s32 $0xFFFFFF00  }
0x1f: {  	_ =	swait.ge [sflag:s13], $0x100  }
0x20: {  	[sflag:s13] =	ssyncset.done $0x0  }
0x21: {  	s20 =	simm.s32 $0x40;
	[sflag:s13] =	ssyncadd.s32 $0xFFFFFF00  }
0x22: {  	v17 =	vld [tilespmem:s20+$0x30]  }
0x23: {  	v20 =	vld [tilespmem:s20+$0x20]  }
0x24: {  	v21 =	vld [tilespmem:s20+$0x10]  }
0x25: {  	v22 =	vld [tilespmem:s20+$0x0]  }
0x26: {  	v30 =	vld [tilespmem:s20+$0xFFFFFFF0]  }
0x27: {  	v31 =	vld [tilespmem:s20+$0xFFFFFFE0]  }
0x28: {  	s21 =	simm.s32 $0x70;
	v32 =	vld [tilespmem:s20+$0xFFFFFFD0]  }
0x29: {  	s28 =	simm.s32 $0x60;
	s22 =	simm.s32 $0xC0;
	v18 =	vor.u32 s21, v0;
	v24 =	vld [tilespmem:s20+$0xFFFFFFC0]  }
0x2a: {  	s29 =	simm.s32 $0x50;
	v23 =	vor.u32 s28, v0;
	v25 =	vld [tilespmem:s22+$0x30];
	[tilespmem:v17+s14+$0x0] =	vst.idx.msk $0xffff, v18  }
0x2b: {  	s30 =	simm.s32 $0x40;
	v19 =	vor.u32 s29, v0;
	v26 =	vld [tilespmem:s22+$0x20];
	[tilespmem:v20+s14+$0x0] =	vst.idx.msk $0xffff, v23  }
0x2c: {  	s31 =	simm.s32 $0x30;
	v27 =	vld [tilespmem:s22+$0x10];
	v20 =	vor.u32 s30, v0;
	[tilespmem:v21+s14+$0x0] =	vst.idx.msk $0xffff, v19  }
0x2d: {  	s23 =	simm.s32 $0x20;
	v28 =	vld [tilespmem:s22+$0x0];
	v21 =	vor.u32 s31, v0;
	[tilespmem:v22+s14+$0x0] =	vst.idx.msk $0xffff, v20  }
0x2e: {  	s24 =	simm.s32 $0x10;
	s20 =	simm.s32 $0xF0;
	v29 =	vld [tilespmem:s22+$0xFFFFFFF0];
	v23 =	vor.u32 s23, v0;
	[tilespmem:v30+s14+$0x0] =	vst.idx.msk $0xffff, v21  }
0x2f: {  	s21 =	simm.s32 $0x0;
	v17 =	vor.u32 s20, v0;
	v30 =	vld [tilespmem:s22+$0xFFFFFFE0];
	v22 =	vor.u32 s24, v0;
	[tilespmem:v31+s14+$0x0] =	vst.idx.msk $0xffff, v23  }
0x30: {  	s25 =	simm.s32 $0x170;
	v33 =	vor.u32 s21, v0;
	s23 =	simm.s32 $0xF0;
	s24 =	simm.s32 $0x8;
	v31 =	vld [tilespmem:s22+$0xFFFFFFD0];
	[tilespmem:v32+s14+$0x0] =	vst.idx.msk $0xffff, v22;
	v32 =	vmov v17  }
.LBB2_2:
0x31: {  	v34 =	vor.u32 s25, v0;
	s24 =	sadd.s32 $0x8, s24;
	s26 =	sadd.s32 $0xFFFFFFF0, s23;
	[tilespmem:v24+s14+$0x0] =	vst.idx.msk $0xffff, v33;
	v24 =	vld [tilespmem:s22+$0xFFFFFFC0];
	s22 =	sadd.s32 $0x80, s22  }
0x32: {  	s28 =	sadd.s32 $0xFFFFFFE0, s23;
	p0 =	slt.u32 s24, $0xF8;
	v33 =	vor.u32 s26, v0;
	[tilespmem:v25+s14+$0x0] =	vst.idx.msk $0xffff, v32;
	v25 =	vld [tilespmem:s22+$0x30];
	v32 =	vmov v34  }
0x33: {  	s26 =	sadd.s32 $0xFFFFFFD0, s23;
	v34 =	vor.u32 s28, v0;
	[tilespmem:v26+s14+$0x0] =	vst.idx.msk $0xffff, v33;
	v26 =	vld [tilespmem:s22+$0x20]  }
.Ltmp0:
0x34: {  	s28 =	sadd.s32 $0xFFFFFFC0, s23;
	v33 =	vor.u32 s26, v0;
	[tilespmem:v27+s14+$0x0] =	vst.idx.msk $0xffff, v34;
	v27 =	vld [tilespmem:s22+$0x10];
	(pc) =	sbr.rel @p0 .LBB2_2-.Ltmp0, $4  }
0x35: {  	s26 =	sadd.s32 $0xFFFFFFB0, s23;
	v34 =	vor.u32 s28, v0;
	[tilespmem:v28+s14+$0x0] =	vst.idx.msk $0xffff, v33;
	v28 =	vld [tilespmem:s22+$0x0]  }
0x36: {  	s28 =	sadd.s32 $0xFFFFFFA0, s23;
	v33 =	vor.u32 s26, v0;
	[tilespmem:v29+s14+$0x0] =	vst.idx.msk $0xffff, v34;
	v29 =	vld [tilespmem:s22+$0xFFFFFFF0]  }
0x37: {  	s26 =	sadd.s32 $0xFFFFFF90, s23;
	s23 =	smov.u32 s25;
	v34 =	vor.u32 s28, v0;
	[tilespmem:v30+s14+$0x0] =	vst.idx.msk $0xffff, v33;
	v30 =	vld [tilespmem:s22+$0xFFFFFFE0]  }
0x38: {  	s25 =	sadd.s32 $0x80, s25;
	v33 =	vor.u32 s26, v0;
	[tilespmem:v31+s14+$0x0] =	vst.idx.msk $0xffff, v34;
	v31 =	vld [tilespmem:s22+$0xFFFFFFD0]  }
0x39: {  	_ =	sdelay $0x3  }
0x3a: {  	v34 =	vld [tilespmem:s22+$0xFFFFFFC0];
	s30 =	sadd.s32 $0xFFFFFFF0, s23;
	[tilespmem:v24+s14+$0x0] =	vst.idx.msk $0xffff, v33  }
0x3b: {  	s24 =	sadd.s32 $0xFFFFFFE0, s23;
	[tilespmem:v25+s14+$0x0] =	vst.idx.msk $0xffff, v32;
	v24 =	vor.u32 s30, v0  }
0x3c: {  	s31 =	sadd.s32 $0xFFFFFFD0, s23;
	v25 =	vor.u32 s24, v0;
	[tilespmem:v26+s14+$0x0] =	vst.idx.msk $0xffff, v24  }
0x3d: {  	s25 =	sadd.s32 $0xFFFFFFC0, s23;
	v24 =	vor.u32 s31, v0;
	[tilespmem:v27+s14+$0x0] =	vst.idx.msk $0xffff, v25  }
0x3e: {  	s26 =	sadd.s32 $0xFFFFFFB0, s23;
	v25 =	vor.u32 s25, v0;
	[tilespmem:v28+s14+$0x0] =	vst.idx.msk $0xffff, v24  }
0x3f: {  	s28 =	sadd.s32 $0xFFFFFFA0, s23;
	v24 =	vor.u32 s26, v0;
	[tilespmem:v29+s14+$0x0] =	vst.idx.msk $0xffff, v25  }
0x40: {  	s29 =	sadd.s32 $0xFFFFFF90, s23;
	v25 =	vor.u32 s28, v0;
	[tilespmem:v30+s14+$0x0] =	vst.idx.msk $0xffff, v24  }
0x41: {  	v24 =	vor.u32 s29, v0;
	[tilespmem:v31+s14+$0x0] =	vst.idx.msk $0xffff, v25  }
0x42: {  	s30 =	simm.s32 $0x1040;
	[tilespmem:v34+s14+$0x0] =	vst.idx.msk $0xffff, v24  }
0x43: {  	v24 =	vld [tilespmem:s30+$0x30]  }
0x44: {  	v25 =	vld [tilespmem:s30+$0x20]  }
0x45: {  	v29 =	vld [tilespmem:s30+$0x10]  }
0x46: {  	v30 =	vld [tilespmem:s30+$0x0]  }
0x47: {  	v31 =	vld [tilespmem:s30+$0xFFFFFFF0]  }
0x48: {  	v32 =	vld [tilespmem:s30+$0xFFFFFFE0]  }
0x49: {  	v33 =	vld [tilespmem:s30+$0xFFFFFFD0]  }
0x4a: {  	s22 =	simm.s32 $0x10C0;
	s31 =	simm.s32 $0x60;
	v28 =	vld [tilespmem:s30+$0xFFFFFFC0]  }
0x4b: {  	v63 =	vor.u32 s31, v0;
	v26 =	vld [tilespmem:s22+$0x30];
	[tilespmem:v24+s15+$0x0] =	vst.idx.msk $0xffff, v18  }
0x4c: {  	v27 =	vld [tilespmem:s22+$0x20];
	[tilespmem:v25+s15+$0x0] =	vst.idx.msk $0xffff, v63  }
0x4d: {  	v25 =	vld [tilespmem:s22+$0x10];
	[tilespmem:v29+s15+$0x0] =	vst.idx.msk $0xffff, v19  }
0x4e: {  	v24 =	vld [tilespmem:s22+$0x0];
	[tilespmem:v30+s15+$0x0] =	vst.idx.msk $0xffff, v20  }
0x4f: {  	v19 =	vld [tilespmem:s22+$0xFFFFFFF0];
	[tilespmem:v31+s15+$0x0] =	vst.idx.msk $0xffff, v21  }
0x50: {  	v18 =	vld [tilespmem:s22+$0xFFFFFFE0];
	[tilespmem:v32+s15+$0x0] =	vst.idx.msk $0xffff, v23  }
0x51: {  	s23 =	simm.s32 $0xE0;
	s24 =	simm.s32 $0x8;
	s25 =	simm.s32 $0x170;
	v20 =	vld [tilespmem:s22+$0xFFFFFFD0];
	v21 =	vor.u32 s21, v0;
	[tilespmem:v33+s15+$0x0] =	vst.idx.msk $0xffff, v22  }
.LBB2_4:
0x52: {  	s21 =	sadd.s32 $0xFFFFFFF0, s25;
	v22 =	vor.u32 s25, v0;
	s24 =	sadd.s32 $0x8, s24;
	[tilespmem:v28+s15+$0x0] =	vst.idx.msk $0xffff, v21;
	v28 =	vld [tilespmem:s22+$0xFFFFFFC0];
	s22 =	sadd.s32 $0x80, s22  }
0x53: {  	s26 =	sadd.s32 $0xFFFFFFE0, s20;
	v21 =	vor.u32 s23, v0;
	p0 =	slt.u32 s24, $0xF8;
	[tilespmem:v26+s15+$0x0] =	vst.idx.msk $0xffff, v17;
	v26 =	vld [tilespmem:s22+$0x30];
	v17 =	vmov v22;
	s23 =	smov.u32 s21  }
0x54: {  	s21 =	sadd.s32 $0xFFFFFFD0, s20;
	v22 =	vor.u32 s26, v0;
	[tilespmem:v27+s15+$0x0] =	vst.idx.msk $0xffff, v21;
	v27 =	vld [tilespmem:s22+$0x20]  }
.Ltmp1:
0x55: {  	s26 =	sadd.s32 $0xFFFFFFC0, s20;
	v21 =	vor.u32 s21, v0;
	[tilespmem:v25+s15+$0x0] =	vst.idx.msk $0xffff, v22;
	v25 =	vld [tilespmem:s22+$0x10];
	(pc) =	sbr.rel @p0 .LBB2_4-.Ltmp1, $4  }
0x56: {  	s21 =	sadd.s32 $0xFFFFFFB0, s20;
	v22 =	vor.u32 s26, v0;
	[tilespmem:v24+s15+$0x0] =	vst.idx.msk $0xffff, v21;
	v24 =	vld [tilespmem:s22+$0x0]  }
0x57: {  	s26 =	sadd.s32 $0xFFFFFFA0, s20;
	v21 =	vor.u32 s21, v0;
	[tilespmem:v19+s15+$0x0] =	vst.idx.msk $0xffff, v22;
	v19 =	vld [tilespmem:s22+$0xFFFFFFF0]  }
0x58: {  	s21 =	sadd.s32 $0xFFFFFF90, s20;
	s20 =	smov.u32 s25;
	v22 =	vor.u32 s26, v0;
	[tilespmem:v18+s15+$0x0] =	vst.idx.msk $0xffff, v21;
	v18 =	vld [tilespmem:s22+$0xFFFFFFE0]  }
0x59: {  	s25 =	sadd.s32 $0x80, s25;
	v21 =	vor.u32 s21, v0;
	[tilespmem:v20+s15+$0x0] =	vst.idx.msk $0xffff, v22;
	v20 =	vld [tilespmem:s22+$0xFFFFFFD0]  }
0x5a: {  	_ =	sdelay $0x3  }
0x5b: {  	v22 =	vld [tilespmem:s22+$0xFFFFFFC0];
	[tilespmem:v28+s15+$0x0] =	vst.idx.msk $0xffff, v21  }
0x5c: {  	s21 =	sadd.s32 $0xFFFFFFE0, s20;
	v21 =	vor.u32 s23, v0;
	[tilespmem:v26+s15+$0x0] =	vst.idx.msk $0xffff, v17  }
0x5d: {  	s24 =	sadd.s32 $0xFFFFFFD0, s20;
	v17 =	vor.u32 s21, v0;
	[tilespmem:v27+s15+$0x0] =	vst.idx.msk $0xffff, v21  }
0x5e: {  	s25 =	sadd.s32 $0xFFFFFFC0, s20;
	s26 =	simm.s32 $0x1;
	v21 =	vor.u32 s24, v0;
	[tilespmem:v25+s15+$0x0] =	vst.idx.msk $0xffff, v17  }
0x5f: {  	s28 =	sadd.s32 $0xFFFFFFB0, s20;
	v17 =	vor.u32 s25, v0;
	[tilespmem:v24+s15+$0x0] =	vst.idx.msk $0xffff, v21;
	v21 =	vmov s26  }
0x60: {  	s29 =	sadd.s32 $0xFFFFFFA0, s20;
	v23 =	vor.u32 s28, v0;
	[tilespmem:v19+s15+$0x0] =	vst.idx.msk $0xffff, v17  }
0x61: {  	s30 =	sadd.s32 $0xFFFFFF90, s20;
	v17 =	vor.u32 s29, v0;
	[tilespmem:v18+s15+$0x0] =	vst.idx.msk $0xffff, v23  }
0x62: {  	v18 =	vor.u32 s30, v0;
	[tilespmem:v20+s15+$0x0] =	vst.idx.msk $0xffff, v17  }
0x63: {  	[tilespmem:v22+s15+$0x0] =	vst.idx.msk $0xffff, v18  }
0x64: {  	v17 =	vld.idx.msk [tilespmem:v21+s11+$0x0], $0xffff  }
0x65: {  	v18 =	vld.idx.msk [tilespmem:v21+s12+$0x0], $0xffff;
	_ =	sdelay $0x3  }
0x66: {  	v19 =	vshra.s32 v17, $0x7  }
0x67: {  	v21 =	vshra.s32 v18, $0x7;
	v20 =	vadd.s32 v1, v19  }
0x68: {  	v22 =	vadd.s32 v9, v21;
	v23 =	vadd.s32 v11, v21;
	v24 =	vadd.s32 v15, v21  }
0x69: {  	v25 =	vadd.s32 v5, v19;
	v26 =	vadd.s32 v3, v19;
	vm0 =	vgt.s32 v20, $0x0  }
0x6a: {  	v19 =	vadd.s32 v7, v19;
	vm1 =	vgt.s32 v25, $0x0;
	v20 =	vnsel vm0, $0x0, v20  }
0x6b: {  	vm2 =	vgt.s32 v26, $0x0;
	v25 =	vnsel vm1, $0x0, v25;
	v20 =	vmin.u32 v20, $0xFFF  }
0x6c: {  	vm1 =	vgt.s32 v23, $0x0;
	v26 =	vnsel vm2, $0x0, v26;
	v25 =	vmin.u32 v25, $0xFFF  }
0x6d: {  	vm0 =	vgt.s32 v24, $0x0;
	v23 =	vnsel vm1, $0x0, v23;
	v26 =	vmin.u32 v26, $0xFFF  }
0x6e: {  	vm1 =	vgt.s32 v22, $0x0;
	v24 =	vnsel vm0, $0x0, v24;
	v23 =	vmin.u32 v23, $0xFFF  }
0x6f: {  	vm0 =	vgt.s32 v19, $0x0;
	v22 =	vnsel vm1, $0x0, v22;
	v24 =	vmin.u32 v24, $0xFFF  }
0x70: {  	v19 =	vnsel vm0, $0x0, v19;
	v22 =	vmin.u32 v22, $0xFFF;
	v20 =	vld.idx.msk [tilespmem:v20+s14+$0x0], $0xffff  }
0x71: {  	v19 =	vmin.u32 v19, $0xFFF;
	v25 =	vld.idx.msk [tilespmem:v25+s14+$0x0], $0xffff  }
0x72: {  	v26 =	vld.idx.msk [tilespmem:v26+s14+$0x0], $0xffff  }
0x73: {  	s31 =	simm.s32 $0x0;
	v23 =	vld.idx.msk [tilespmem:v23+s15+$0x0], $0xffff  }
0x74: {  	v50 =	vmov s31;
	v21 =	vadd.s32 v13, v21;
	v24 =	vld.idx.msk [tilespmem:v24+s15+$0x0], $0xffff  }
0x75: {  	v17 =	vand.u32 $0x7F, v17;
	v18 =	vand.u32 $0x7F, v18;
	vm1 =	vgt.s32 v21, $0x0;
	v22 =	vld.idx.msk [tilespmem:v22+s15+$0x0], $0xffff  }
0x76: {  	vm4 =	vlt.u32 v18, v10;
	vm5 =	vlt.u32 v18, v12;
	v21 =	vnsel vm1, $0x0, v21;
	v19 =	vld.idx.msk [tilespmem:v19+s14+$0x0], $0xffff  }
0x77: {  	p2 =	por $0x1, $0x1;
	vm6 =	vlt.u32 v17, v4;
	vm3 =	vlt.u32 v18, v14;
	v28 =	vmin.u32 v21, $0xFFF  }
.Ltmp2:
0x78: {  	vm2 =	vlt.u32 v18, v16;
	vm0 =	vlt.u32 v17, v8;
	vm1 =	vlt.u32 v17, v2;
	(pc) =	sbr.rel @!p2 .LBB2_6-.Ltmp2, $4  }
0x79: {  	v27 =	vnsel vm1, $0xFFFFFFFF, v20;
	vm1 =	vlt.u32 v17, v6;
	v17 =	vnsel vm6, $0xFFFFFFFF, v26  }
0x7a: {  	v18 =	vnsel vm5, $0xFFFFFFFF, v23;
	v32 =	vnsel vm1, $0xFFFFFFFF, v25;
	v21 =	vnsel vm2, $0xFFFFFFFF, v24  }
0x7b: {  	s20 =	simm.s32 $0x40;
	s22 =	simm.s32 $0x2;
	v35 =	vnsel vm4, $0xFFFFFFFF, v22;
	vm1 =	vlt.s32 v17, v18;
	v22 =	vnsel vm0, $0xFFFFFFFF, v19  }
0x7c: {  	p0 =	por $0x0, $0x0;
	p1 =	por $0x0, $0x0;
	s21 =	simm.s32 $0x4220;
	v41 =	vld.idx.msk [tilespmem:v28+s15+$0x0], $0xffff;
	v17 =	vsel vm1, v17, v18;
	vm7 =	vlt.s32 v27, v35;
	vm5 =	vlt.s32 v22, v21  }
0x7d: {  	s23 =	simm.s32 $0x3;
	v19 =	vand.u32 $0xFFFFFFFE, v50  }
0x7e: {  	v18 =	vmov s23;
	v20 =	vbroadcast v19, $0x0;
	_ =	sdelay $0x4  }
0x7f: {  	v23 =	vld.idx.msk [tilespmem:v18+s11+$0x0], $0xffff  }
0x80: {  	v19 =	vnsel vm3, $0xFFFFFFFF, v41;
	v26 =	vld.idx.msk [tilespmem:v20+s11+$0x0], $0xffff  }
0x81: {  	vm0 =	vlt.s32 v32, v19;
	v56 =	vld.idx.msk [tilespmem:v20+s12+$0x0], $0xffff  }
0x82: {  	v24 =	vld.idx.msk [tilespmem:v18+s12+$0x0], $0xffff;
	v18 =	vsel vm7, v27, v35;
	v25 =	vsel vm0, v32, v19  }
0x83: {  	v50 =	vmov s22;
	vm1 =	vgt.s32 v18, v25  }
0x84: {  	vm0 =	vmmov vm5;
	v19 =	vsel vm1, v25, v18;
	v27 =	vshra.s32 v23, $0x7  }
0x85: {  	v18 =	vsel vm1, v18, v25;
	v23 =	vand.u32 $0x7F, v23;
	v28 =	vadd.s32 v1, v27  }
0x86: {  	vm5 =	vlt.u32 v23, v8;
	v29 =	vshra.s32 v26, $0x7;
	v37 =	vshra.s32 v56, $0x7  }
0x87: {  	vm3 =	vlt.u32 v23, v2;
	v38 =	vadd.s32 v3, v27;
	v39 =	vadd.s32 v5, v27  }
0x88: {  	v27 =	vadd.s32 v7, v27;
	vm1 =	vgt.s32 v28, $0x0;
	v33 =	vadd.s32 v7, v29  }
0x89: {  	v57 =	vadd.s32 v3, v29;
	v40 =	vadd.s32 v13, v37;
	vm4 =	vgt.s32 v39, $0x0  }
0x8a: {  	vm8 =	vgt.s32 v38, $0x0;
	v58 =	vadd.s32 v15, v37;
	v25 =	vnsel vm1, $0x0, v28  }
0x8b: {  	v28 =	vand.u32 $0x7F, v24;
	v24 =	vshra.s32 v24, $0x7;
	v39 =	vnsel vm4, $0x0, v39  }
0x8c: {  	v38 =	vnsel vm8, $0x0, v38;
	vm4 =	vgt.s32 v27, $0x0;
	vm8 =	vlt.u32 v23, v4  }
0x8d: {  	vm6 =	vlt.u32 v28, v16;
	v31 =	vadd.s32 v9, v24;
	v20 =	vadd.s32 v11, v24  }
0x8e: {  	v30 =	vadd.s32 v15, v24;
	v24 =	vadd.s32 v13, v24;
	v25 =	vmin.u32 v25, $0xFFF  }
0x8f: {  	v39 =	vmin.u32 v39, $0xFFF;
	v38 =	vmin.u32 v38, $0xFFF;
	v27 =	vnsel vm4, $0x0, v27  }
0x90: {  	vm4 =	vgt.s32 v58, $0x0;
	vm1 =	vgt.s32 v30, $0x0;
	vm2 =	vgt.s32 v20, $0x0  }
0x91: {  	vm7 =	vgt.s32 v31, $0x0;
	v42 =	vmin.u32 v27, $0xFFF;
	v30 =	vnsel vm1, $0x0, v30  }
0x92: {  	v20 =	vnsel vm2, $0x0, v20;
	vm1 =	vgt.s32 v24, $0x0;
	v31 =	vnsel vm7, $0x0, v31  }
0x93: {  	vm7 =	vgt.s32 v40, $0x0;
	v34 =	vmin.u32 v30, $0xFFF;
	v36 =	vmin.u32 v20, $0xFFF  }
0x94: {  	v20 =	vand.u32 $0x7F, v26;
	v24 =	vnsel vm1, $0x0, v24;
	v43 =	vmin.u32 v31, $0xFFF  }
0x95: {  	v26 =	vadd.s32 v5, v29;
	v30 =	vadd.s32 v11, v37;
	vm1 =	vlt.u32 v28, v10;
	v25 =	vld.idx.msk [tilespmem:v25+s14+$0x0], $0xffff  }
0x96: {  	v60 =	vnsel vm7, $0x0, v40;
	vm7 =	vlt.u32 v23, v6;
	vm2 =	vgt.s32 v30, $0x0  }
0x97: {  	v44 =	vmin.u32 v24, $0xFFF;
	v24 =	vnsel vm4, $0x0, v58;
	v30 =	vnsel vm2, $0x0, v30;
	v59 =	vld.idx.msk [tilespmem:v38+s14+$0x0], $0xffff  }
0x98: {  	vm2 =	vgt.s32 v57, $0x0;
	v31 =	vmin.u32 v24, $0xFFF;
	v24 =	vadd.s32 v9, v37;
	v46 =	vld.idx.msk [tilespmem:v42+s14+$0x0], $0xffff  }
0x99: {  	v38 =	vand.u32 $0x7F, v56;
	v37 =	vmin.u32 v60, $0xFFF;
	vm4 =	vgt.s32 v24, $0x0;
	v62 =	vld.idx.msk [tilespmem:v43+s15+$0x0], $0xffff  }
0x9a: {  	v24 =	vnsel vm4, $0x0, v24;
	v34 =	vld.idx.msk [tilespmem:v34+s15+$0x0], $0xffff;
	v27 =	vnsel vm3, $0xFFFFFFFF, v25;
	v25 =	vadd.s32 v1, v29  }
0x9b: {  	v30 =	vmin.u32 v30, $0xFFF;
	v24 =	vmin.u32 v24, $0xFFF;
	v29 =	vld.idx.msk [tilespmem:v39+s14+$0x0], $0xffff;
	vm3 =	vgt.s32 v25, $0x0  }
0x9c: {  	vm4 =	vlt.u32 v38, v12;
	v61 =	vld.idx.msk [tilespmem:v36+s15+$0x0], $0xffff;
	v25 =	vnsel vm3, $0x0, v25;
	vm3 =	vgt.s32 v33, $0x0  }
0x9d: {  	v33 =	vnsel vm3, $0x0, v33;
	vm3 =	vlt.u32 v28, v14;
	v63 =	vmin.u32 v25, $0xFFF  }
0x9e: {  	p2 =	por $0x1, $0x1;
	v25 =	vnsel vm2, $0x0, v57;
	vm2 =	vlt.u32 v38, v16;
	v35 =	vnsel vm1, $0xFFFFFFFF, v62  }
.Ltmp3:
0x9f: {  	vm1 =	vlt.u32 v20, v6;
	v23 =	vnsel vm6, $0xFFFFFFFF, v34;
	vm6 =	vlt.u32 v20, v8;
	(pc) =	sbr.rel @!p2 .LBB2_8-.Ltmp3, $4  }
0xa0: {  	v42 =	vld.idx.msk [tilespmem:v24+s15+$0x0], $0xffff;
	v24 =	vnsel vm5, $0xFFFFFFFF, v46;
	v32 =	vnsel vm7, $0xFFFFFFFF, v29;
	vm7 =	vlt.u32 v28, v12  }
0xa1: {  	v36 =	vmin.u32 v33, $0xFFF;
	v28 =	vnsel vm8, $0xFFFFFFFF, v59;
	v29 =	vnsel vm7, $0xFFFFFFFF, v61  }
0xa2: {  	v41 =	vld.idx.msk [tilespmem:v44+s15+$0x0], $0xffff;
	v40 =	vmin.u32 v25, $0xFFF;
	vm5 =	vlt.s32 v24, v23;
	vm7 =	vlt.s32 v28, v29  }
0xa3: {  	s24 =	simm.s32 $0x4;
	s22 =	simm.s32 $0x42A0;
	p0 =	por $0x1, $0x1;
	vm8 =	vlt.u32 v38, v14;
	v25 =	vsel vm7, v28, v29;
	vm7 =	vlt.s32 v27, v35;
	v45 =	vld.idx.msk [tilespmem:v63+s14+$0x0], $0xffff  }
0xa4: {  	_ =	sdelay $0x3  }
0xa5: {  	s23 =	simm.s32 $0x5;
	v29 =	vand.u32 $0xFFFFFFFE, v50;
	v33 =	vld.idx.msk [tilespmem:v40+s14+$0x0], $0xffff;
	vm9 =	vmmov vm0  }
0xa6: {  	vm0 =	vmmov vm5;
	vm5 =	vgt.s32 v26, $0x0;
	v37 =	vld.idx.msk [tilespmem:v37+s15+$0x0], $0xffff;
	v28 =	vmov s23  }
0xa7: {  	v34 =	vbroadcast v29, $0x0;
	v29 =	vld.idx.msk [tilespmem:v30+s15+$0x0], $0xffff;
	v26 =	vnsel vm5, $0x0, v26  }
0xa8: {  	vm10 =	vlt.u32 v38, v10;
	v39 =	vnsel vm3, $0xFFFFFFFF, v41;
	v41 =	vmin.u32 v26, $0xFFF;
	v26 =	vld.idx.msk [tilespmem:v31+s15+$0x0], $0xffff  }
0xa9: {  	vm11 =	vlt.u32 v20, v2;
	v38 =	vnsel vm10, $0xFFFFFFFF, v42;
	v31 =	vld.idx.msk [tilespmem:v36+s14+$0x0], $0xffff  }
0xaa: {  	vm10 =	vlt.u32 v20, v4;
	v30 =	vnsel vm11, $0xFFFFFFFF, v45;
	vm5 =	vlt.s32 v32, v39  }
0xab: {  	v20 =	vsel vm7, v27, v35;
	vm3 =	vlt.s32 v30, v38;
	v27 =	vsel vm5, v32, v39;
	v59 =	vld.idx.msk [tilespmem:v28+s11+$0x0], $0xffff  }
0xac: {  	v33 =	vnsel vm10, $0xFFFFFFFF, v33;
	v60 =	vld.idx.msk [tilespmem:v28+s12+$0x0], $0xffff;
	v61 =	vnsel vm4, $0xFFFFFFFF, v29;
	vm4 =	vgt.s32 v20, v27  }
0xad: {  	v42 =	vnsel vm8, $0xFFFFFFFF, v37;
	v62 =	vld.idx.msk [tilespmem:v34+s11+$0x0], $0xffff;
	v29 =	vsel vm4, v27, v20;
	v28 =	vsel vm4, v20, v27  }
0xae: {  	vm4 =	vlt.s32 v33, v61;
	v31 =	vnsel vm6, $0xFFFFFFFF, v31;
	v26 =	vnsel vm2, $0xFFFFFFFF, v26  }
0xaf: {  	v50 =	vsel vm3, v30, v38;
	v34 =	vld.idx.msk [tilespmem:v34+s12+$0x0], $0xffff;
	v44 =	vsel vm4, v33, v61;
	vm2 =	vlt.s32 v31, v26  }
0xb0: {  	v45 =	vsel vm2, v31, v26;
	v43 =	vand.u32 $0x7F, v59;
	v27 =	vshra.s32 v59, $0x7  }
0xb1: {  	v33 =	vand.u32 $0x7F, v60;
	v32 =	vshra.s32 v60, $0x7;
	v20 =	vadd.s32 v1, v27  }
0xb2: {  	vm5 =	vlt.u32 v43, v8;
	vm6 =	vlt.u32 v33, v16;
	v63 =	vshra.s32 v62, $0x7  }
0xb3: {  	v54 =	vadd.s32 v9, v32;
	v55 =	vadd.s32 v11, v32;
	v56 =	vadd.s32 v15, v32  }
0xb4: {  	v32 =	vadd.s32 v13, v32;
	v58 =	vshra.s32 v34, $0x7;
	vm3 =	vlt.u32 v43, v2  }
0xb5: {  	v41 =	vld.idx.msk [tilespmem:v41+s14+$0x0], $0xffff;
	vm7 =	vlt.u32 v33, v10;
	v59 =	vadd.s32 v3, v27;
	v60 =	vadd.s32 v5, v27  }
0xb6: {  	v27 =	vadd.s32 v7, v27;
	vm4 =	vgt.s32 v20, $0x0;
	vm2 =	vgt.s32 v55, $0x0  }
0xb7: {  	v57 =	vadd.s32 v7, v63;
	v46 =	vadd.s32 v3, v63;
	v30 =	vadd.s32 v11, v58  }
0xb8: {  	v49 =	vadd.s32 v13, v58;
	vm8 =	vgt.s32 v54, $0x0;
	vm10 =	vgt.s32 v59, $0x0  }
0xb9: {  	v51 =	vadd.s32 v15, v58;
	v35 =	vadd.s32 v1, v63;
	v36 =	vadd.s32 v9, v58  }
0xba: {  	v41 =	vnsel vm1, $0xFFFFFFFF, v41;
	vm1 =	vlt.u32 v33, v12;
	v20 =	vnsel vm4, $0x0, v20  }
0xbb: {  	vm4 =	vgt.s32 v56, $0x0;
	v31 =	vnsel vm2, $0x0, v55;
	vm2 =	vgt.s32 v32, $0x0  }
0xbc: {  	v37 =	vnsel vm8, $0x0, v54;
	vm8 =	vgt.s32 v49, $0x0;
	v26 =	vnsel vm4, $0x0, v56  }
0xbd: {  	v47 =	vmin.u32 v20, $0xFFF;
	v48 =	vmin.u32 v31, $0xFFF;
	v20 =	vand.u32 $0x7F, v62  }
0xbe: {  	v31 =	vnsel vm2, $0x0, v32;
	vm2 =	vgt.s32 v30, $0x0;
	vm4 =	vgt.s32 v60, $0x0  }
0xbf: {  	v32 =	vnsel vm10, $0x0, v59;
	v37 =	vmin.u32 v37, $0xFFF;
	v61 =	vnsel vm8, $0x0, v49  }
0xc0: {  	vm8 =	vlt.u32 v43, v6;
	vm10 =	vgt.s32 v44, v45;
	v49 =	vsel vm9, v22, v21  }
0xc1: {  	v39 =	vmin.u32 v26, $0xFFF;
	v26 =	vadd.s32 v5, v63;
	v38 =	vnsel vm4, $0x0, v60  }
0xc2: {  	v30 =	vnsel vm2, $0x0, v30;
	v32 =	vmin.u32 v32, $0xFFF;
	v38 =	vmin.u32 v38, $0xFFF  }
0xc3: {  	vm4 =	vgt.s32 v27, $0x0;
	vm2 =	vgt.s32 v46, $0x0;
	v53 =	vmin.u32 v31, $0xFFF;
	v47 =	vld.idx.msk [tilespmem:v47+s14+$0x0], $0xffff  }
0xc4: {  	v30 =	vmin.u32 v30, $0xFFF;
	v27 =	vnsel vm4, $0x0, v27;
	vm4 =	vgt.s32 v51, $0x0;
	v58 =	vld.idx.msk [tilespmem:v48+s15+$0x0], $0xffff  }
0xc5: {  	v52 =	vmin.u32 v27, $0xFFF;
	v31 =	vnsel vm4, $0x0, v51;
	vm4 =	vgt.s32 v36, $0x0;
	v54 =	vld.idx.msk [tilespmem:v37+s15+$0x0], $0xffff  }
0xc6: {  	v31 =	vmin.u32 v31, $0xFFF;
	v37 =	vmin.u32 v61, $0xFFF;
	v61 =	vnsel vm2, $0x0, v46;
	v60 =	vld.idx.msk [tilespmem:v39+s15+$0x0], $0xffff  }
0xc7: {  	v39 =	vsel vm10, v44, v45;
	v44 =	vsel vm10, v45, v44;
	v62 =	vld.idx.msk [tilespmem:v38+s14+$0x0], $0xffff;
	v38 =	vand.u32 $0x7F, v34  }
0xc8: {  	vm2 =	vlt.u32 v38, v16;
	v27 =	vnsel vm3, $0xFFFFFFFF, v47;
	vm3 =	vgt.s32 v35, $0x0  }
0xc9: {  	v63 =	vld.idx.msk [tilespmem:v32+s14+$0x0], $0xffff;
	v34 =	vnsel vm1, $0xFFFFFFFF, v58;
	v35 =	vnsel vm3, $0x0, v35;
	vm3 =	vgt.s32 v57, $0x0  }
0xca: {  	vm1 =	vlt.u32 v20, v6;
	v40 =	vnsel vm3, $0x0, v57;
	v57 =	vnsel vm4, $0x0, v36  }
0xcb: {  	vm3 =	vlt.u32 v33, v14;
	v55 =	vmin.u32 v35, $0xFFF;
	vm4 =	vlt.u32 v38, v12  }
0xcc: {  	v32 =	vnsel vm8, $0xFFFFFFFF, v62;
	vm8 =	vlt.u32 v43, v4;
	v35 =	vnsel vm7, $0xFFFFFFFF, v54  }
0xcd: {  	v62 =	vld.idx.msk [tilespmem:v52+s14+$0x0], $0xffff;
	v33 =	vnsel vm6, $0xFFFFFFFF, v60;
	vm6 =	vlt.u32 v20, v8;
	v59 =	vmin.u32 v57, $0xFFF  }
0xce: {  	p2 =	por $0x1, $0x1;
	v36 =	vmin.u32 v40, $0xFFF;
	v63 =	vnsel vm8, $0xFFFFFFFF, v63;
	vm8 =	vlt.s32 v41, v42  }
.Ltmp4:
0xcf: {  	v40 =	vmin.u32 v61, $0xFFF;
	vm7 =	vlt.s32 v63, v34;
	v41 =	vsel vm8, v41, v42;
	(pc) =	sbr.rel @!p2 .LBB2_10-.Ltmp4, $4  }
0xd0: {  	vm8 =	vlt.u32 v38, v14;
	v51 =	vsel vm7, v63, v34;
	vm11 =	vgt.s32 v50, v41  }
0xd1: {  	vm7 =	vlt.s32 v27, v35;
	v46 =	vsel vm11, v41, v50;
	v43 =	vsel vm11, v50, v41;
	v45 =	vld.idx.msk [tilespmem:v55+s14+$0x0], $0xffff  }
0xd2: {  	s30 =	simm.s32 $0x6;
	s26 =	simm.s32 $0x4320;
	p1 =	por $0x1, $0x1;
	vm11 =	vgt.s32 v17, v49;
	v50 =	vmov s24;
	v34 =	vnsel vm5, $0xFFFFFFFF, v62;
	v42 =	vld.idx.msk [tilespmem:v59+s15+$0x0], $0xffff  }
0xd3: {  	s25 =	simm.s32 $0x40;
	s23 =	simm.s32 $0xC0;
	v41 =	vld.idx.msk [tilespmem:v53+s15+$0x0], $0xffff;
	s24 =	simm.s32 $0xC0;
	vm10 =	vgt.s32 v46, v44;
	v47 =	vsel vm11, v17, v49;
	vm5 =	vlt.s32 v34, v33  }
.LBB2_11:
0xd4: {  	s31 =	sadd.s32 $0x1, s30;
	v21 =	vand.u32 $0xFFFFFFFE, v50;
	vm12 =	vlt.u32 v38, v10  }
0xd5: {  	s23 =	sadd.s32 $0x80, s23;
	vm13 =	vgt.s32 v43, v39;
	vm9 =	vmmov vm0;
	vm0 =	vmmov vm5;
	s29 =	smov.u32 s30;
	s28 =	sadd.s32 $0x2, s30  }
0xd6: {  	p2 =	slt.u32 s30, $0x7E;
	vm5 =	vlt.u32 v20, v2;
	v22 =	vmov s31;
	v38 =	vbroadcast v21, $0x0  }
0xd7: {  	v45 =	vnsel vm5, $0xFFFFFFFF, v45;
	vm5 =	vgt.s32 v26, $0x0;
	v21 =	vld.idx.msk [tilespmem:v40+s14+$0x0], $0xffff;
	v40 =	vnsel vm12, $0xFFFFFFFF, v42  }
0xd8: {  	v48 =	vsel vm11, v49, v17;
	v42 =	vsel vm10, v44, v46;
	v30 =	vld.idx.msk [tilespmem:v30+s15+$0x0], $0xffff;
	vm12 =	vlt.s32 v45, v40  }
0xd9: {  	v17 =	vmovc v25;
	v25 =	vmovc v51;
	v49 =	vsel vm13, v39, v43;
	v26 =	vnsel vm5, $0x0, v26;
	v41 =	vnsel vm3, $0xFFFFFFFF, v41;
	v37 =	vld.idx.msk [tilespmem:v37+s15+$0x0], $0xffff  }
0xda: {  	v50 =	vmin.u32 v26, $0xFFF;
	v26 =	vsel vm10, v46, v44;
	vm3 =	vgt.s32 v19, v48;
	(xrf1) =	vsort.ascd.msk.u32 $0xffff, v49, v49  }
0xdb: {  	v39 =	vsel vm13, v43, v39;
	vm5 =	vlt.s32 v32, v41;
	v43 =	vsel vm3, v48, v19;
	v44 =	vld.idx.msk [tilespmem:v22+s11+$0x0], $0xffff  }
0xdc: {  	vm10 =	vlt.u32 v20, v4;
	v20 =	vld.idx.msk [tilespmem:v31+s15+$0x0], $0xffff;
	v31 =	vsel vm3, v19, v48;
	vm3 =	vgt.s32 v18, v47  }
0xdd: {  	v27 =	vsel vm7, v27, v35;
	v32 =	vsel vm5, v32, v41;
	v36 =	vld.idx.msk [tilespmem:v36+s14+$0x0], $0xffff;
	v35 =	vsel vm3, v18, v47  }
0xde: {  	v30 =	vnsel vm4, $0xFFFFFFFF, v30;
	v46 =	vsel vm3, v47, v18;
	v41 =	vld.idx.msk [tilespmem:v22+s12+$0x0], $0xffff;
	v22 =	vnsel vm10, $0xFFFFFFFF, v21;
	(xrf1) =	vsort.ascd.msk.u32 $0xffff, v35, v35  }
0xdf: {  	v19 =	vmovc v29;
	vm3 =	vgt.s32 v27, v32;
	v21 =	vnsel vm8, $0xFFFFFFFF, v37;
	v47 =	vld.idx.msk [tilespmem:v38+s11+$0x0], $0xffff;
	(xrf1) =	vsort.ascd.msk.u32 $0xffff, v43, v43  }
0xe0: {  	v18 =	vmovc v28;
	v29 =	vsel vm3, v32, v27;
	v28 =	vsel vm3, v27, v32;
	(xrf1) =	vsort.ascd.msk.u32 $0xffff, v31, v31  }
0xe1: {  	vm3 =	vlt.s32 v22, v30;
	v35 =	vand.u32 $0x7F, v44;
	v27 =	vshra.s32 v44, $0x7;
	(xrf1) =	vsort.ascd.msk.u32 $0xffff, v46, v46  }
0xe2: {  	v22 =	vsel vm3, v22, v30;
	v31 =	vadd.s32 v1, v27;
	vm5 =	vlt.u32 v35, v8  }
0xe3: {  	v20 =	vnsel vm2, $0xFFFFFFFF, v20;
	vm3 =	vgt.s32 v31, $0x0;
	v30 =	vnsel vm6, $0xFFFFFFFF, v36;
	(xrf1) =	vsort.ascd.msk.u32 $0xffff, v42, v42  }
0xe4: {  	v31 =	vnsel vm3, $0x0, v31;
	v36 =	vand.u32 $0x7F, v41;
	vm2 =	vlt.s32 v30, v20;
	v32 =	vld.idx.msk [tilespmem:v38+s12+$0x0], $0xffff;
	(xrf1) =	vsort.ascd.msk.u32 $0xffff, v39, v39  }
0xe5: {  	v37 =	vshra.s32 v41, $0x7;
	vm6 =	vlt.u32 v36, v16;
	v38 =	vshra.s32 v47, $0x7;
	(xrf1) =	vsort.ascd.msk.u32 $0xffff, v26, v26  }
0xe6: {  	v39 =	vadd.s32 v9, v37;
	v42 =	vadd.s32 v15, v37;
	v26 =	vadd.s32 v11, v37  }
0xe7: {  	v41 =	vsel vm2, v30, v20;
	v37 =	vadd.s32 v13, v37;
	vm3 =	vgt.s32 v42, $0x0  }
0xe8: {  	vm2 =	vgt.s32 v26, $0x0;
	v20 =	vnsel vm3, $0x0, v42;
	v42 =	vadd.s32 v7, v38;
	v30, _, _ =	vpop (xrf1)  }
0xe9: {  	v46 =	vadd.s32 v3, v38;
	v26 =	vnsel vm2, $0x0, v26;
	v44 =	vmin.u32 v20, $0xFFF;
	[tilespmem:s21+$0x0] =	vst v30  }
0xea: {  	v20 =	vand.u32 $0x7F, v47;
	v48 =	vmin.u32 v26, $0xFFF;
	v30 =	vmin.u32 v31, $0xFFF  }
0xeb: {  	v43 =	vsel vm12, v45, v40;
	vm2 =	vgt.s32 v37, $0x0;
	v47 =	vshra.s32 v32, $0x7  }
0xec: {  	v26 =	vadd.s32 v5, v38;
	v31 =	vnsel vm2, $0x0, v37;
	v37 =	vadd.s32 v11, v47;
	v40, _, _ =	vpop (xrf1)  }
0xed: {  	vm7 =	vlt.u32 v36, v10;
	vm2 =	vlt.u32 v35, v2;
	vm3 =	vgt.s32 v37, $0x0;
	v45, _, _ =	vpop (xrf1)  }
0xee: {  	s30 =	sor.u32 $0x50, s25;
	v49 =	vadd.s32 v3, v27;
	v51 =	vadd.s32 v5, v27;
	v52 =	vadd.s32 v13, v47;
	[tilespmem:s21+$0x20] =	vst v45;
	v45, _, _ =	vpop (xrf1)  }
0xef: {  	v27 =	vadd.s32 v7, v27;
	vm4 =	vgt.s32 v51, $0x0;
	vm10 =	vgt.s32 v39, $0x0;
	v53 =	vld.idx.msk [tilespmem:v30+s14+$0x0], $0xffff;
	[tilespmem:s30+$0x4200] =	vst v45;
	s30 =	sor.u32 $0x60, s25;
	v30, _, _ =	vpop (xrf1)  }
0xf0: {  	vm8 =	vgt.s32 v49, $0x0;
	v45 =	vnsel vm4, $0x0, v51;
	v51 =	vnsel vm3, $0x0, v37;
	v50 =	vld.idx.msk [tilespmem:v50+s14+$0x0], $0xffff;
	[tilespmem:s30+$0x4200] =	vst v30;
	s30 =	sor.u32 $0x70, s25;
	s25 =	smov.u32 s24;
	s24 =	smov.u32 s23  }
0xf1: {  	v49 =	vnsel vm8, $0x0, v49;
	v45 =	vmin.u32 v45, $0xFFF;
	v30 =	vmin.u32 v51, $0xFFF;
	[tilespmem:s30+$0x4200] =	vst v40;
	v37, _, _ =	vpop (xrf1)  }
0xf2: {  	vm8 =	vgt.s32 v46, $0x0;
	vm3 =	vgt.s32 v27, $0x0;
	v40 =	vmin.u32 v49, $0xFFF;
	[tilespmem:s21+$0xFFFFFFE0] =	vst v37;
	v37, _, _ =	vpop (xrf1)  }
0xf3: {  	v39 =	vnsel vm10, $0x0, v39;
	v27 =	vnsel vm3, $0x0, v27;
	v49 =	vadd.s32 v15, v47;
	[tilespmem:s21+$0x10] =	vst v37;
	v37, _, _ =	vpop (xrf1)  }
0xf4: {  	v39 =	vmin.u32 v39, $0xFFF;
	v51 =	vmin.u32 v27, $0xFFF;
	vm3 =	vgt.s32 v49, $0x0;
	[tilespmem:s21+$0xFFFFFFF0] =	vst v37;
	s21 =	smov.u32 s22;
	s22 =	smov.u32 s26  }
0xf5: {  	v54 =	vmin.u32 v31, $0xFFF;
	vm4 =	vgt.s32 v52, $0x0;
	v31 =	vnsel vm3, $0x0, v49  }
0xf6: {  	v27 =	vnsel vm2, $0xFFFFFFFF, v53;
	v37 =	vadd.s32 v1, v38;
	v31 =	vmin.u32 v31, $0xFFF;
	v45 =	vld.idx.msk [tilespmem:v45+s14+$0x0], $0xffff  }
0xf7: {  	v47 =	vadd.s32 v9, v47;
	v49 =	vnsel vm4, $0x0, v52;
	vm2 =	vgt.s32 v37, $0x0;
	v40 =	vld.idx.msk [tilespmem:v40+s14+$0x0], $0xffff  }
0xf8: {  	vm3 =	vgt.s32 v47, $0x0;
	v52 =	vnsel vm2, $0x0, v37;
	vm2 =	vgt.s32 v42, $0x0  }
0xf9: {  	v38 =	vand.u32 $0x7F, v32;
	v32 =	vnsel vm3, $0x0, v47;
	v42 =	vnsel vm2, $0x0, v42;
	v48 =	vld.idx.msk [tilespmem:v48+s15+$0x0], $0xffff  }
0xfa: {  	vm3 =	vlt.u32 v36, v14;
	v53 =	vmin.u32 v32, $0xFFF;
	vm2 =	vlt.u32 v35, v6;
	v47 =	vld.idx.msk [tilespmem:v39+s15+$0x0], $0xffff  }
0xfb: {  	vm10 =	vgt.s32 v22, v41;
	v37 =	vmin.u32 v49, $0xFFF;
	v49 =	vnsel vm1, $0xFFFFFFFF, v50;
	v44 =	vld.idx.msk [tilespmem:v44+s15+$0x0], $0xffff  }
0xfc: {  	vm4 =	vlt.u32 v38, v12;
	v52 =	vmin.u32 v52, $0xFFF;
	v39 =	vsel vm10, v22, v41;
	v50 =	vld.idx.msk [tilespmem:v51+s14+$0x0], $0xffff  }
0xfd: {  	vm1 =	vlt.u32 v36, v12;
	v32 =	vnsel vm2, $0xFFFFFFFF, v45;
	v45 =	vnsel vm8, $0x0, v46  }
0xfe: {  	v36 =	vmin.u32 v42, $0xFFF;
	vm8 =	vlt.u32 v35, v4;
	vm2 =	vlt.u32 v38, v16  }
0xff: {  	v42 =	vnsel vm8, $0xFFFFFFFF, v40;
	v40 =	vmin.u32 v45, $0xFFF;
	v46 =	vnsel vm1, $0xFFFFFFFF, v48  }
0x100: {  	vm1 =	vlt.u32 v20, v6;
	v35 =	vnsel vm7, $0xFFFFFFFF, v47;
	vm7 =	vlt.s32 v42, v46  }
0x101: {  	vm8 =	vlt.s32 v49, v21;
	v47 =	vnsel vm6, $0xFFFFFFFF, v44;
	v51 =	vsel vm7, v42, v46  }
.Ltmp5:
0x102: {  	v21 =	vsel vm8, v49, v21;
	vm7 =	vlt.s32 v27, v35;
	vm6 =	vlt.u32 v20, v8;
	v42 =	vld.idx.msk [tilespmem:v53+s15+$0x0], $0xffff;
	(pc) =	sbr.rel @p2 .LBB2_11-.Ltmp5, $4  }
0x103: {  	vm8 =	vlt.u32 v38, v14;
	vm11 =	vgt.s32 v43, v21;
	v44 =	vsel vm10, v41, v22;
	v45 =	vld.idx.msk [tilespmem:v52+s14+$0x0], $0xffff  }
0x104: {  	v49 =	vsel vm9, v24, v23;
	v23 =	vmovc v33;
	v46 =	vsel vm11, v21, v43;
	v22 =	vnsel vm5, $0xFFFFFFFF, v50;
	v33 =	vmovc v47  }
0x105: {  	v43 =	vsel vm11, v43, v21;
	vm11 =	vgt.s32 v17, v49;
	vm10 =	vgt.s32 v46, v44;
	v41 =	vld.idx.msk [tilespmem:v54+s15+$0x0], $0xffff  }
0x106: {  	s30 =	smov.u32 s28;
	s26 =	sadd.s32 $0x80, s26;
	v24 =	vmovc v34;
	v50 =	vmov s29;
	v47 =	vsel vm11, v17, v49;
	vm5 =	vlt.s32 v22, v33;
	v34 =	vmovc v22  }
0x107: {  	v54 =	vmov v17  }
0x108: {  	v53 =	vmovc v19;
	v52 =	vmovc v18;
	v48 =	vmov v25;
	v17 =	vmov v51;
	v19 =	vmov v29  }
0x109: {  	s28 =	smov.u32 s21;
	v18 =	vmovc v28;
	s21 =	smov.u32 s26;
	v28 =	vmovc v24;
	v29 =	vmov v23;
	v21 =	vmov v33;
	v22 =	vmov v34  }
.LBB2_13:
0x10a: {  	_ = 	snop  }
0x10b: {  	v23 =	vand.u32 $0xFFFFFFFE, v50  }
0x10c: {  	vm9 =	vlt.u32 @p0 v38, v10;
	vm12 =	vgt.s32 @p1 v43, v39;
	vm0 =	vmmov @p0 vm0  }
0x10d: {  	vm13 =	vlt.u32 @p0 v20, v2;
	v34 =	vsel @p1 vm10, v44, v46;
	v38 =	vsel @p1 vm11, v49, v54  }
0x10e: {  	v25 =	vld.idx.msk @p0 [tilespmem:v40+s14+$0x0], $0xffff;
	v54 =	vnsel vm3, $0xFFFFFFFF, v41;
	vm11 =	vlt.u32 @p0 v20, v4;
	v20 =	vsel vm7, v27, v35  }
0x10f: {  	v30 =	vld.idx.msk @p0 [tilespmem:v30+s15+$0x0], $0xffff;
	v19 =	vpsel p0, v19, v0;
	v18 =	vpsel p0, v18, v0;
	v23 =	vbroadcast v23, $0x0  }
0x110: {  	v31 =	vld.idx.msk @p0 [tilespmem:v31+s15+$0x0], $0xffff;
	v24 =	vnsel @p0 vm13, $0xFFFFFFFF, v45;
	vm13 =	vgt.s32 @p0 v26, $0x0;
	v33 =	vnsel @p0 vm9, $0xFFFFFFFF, v42  }
0x111: {  	v36 =	vld.idx.msk @p0 [tilespmem:v36+s14+$0x0], $0xffff;
	v41 =	vsel @p1 vm12, v39, v43;
	v42 =	vsel @p1 vm10, v46, v44;
	vm3 =	vgt.s32 @p1 v53, v38  }
0x112: {  	vm10 =	vlt.s32 v32, v54;
	v39 =	vsel @p1 vm12, v43, v39;
	v28 =	vsel @p0 vm0, v28, v29  }
0x113: {  	vm9 =	vlt.s32 @p0 v24, v33;
	v26 =	vnsel @p0 vm13, $0x0, v26;
	v43 =	vsel @p1 vm3, v38, v53  }
0x114: {  	v37 =	vld.idx.msk @p0 [tilespmem:v37+s15+$0x0], $0xffff;
	v38 =	vsel @p1 vm3, v53, v38;
	vm3 =	vgt.s32 @p1 v52, v47;
	v27 =	vsel vm10, v32, v54  }
0x115: {  	v26 =	vmin.u32 @p0 v26, $0xFFF;
	v32 =	vsel @p1 vm3, v52, v47;
	v25 =	vnsel @p0 vm11, $0xFFFFFFFF, v25;
	v55 =	vld.idx.msk [tilespmem:v23+s11+$0x0], $0xffff  }
0x116: {  	(xrf1) =	vsort.ascd.msk.u32 @p1 $0xffff, v41, v41;
	v30 =	vnsel @p0 vm4, $0xFFFFFFFF, v30;
	v36 =	vnsel @p0 vm6, $0xFFFFFFFF, v36;
	v31 =	vnsel @p0 vm2, $0xFFFFFFFF, v31;
	v56 =	vld.idx.msk [tilespmem:v23+s12+$0x0], $0xffff  }
0x117: {  	v40 =	vsel @p1 vm3, v47, v52;
	vm3 =	vlt.s32 @p0 v25, v30;
	vm2 =	vlt.s32 @p0 v36, v31  }
0x118: {  	v24 =	vsel @p0 vm9, v24, v33;
	v25 =	vsel @p0 vm3, v25, v30;
	v30 =	vsel @p0 vm2, v36, v31  }
0x119: {  	(xrf1) =	vsort.ascd.msk.u32 @p1 $0xffff, v32, v32;
	vm4 =	vgt.s32 v20, v27;
	v37 =	vnsel @p0 vm8, $0xFFFFFFFF, v37;
	vm7 =	vgt.s32 @p0 v25, v30  }
0x11a: {  	v23 =	vsel vm4, v27, v20;
	v20 =	vsel vm4, v20, v27;
	v26 =	vld.idx.msk @p0 [tilespmem:v26+s14+$0x0], $0xffff;
	v32 =	vsel @p0 vm7, v25, v30  }
0x11b: {  	v25 =	vsel @p0 vm7, v30, v25;
	v27 =	vshra.s32 v55, $0x7;
	v31 =	vshra.s32 v56, $0x7  }
0x11c: {  	v44 =	vand.u32 $0x7F, v55;
	v35 =	vand.u32 $0x7F, v56;
	v57 =	vadd.s32 v7, v27  }
0x11d: {  	v58 =	vadd.s32 v3, v27;
	v59 =	vadd.s32 v11, v31;
	v60 =	vadd.s32 v5, v27  }
0x11e: {  	v61 =	vadd.s32 v15, v31;
	v62 =	vadd.s32 v13, v31;
	v27 =	vadd.s32 v1, v27  }
0x11f: {  	v31 =	vadd.s32 v9, v31;
	v26 =	vnsel @p0 vm1, $0xFFFFFFFF, v26;
	vm1 =	vlt.u32 v35, v16  }
0x120: {  	vm9 =	vlt.u32 v44, v2;
	vm2 =	vgt.s32 v59, $0x0;
	vm4 =	vgt.s32 v58, $0x0  }
0x121: {  	vm3 =	vgt.s32 v62, $0x0;
	vm6 =	vlt.s32 @p0 v26, v37;
	v46 =	vnsel vm2, $0x0, v59  }
0x122: {  	vm2 =	vgt.s32 v61, $0x0;
	v49 =	vnsel vm3, $0x0, v62;
	vm3 =	vgt.s32 v31, $0x0  }
0x123: {  	v45 =	vnsel vm4, $0x0, v58;
	vm4 =	vlt.u32 v44, v8;
	v26 =	vsel @p0 vm6, v26, v37  }
0x124: {  	vm6 =	vlt.u32 v35, v14;
	v46 =	vmin.u32 v46, $0xFFF;
	v47 =	vnsel vm2, $0x0, v61  }
0x125: {  	vm2 =	vgt.s32 v27, $0x0;
	v31 =	vnsel vm3, $0x0, v31;
	v63 =	vmin.u32 v49, $0xFFF  }
0x126: {  	v37 =	vmovc @p0 v48;
	vm3 =	vlt.u32 v35, v12;
	v49 =	vmin.u32 v45, $0xFFF;
	vm8 =	vgt.s32 @p0 v24, v26  }
0x127: {  	(xrf1) =	vsort.ascd.msk.u32 @p1 $0xffff, v43, v43;
	vm0 =	vgt.s32 @p0 v37, v28;
	v47 =	vmin.u32 v47, $0xFFF;
	v27 =	vnsel vm2, $0x0, v27  }
0x128: {  	(xrf1) =	vsort.ascd.msk.u32 @p1 $0xffff, v38, v38;
	vm2 =	vgt.s32 v57, $0x0;
	v31 =	vmin.u32 v31, $0xFFF;
	v29 =	vsel @p0 vm8, v26, v24  }
0x129: {  	(xrf1) =	vsort.ascd.msk.u32 @p1 $0xffff, v40, v40;
	v24 =	vsel @p0 vm8, v24, v26;
	v30 =	vsel @p0 vm0, v37, v28;
	vm8 =	vmmov @p0 vm0  }
0x12a: {  	(xrf1) =	vsort.ascd.msk.u32 @p1 $0xffff, v34, v34;
	vm0 =	vgt.s32 v60, $0x0;
	v28 =	vpsel p0, v28, v0;
	v36 =	vnsel vm2, $0x0, v57  }
0x12b: {  	(xrf1) =	vsort.ascd.msk.u32 @p1 $0xffff, v39, v39;
	v27 =	vmin.u32 v27, $0xFFF;
	vm2 =	vlt.u32 v44, v6;
	vm7 =	vgt.s32 @p0 v29, v25  }
0x12c: {  	(xrf1) =	vsort.ascd.msk.u32 @p1 $0xffff, v42, v42;
	v24 =	vpsel p0, v24, v0;
	v33 =	vnsel vm0, $0x0, v60;
	v36 =	vmin.u32 v36, $0xFFF;
	v50 =	vld.idx.msk [tilespmem:v49+s14+$0x0], $0xffff  }
0x12d: {  	v25 =	vpsel p0, v25, v0;
	v29 =	vpsel p0, v29, v0;
	v33 =	vmin.u32 v33, $0xFFF;
	v51 =	vld.idx.msk [tilespmem:v46+s15+$0x0], $0xffff  }
0x12e: {  	v30 =	vpsel p0, v30, v0;
	vm0 =	vlt.u32 v35, v10;
	vm7 =	vmmov @p0 vm7;
	v52 =	vld.idx.msk [tilespmem:v63+s15+$0x0], $0xffff  }
0x12f: {  	v38 =	vsel @p0 vm7, v25, v29;
	v26 =	vld.idx.msk [tilespmem:v31+s15+$0x0], $0xffff;
	v31 =	vpsel p0, v32, v0;
	v32 =	vpsel p0, v37, v0  }
0x130: {  	v25 =	vsel @p0 vm7, v29, v25;
	v27 =	vld.idx.msk [tilespmem:v27+s14+$0x0], $0xffff;
	vm10 =	vgt.s32 @p0 v24, v31;
	v28 =	vsel @p0 vm8, v28, v32  }
0x131: {  	vm7 =	vgt.s32 @p0 v18, v30;
	v39 =	vsel @p0 vm10, v31, v24;
	v29 =	vld.idx.msk [tilespmem:v36+s14+$0x0], $0xffff;
	vm8 =	vgt.s32 @p0 v19, v28  }
0x132: {  	v36 =	vsel @p0 vm7, v18, v30;
	v33 =	vld.idx.msk [tilespmem:v33+s14+$0x0], $0xffff;
	v18 =	vsel @p0 vm7, v30, v18;
	(xrf1) =	vsort.ascd.msk.u32 @p0 $0xffff, v39, v39  }
0x133: {  	v53 =	vld.idx.msk [tilespmem:v47+s15+$0x0], $0xffff;
	v39 =	vsel @p0 vm8, v28, v19;
	v19 =	vsel @p0 vm8, v19, v28;
	(xrf1) =	vsort.ascd.msk.u32 @p0 $0xffff, v36, v36  }
0x134: {  	v54 =	vnsel vm3, $0xFFFFFFFF, v51;
	vm3 =	vmmov vm5;
	v26 =	vnsel vm0, $0xFFFFFFFF, v26;
	(xrf1) =	vsort.ascd.msk.u32 @p0 $0xffff, v39, v39  }
0x135: {  	v27 =	vnsel vm9, $0xFFFFFFFF, v27;
	vm9 =	vlt.u32 v44, v4;
	(xrf1) =	vsort.ascd.msk.u32 @p0 $0xffff, v19, v19;
	v19 =	vsel @p0 vm10, v24, v31  }
0x136: {  	v24 =	vnsel vm6, $0xFFFFFFFF, v52;
	vm0 =	vlt.s32 v27, v26;
	v28 =	vnsel vm9, $0xFFFFFFFF, v50  }
0x137: {  	v30 =	vnsel vm2, $0xFFFFFFFF, v33;
	vm5 =	vlt.s32 v28, v54;
	v26 =	vsel vm0, v27, v26  }
0x138: {  	(xrf1) =	vsort.ascd.msk.u32 @p0 $0xffff, v18, v18;
	v18 =	vsel vm5, v28, v54;
	v28 =	vnsel vm4, $0xFFFFFFFF, v29;
	v29 =	vnsel vm1, $0xFFFFFFFF, v53  }
0x139: {  	(xrf1) =	vsort.ascd.msk.u32 @p0 $0xffff, v38, v38;
	vm1 =	vmmov vm3;
	vm3 =	vlt.s32 v30, v24;
	vm2 =	vlt.s32 v28, v29  }
0x13a: {  	(xrf1) =	vsort.ascd.msk.u32 @p0 $0xffff, v19, v19;
	v24 =	vsel vm3, v30, v24;
	v19 =	vsel vm2, v28, v29  }
0x13b: {  	v21 =	vsel vm1, v22, v21;
	vm3 =	vgt.s32 v26, v24;
	vm2 =	vgt.s32 v18, v19  }
0x13c: {  	vm1 =	vgt.s32 v17, v21;
	v27 =	vsel vm3, v26, v24;
	v22 =	vsel vm2, v18, v19  }
0x13d: {  	v28, _, _ =	vpop @p1 (xrf1);
	(xrf1) =	vsort.ascd.msk.u32 @p0 $0xffff, v25, v25;
	v25 =	vsel vm1, v17, v21;
	vm0 =	vgt.s32 v27, v22  }
0x13e: {  	v17 =	vsel vm1, v21, v17;
	v29, _, _ =	vpop @p1 (xrf1);
	vm1 =	vgt.s32 v20, v25;
	v21 =	vsel vm0, v22, v27  }
0x13f: {  	[tilespmem:s28+$0x0] =	vst @p1 v28;
	v28, _, _ =	vpop @p1 (xrf1);
	(xrf1) =	vsort.ascd.msk.u32 $0xffff, v21, v21;
	v21 =	vsel vm1, v20, v25;
	_ =	sdelay $0x1  }
0x140: {  	s26 =	sor.u32 @p1 $0x50, s25;
	vm4 =	vgt.s32 v23, v17;
	v18 =	vsel vm2, v19, v18;
	[tilespmem:s28+$0x20] =	vst @p1 v28;
	v28, _, _ =	vpop @p1 (xrf1)  }
0x141: {  	v30 =	vsel vm4, v17, v23;
	v17 =	vsel vm4, v23, v17;
	[tilespmem:s26+$0x4200] =	vst @p1 v28;
	s26 =	sor.u32 @p1 $0x60, s25;
	(xrf1) =	vsort.ascd.msk.u32 $0xffff, v21, v21;
	v21, _, _ =	vpop @p1 (xrf1)  }
0x142: {  	v20 =	vsel vm1, v25, v20;
	(xrf1) =	vsort.ascd.msk.u32 $0xffff, v30, v30;
	[tilespmem:s26+$0x4200] =	vst @p1 v21;
	v21 =	vsel vm3, v24, v26  }
0x143: {  	(xrf1) =	vsort.ascd.msk.u32 $0xffff, v17, v17;
	v19, _, _ =	vpop @p1 (xrf1);
	vm1 =	vgt.s32 v21, v18  }
0x144: {  	s25 =	sor.u32 @p1 $0x70, s25;
	v17, _, _ =	vpop @p1 (xrf1);
	(xrf1) =	vsort.ascd.msk.u32 $0xffff, v20, v20;
	[tilespmem:s28+$0xFFFFFFE0] =	vst @p1 v19;
	v19 =	vsel vm1, v18, v21  }
0x145: {  	[tilespmem:s25+$0x4200] =	vst @p1 v29;
	v20, _, _ =	vpop @p1 (xrf1)  }
0x146: {  	v22 =	vsel vm0, v27, v22;
	[tilespmem:s28+$0x10] =	vst @p1 v17;
	v18 =	vsel vm1, v21, v18;
	v17, _, _ =	vpop @p0 (xrf1);
	(xrf1) =	vsort.ascd.msk.u32 $0xffff, v19, v19  }
0x147: {  	s22 =	smov.u32 @p0 s22;
	[tilespmem:s28+$0xFFFFFFF0] =	vst @p1 v20;
	(xrf1) =	vsort.ascd.msk.u32 $0xffff, v22, v22;
	v19, _, _ =	vpop @p0 (xrf1)  }
0x148: {  	s24 =	smov.u32 @p0 s24;
	[tilespmem:s22+$0x0] =	vst @p0 v17;
	v17, _, _ =	vpop @p0 (xrf1);
	(xrf1) =	vsort.ascd.msk.u32 $0xffff, v18, v18  }
0x149: {  	s25 =	sor.u32 @p0 $0x50, s24;
	v18, _, _ =	vpop @p0 (xrf1);
	[tilespmem:s22+$0x20] =	vst @p0 v17  }
0x14a: {  	v17, _, _ =	vpop @p0 (xrf1);
	[tilespmem:s25+$0x4200] =	vst @p0 v18;
	s25 =	sor.u32 @p0 $0x60, s24  }
0x14b: {  	s24 =	sor.u32 @p0 $0x70, s24;
	v18, _, _ =	vpop @p0 (xrf1);
	[tilespmem:s25+$0x4200] =	vst @p0 v17  }
0x14c: {  	v17, _, _ =	vpop @p0 (xrf1);
	[tilespmem:s24+$0x4200] =	vst @p0 v19  }
0x14d: {  	[tilespmem:s22+$0xFFFFFFE0] =	vst @p0 v18;
	v19, _, _ =	vpop @p0 (xrf1)  }
0x14e: {  	[tilespmem:s22+$0x10] =	vst @p0 v17;
	v17, _, _ =	vpop (xrf1)  }
0x14f: {  	s23 =	sadd.s32 @p0 $0x80, s23;
	[tilespmem:s22+$0xFFFFFFF0] =	vst @p0 v19;
	v18, _, _ =	vpop (xrf1)  }
0x150: {  	s20 =	smov.u32 @p0 s23;
	[tilespmem:s21+$0x0] =	vst v17;
	v17, _, _ =	vpop (xrf1)  }
0x151: {  	s31 =	sor.u32 $0x50, s20;
	[tilespmem:s21+$0x20] =	vst v17;
	v17, _, _ =	vpop (xrf1)  }
0x152: {  	s23 =	sor.u32 $0x60, s20;
	[tilespmem:s31+$0x4200] =	vst v17;
	v17, _, _ =	vpop (xrf1)  }
0x153: {  	s20 =	sor.u32 $0x70, s20;
	s24 =	simm.s32 $0x81;
	[tilespmem:s23+$0x4200] =	vst v17  }
0x154: {  	v17, _, _ =	vpop (xrf1);
	[tilespmem:s20+$0x4200] =	vst v18;
	v18 =	vmov s24  }
0x155: {  	[tilespmem:s21+$0xFFFFFFE0] =	vst v17;
	v17, _, _ =	vpop (xrf1)  }
0x156: {  	[tilespmem:s21+$0x10] =	vst v17;
	v17, _, _ =	vpop (xrf1)  }
0x157: {  	[tilespmem:s21+$0xFFFFFFF0] =	vst v17  }
0x158: {  	[hbm4b:s7+s2] =	stream.linear.scatter [tilespmem:s16], [sflag:$0x1], $0x2000, $0x38;
	[tilespmem:$0x8200] =	vst v63  }
0x159: {  	v17 =	vld.idx.msk [tilespmem:v18+s11+$0x0], $0xffff  }
0x15a: {  	v18 =	vld.idx.msk [tilespmem:v18+s12+$0x0], $0xffff;
	_ =	sdelay $0x4  }
0x15b: {  	v19 =	vshra.s32 v17, $0x7;
	v21 =	vshra.s32 v18, $0x7  }
0x15c: {  	v20 =	vadd.s32 v1, v19;
	v22 =	vadd.s32 v9, v21  }
0x15d: {  	v23 =	vadd.s32 v11, v21;
	v24 =	vadd.s32 v15, v21;
	v25 =	vadd.s32 v5, v19  }
0x15e: {  	v21 =	vadd.s32 v13, v21;
	v26 =	vadd.s32 v3, v19;
	vm0 =	vgt.s32 v20, $0x0  }
0x15f: {  	v19 =	vadd.s32 v7, v19;
	vm1 =	vgt.s32 v26, $0x0;
	v20 =	vnsel vm0, $0x0, v20  }
0x160: {  	vm0 =	vgt.s32 v25, $0x0;
	v26 =	vnsel vm1, $0x0, v26;
	v20 =	vmin.u32 v20, $0xFFF  }
0x161: {  	vm1 =	vgt.s32 v24, $0x0;
	v25 =	vnsel vm0, $0x0, v25;
	v26 =	vmin.u32 v26, $0xFFF  }
0x162: {  	vm0 =	vgt.s32 v23, $0x0;
	v24 =	vnsel vm1, $0x0, v24;
	v25 =	vmin.u32 v25, $0xFFF  }
0x163: {  	v23 =	vnsel vm0, $0x0, v23;
	vm0 =	vgt.s32 v22, $0x0;
	v24 =	vmin.u32 v24, $0xFFF  }
0x164: {  	v23 =	vmin.u32 v23, $0xFFF;
	v22 =	vnsel vm0, $0x0, v22;
	vm0 =	vgt.s32 v21, $0x0  }
0x165: {  	v22 =	vmin.u32 v22, $0xFFF;
	v21 =	vnsel vm0, $0x0, v21;
	vm0 =	vgt.s32 v19, $0x0;
	v20 =	vld.idx.msk [tilespmem:v20+s14+$0x0], $0xffff  }
0x166: {  	v21 =	vmin.u32 v21, $0xFFF;
	v19 =	vnsel vm0, $0x0, v19;
	v26 =	vld.idx.msk [tilespmem:v26+s14+$0x0], $0xffff  }
0x167: {  	s26 =	simm.s32 $0x80;
	s25 =	simm.s32 $0x83;
	v19 =	vmin.u32 v19, $0xFFF;
	v25 =	vld.idx.msk [tilespmem:v25+s14+$0x0], $0xffff  }
0x168: {  	s30 =	simm.s32 $0x82;
	v28 =	vmov s26;
	v27 =	vmov s25;
	v24 =	vld.idx.msk [tilespmem:v24+s15+$0x0], $0xffff  }
0x169: {  	v51 =	vmov s30;
	v28 =	vand.u32 $0xFFFFFFFE, v28;
	v23 =	vld.idx.msk [tilespmem:v23+s15+$0x0], $0xffff  }
0x16a: {  	v28 =	vbroadcast v28, $0x0;
	v17 =	vand.u32 $0x7F, v17;
	v18 =	vand.u32 $0x7F, v18;
	v22 =	vld.idx.msk [tilespmem:v22+s15+$0x0], $0xffff  }
0x16b: {  	vm2 =	vlt.u32 v17, v2;
	vm3 =	vlt.u32 v18, v10;
	vm4 =	vlt.u32 v18, v14;
	v21 =	vld.idx.msk [tilespmem:v21+s15+$0x0], $0xffff  }
0x16c: {  	vm5 =	vlt.u32 v17, v4;
	v20 =	vnsel vm2, $0xFFFFFFFF, v20;
	vm2 =	vlt.u32 v17, v6;
	v30 =	vld.idx.msk [tilespmem:v19+s14+$0x0], $0xffff  }
0x16d: {  	vm0 =	vlt.u32 v17, v8;
	v17 =	vld.idx.msk [tilespmem:v27+s11+$0x0], $0xffff;
	v25 =	vnsel vm2, $0xFFFFFFFF, v25;
	vm2 =	vlt.u32 v18, v12  }
0x16e: {  	s28 =	simm.s32 $0x85;
	vm1 =	vlt.u32 v18, v16;
	v18 =	vnsel vm5, $0xFFFFFFFF, v26;
	v19 =	vnsel vm2, $0xFFFFFFFF, v23  }
0x16f: {  	v50 =	vmov s28;
	v29 =	vnsel vm1, $0xFFFFFFFF, v24;
	vm2 =	vlt.s32 v18, v19  }
0x170: {  	v23 =	vld.idx.msk [tilespmem:v27+s12+$0x0], $0xffff;
	v22 =	vnsel vm3, $0xFFFFFFFF, v22;
	v21 =	vnsel vm4, $0xFFFFFFFF, v21;
	v19 =	vsel vm2, v18, v19  }
0x171: {  	v27 =	vld.idx.msk [tilespmem:v28+s12+$0x0], $0xffff;
	vm1 =	vlt.s32 v20, v22;
	vm2 =	vlt.s32 v25, v21;
	v30 =	vnsel vm0, $0xFFFFFFFF, v30  }
0x172: {  	v18 =	vsel vm1, v20, v22;
	v24 =	vshra.s32 v17, $0x7;
	v17 =	vand.u32 $0x7F, v17  }
0x173: {  	v21 =	vsel vm2, v25, v21;
	vm0 =	vlt.s32 v30, v29;
	v25 =	vadd.s32 v1, v24  }
0x174: {  	vm2 =	vlt.u32 v17, v8;
	vm5 =	vlt.u32 v17, v2;
	v61 =	vadd.s32 v3, v24  }
0x175: {  	v62 =	vadd.s32 v5, v24;
	v24 =	vadd.s32 v7, v24;
	vm1 =	vgt.s32 v18, v21  }
0x176: {  	vm0 =	vmmov vm0;
	v58 =	vshra.s32 v27, $0x7;
	vm6 =	vgt.s32 v62, $0x0  }
0x177: {  	vm8 =	vgt.s32 v61, $0x0;
	v27 =	vand.u32 $0x7F, v27;
	v20 =	vsel vm1, v21, v18  }
0x178: {  	v18 =	vsel vm1, v18, v21;
	vm1 =	vgt.s32 v25, $0x0;
	v60 =	vadd.s32 v11, v58  }
0x179: {  	v22 =	vld.idx.msk [tilespmem:v28+s11+$0x0], $0xffff;
	v63 =	vadd.s32 v13, v58;
	v39 =	vnsel vm6, $0x0, v62;
	v38 =	vnsel vm8, $0x0, v61  }
0x17a: {  	vm6 =	vgt.s32 v24, $0x0;
	v44 =	vadd.s32 v15, v58;
	v35 =	vadd.s32 v9, v58  }
0x17b: {  	vm9 =	vlt.u32 v27, v14;
	vm10 =	vlt.u32 v27, v10;
	v21 =	vnsel vm1, $0x0, v25  }
0x17c: {  	v25 =	vand.u32 $0x7F, v23;
	v23 =	vshra.s32 v23, $0x7;
	v39 =	vmin.u32 v39, $0xFFF  }
0x17d: {  	v38 =	vmin.u32 v38, $0xFFF;
	v24 =	vnsel vm6, $0x0, v24;
	vm6 =	vgt.s32 v44, $0x0  }
0x17e: {  	vm3 =	vlt.u32 v25, v16;
	v26 =	vshra.s32 v22, $0x7;
	v28 =	vadd.s32 v9, v23  }
0x17f: {  	v31 =	vadd.s32 v11, v23;
	v55 =	vadd.s32 v15, v23;
	v23 =	vadd.s32 v13, v23  }
0x180: {  	v21 =	vmin.u32 v21, $0xFFF;
	v22 =	vand.u32 $0x7F, v22;
	v24 =	vmin.u32 v24, $0xFFF  }
0x181: {  	v41 =	vnsel vm6, $0x0, v44;
	vm1 =	vgt.s32 v55, $0x0;
	vm4 =	vgt.s32 v31, $0x0  }
0x182: {  	v56 =	vadd.s32 v7, v26;
	v57 =	vadd.s32 v3, v26;
	vm7 =	vgt.s32 v28, $0x0  }
0x183: {  	v59 =	vadd.s32 v5, v26;
	v32 =	vnsel vm1, $0x0, v55;
	v28 =	vnsel vm7, $0x0, v28  }
0x184: {  	v31 =	vnsel vm4, $0x0, v31;
	vm1 =	vgt.s32 v23, $0x0;
	v28 =	vmin.u32 v28, $0xFFF  }
0x185: {  	vm4 =	vgt.s32 v60, $0x0;
	v55 =	vld.idx.msk [tilespmem:v50+s11+$0x0], $0xffff;
	v32 =	vmin.u32 v32, $0xFFF;
	v23 =	vnsel vm1, $0x0, v23  }
0x186: {  	vm7 =	vgt.s32 v63, $0x0;
	v37 =	vnsel vm4, $0x0, v60;
	v23 =	vmin.u32 v23, $0xFFF;
	v38 =	vld.idx.msk [tilespmem:v38+s14+$0x0], $0xffff  }
0x187: {  	v40 =	vnsel vm7, $0x0, v63;
	vm7 =	vgt.s32 v35, $0x0;
	v37 =	vmin.u32 v37, $0xFFF;
	v21 =	vld.idx.msk [tilespmem:v21+s14+$0x0], $0xffff  }
0x188: {  	v46 =	vmin.u32 v41, $0xFFF;
	v35 =	vnsel vm7, $0x0, v35;
	v40 =	vmin.u32 v40, $0xFFF;
	v24 =	vld.idx.msk [tilespmem:v24+s14+$0x0], $0xffff  }
0x189: {  	vm11 =	vlt.u32 v22, v2;
	vm6 =	vgt.s32 v56, $0x0;
	v35 =	vmin.u32 v35, $0xFFF;
	v28 =	vld.idx.msk [tilespmem:v28+s15+$0x0], $0xffff  }
0x18a: {  	v31 =	vmin.u32 v31, $0xFFF;
	vm1 =	vlt.u32 v25, v10;
	vm4 =	vgt.s32 v57, $0x0;
	v32 =	vld.idx.msk [tilespmem:v32+s15+$0x0], $0xffff  }
0x18b: {  	v33 =	vnsel vm6, $0x0, v56;
	vm6 =	vlt.u32 v25, v14;
	vm7 =	vlt.u32 v17, v6;
	v23 =	vld.idx.msk [tilespmem:v23+s15+$0x0], $0xffff  }
0x18c: {  	v58 =	vshra.s32 v55, $0x7;
	v53 =	vld.idx.msk [tilespmem:v37+s15+$0x0], $0xffff;
	v45 =	vnsel vm5, $0xFFFFFFFF, v21;
	v21 =	vadd.s32 v1, v26  }
0x18d: {  	v54 =	vld.idx.msk [tilespmem:v40+s15+$0x0], $0xffff;
	v37 =	vadd.s32 v7, v58;
	v24 =	vnsel vm2, $0xFFFFFFFF, v24;
	vm5 =	vgt.s32 v21, $0x0  }
0x18e: {  	v49 =	vld.idx.msk [tilespmem:v35+s15+$0x0], $0xffff;
	v35 =	vand.u32 $0xFFFFFFFE, v51;
	vm2 =	vmmov vm0;
	v21 =	vnsel vm5, $0x0, v21  }
0x18f: {  	v26 =	vld.idx.msk [tilespmem:v39+s14+$0x0], $0xffff;
	v52 =	vbroadcast v35, $0x0;
	vm5 =	vlt.u32 v27, v12;
	v47 =	vmin.u32 v21, $0xFFF  }
0x190: {  	v31 =	vld.idx.msk [tilespmem:v31+s15+$0x0], $0xffff;
	v21 =	vnsel vm4, $0x0, v57;
	vm4 =	vlt.u32 v17, v4;
	v28 =	vnsel vm1, $0xFFFFFFFF, v28  }
0x191: {  	vm1 =	vlt.u32 v22, v6;
	v17 =	vnsel vm4, $0xFFFFFFFF, v38;
	v48 =	vmin.u32 v21, $0xFFF  }
0x192: {  	vm4 =	vlt.u32 v27, v16;
	v21 =	vnsel vm3, $0xFFFFFFFF, v32;
	vm8 =	vlt.s32 v45, v28  }
0x193: {  	v23 =	vnsel vm6, $0xFFFFFFFF, v23;
	v56 =	vnsel vm5, $0xFFFFFFFF, v53;
	v40 =	vnsel vm9, $0xFFFFFFFF, v54  }
0x194: {  	v26 =	vnsel vm7, $0xFFFFFFFF, v26;
	vm7 =	vlt.u32 v25, v12;
	v25 =	vmin.u32 v33, $0xFFF  }
0x195: {  	vm3 =	vlt.s32 v24, v21;
	v34 =	vnsel vm10, $0xFFFFFFFF, v49;
	v31 =	vnsel vm7, $0xFFFFFFFF, v31  }
0x196: {  	vm10 =	vlt.u32 v22, v4;
	vm0 =	vmmov vm3;
	vm7 =	vlt.s32 v17, v31;
	v42 =	vld.idx.msk [tilespmem:v52+s12+$0x0], $0xffff  }
0x197: {  	vm3 =	vgt.s32 v59, $0x0;
	vm6 =	vlt.s32 v26, v23;
	v17 =	vsel vm7, v17, v31;
	v31 =	vld.idx.msk [tilespmem:v47+s14+$0x0], $0xffff  }
0x198: {  	v26 =	vsel vm6, v26, v23;
	vm7 =	vlt.u32 v22, v8;
	v22 =	vsel vm8, v45, v28;
	v27 =	vld.idx.msk [tilespmem:v48+s14+$0x0], $0xffff  }
0x199: {  	v38 =	vadd.s32 v1, v58;
	v36 =	vnsel vm3, $0x0, v59;
	vm5 =	vgt.s32 v22, v26;
	v25 =	vld.idx.msk [tilespmem:v25+s14+$0x0], $0xffff  }
0x19a: {  	v23 =	vsel vm5, v26, v22;
	v22 =	vsel vm5, v22, v26;
	v26 =	vand.u32 $0x7F, v55  }
0x19b: {  	v39 =	vld.idx.msk [tilespmem:v46+s15+$0x0], $0xffff;
	v36 =	vmin.u32 v36, $0xFFF;
	v55 =	vadd.s32 v3, v58;
	vm6 =	vlt.u32 v26, v8  }
0x19c: {  	v28 =	vld.idx.msk [tilespmem:v50+s12+$0x0], $0xffff;
	v63 =	vshra.s32 v42, $0x7;
	v42 =	vand.u32 $0x7F, v42;
	v31 =	vnsel vm11, $0xFFFFFFFF, v31  }
0x19d: {  	v54 =	vadd.s32 v11, v63;
	vm3 =	vlt.s32 v31, v34;
	v27 =	vnsel vm10, $0xFFFFFFFF, v27  }
0x19e: {  	v57 =	vld.idx.msk [tilespmem:v52+s11+$0x0], $0xffff;
	vm10 =	vgt.s32 v55, $0x0;
	vm5 =	vlt.s32 v27, v56;
	v25 =	vnsel vm7, $0xFFFFFFFF, v25  }
0x19f: {  	v49 =	vsel vm3, v31, v34;
	vm3 =	vgt.s32 v54, $0x0;
	v34 =	vnsel vm10, $0x0, v55  }
0x1a0: {  	v41 =	vsel vm5, v27, v56;
	vm5 =	vgt.s32 v38, $0x0;
	v27 =	vnsel vm4, $0xFFFFFFFF, v39  }
0x1a1: {  	v39 =	vand.u32 $0x7F, v28;
	v28 =	vshra.s32 v28, $0x7;
	v56 =	vadd.s32 v5, v58  }
0x1a2: {  	v33 =	vnsel vm3, $0x0, v54;
	v51 =	vmin.u32 v34, $0xFFF;
	v59 =	vnsel vm5, $0x0, v38  }
0x1a3: {  	vm4 =	vlt.s32 v25, v27;
	vm5 =	vlt.u32 v39, v16;
	v38 =	vshra.s32 v57, $0x7  }
0x1a4: {  	v60 =	vadd.s32 v9, v28;
	v61 =	vadd.s32 v11, v28;
	v62 =	vadd.s32 v15, v28  }
0x1a5: {  	v28 =	vadd.s32 v13, v28;
	vm8 =	vlt.u32 v39, v10;
	v33 =	vmin.u32 v33, $0xFFF  }
0x1a6: {  	vm7 =	vgt.s32 v62, $0x0;
	v45 =	vsel vm4, v25, v27;
	vm4 =	vgt.s32 v61, $0x0  }
0x1a7: {  	v44 =	vadd.s32 v7, v38;
	v46 =	vadd.s32 v3, v38;
	v32 =	vmin.u32 v59, $0xFFF  }
0x1a8: {  	vm9 =	vgt.s32 v60, $0x0;
	v25 =	vnsel vm7, $0x0, v62;
	v27 =	vnsel vm4, $0x0, v61  }
0x1a9: {  	vm4 =	vgt.s32 v28, $0x0;
	vm7 =	vgt.s32 v56, $0x0;
	vm3 =	vgt.s32 v46, $0x0  }
0x1aa: {  	v59 =	vnsel vm9, $0x0, v60;
	v60 =	vadd.s32 v15, v63;
	vm10 =	vgt.s32 v41, v45  }
0x1ab: {  	v36 =	vld.idx.msk [tilespmem:v36+s14+$0x0], $0xffff;
	v25 =	vmin.u32 v25, $0xFFF;
	v47 =	vmin.u32 v27, $0xFFF;
	v27 =	vand.u32 $0x7F, v57  }
0x1ac: {  	v31 =	vnsel vm4, $0x0, v28;
	v28 =	vadd.s32 v5, v38;
	vm4 =	vlt.u32 v26, v2  }
0x1ad: {  	v57 =	vadd.s32 v13, v63;
	v48 =	vnsel vm7, $0x0, v56;
	vm7 =	vgt.s32 v37, $0x0  }
0x1ae: {  	v38 =	vadd.s32 v1, v38;
	v48 =	vmin.u32 v48, $0xFFF;
	v58 =	vnsel vm7, $0x0, v37  }
0x1af: {  	v37 =	vmin.u32 v59, $0xFFF;
	vm7 =	vgt.s32 v60, $0x0;
	v53 =	vmin.u32 v31, $0xFFF  }
0x1b0: {  	vm9 =	vgt.s32 v57, $0x0;
	v59 =	vnsel vm1, $0xFFFFFFFF, v36;
	vm1 =	vlt.u32 v39, v12  }
0x1b1: {  	v52 =	vmin.u32 v58, $0xFFF;
	v31 =	vnsel vm7, $0x0, v60;
	v61 =	vnsel vm9, $0x0, v57;
	v32 =	vld.idx.msk [tilespmem:v32+s14+$0x0], $0xffff  }
0x1b2: {  	v57 =	vld.idx.msk [tilespmem:v51+s14+$0x0], $0xffff;
	vm9 =	vlt.u32 v26, v6;
	v60 =	vnsel vm3, $0x0, v46;
	vm3 =	vlt.u32 v42, v16  }
0x1b3: {  	v46 =	vsel vm2, v30, v29;
	v34 =	vmin.u32 v31, $0xFFF;
	v31 =	vadd.s32 v9, v63;
	v47 =	vld.idx.msk [tilespmem:v47+s15+$0x0], $0xffff  }
0x1b4: {  	v43 =	vmin.u32 v60, $0xFFF;
	vm12 =	vgt.s32 v19, v46;
	vm7 =	vgt.s32 v31, $0x0;
	v62 =	vld.idx.msk [tilespmem:v48+s14+$0x0], $0xffff  }
0x1b5: {  	v29 =	vsel vm12, v19, v46;
	v31 =	vnsel vm7, $0x0, v31;
	vm7 =	vlt.u32 v39, v14;
	v25 =	vld.idx.msk [tilespmem:v25+s15+$0x0], $0xffff  }
0x1b6: {  	v58 =	vmin.u32 v31, $0xFFF;
	v31 =	vld.idx.msk [tilespmem:v37+s15+$0x0], $0xffff;
	v32 =	vnsel vm4, $0xFFFFFFFF, v32;
	vm4 =	vgt.s32 v38, $0x0  }
0x1b7: {  	v37 =	vsel vm10, v41, v45;
	v63 =	vnsel vm4, $0x0, v38;
	vm4 =	vgt.s32 v44, $0x0  }
0x1b8: {  	v38 =	vmin.u32 v61, $0xFFF;
	v44 =	vnsel vm4, $0x0, v44;
	v48 =	vmin.u32 v63, $0xFFF  }
0x1b9: {  	vm4 =	vlt.u32 v42, v12;
	v35 =	vnsel vm9, $0xFFFFFFFF, v62;
	vm9 =	vlt.u32 v26, v4  }
0x1ba: {  	v25 =	vnsel vm5, $0xFFFFFFFF, v25;
	v26 =	vld.idx.msk [tilespmem:v52+s14+$0x0], $0xffff;
	v62 =	vnsel vm1, $0xFFFFFFFF, v47;
	v61 =	vnsel vm9, $0xFFFFFFFF, v57  }
0x1bb: {  	vm5 =	vlt.u32 v27, v8;
	v39 =	vnsel vm8, $0xFFFFFFFF, v31;
	vm8 =	vlt.s32 v61, v62  }
0x1bc: {  	v36 =	vmin.u32 v44, $0xFFF;
	v31 =	vsel vm8, v61, v62;
	vm8 =	vlt.s32 v59, v40  }
0x1bd: {  	vm1 =	vlt.u32 v27, v6;
	vm9 =	vlt.s32 v32, v39;
	v63 =	vsel vm8, v59, v40  }
0x1be: {  	s29 =	simm.s32 $0x86;
	s31 =	simm.s32 $0x84;
	vm8 =	vlt.u32 v42, v14;
	v40 =	vsel vm10, v45, v41;
	v45 =	vld.idx.msk [tilespmem:v58+s15+$0x0], $0xffff;
	vm11 =	vgt.s32 v49, v63  }
0x1bf: {  	s25 =	simm.s32 $0x2040;
	s22 =	simm.s32 $0x20C0;
	s23 =	simm.s32 $0x6240;
	v48 =	vld.idx.msk [tilespmem:v48+s14+$0x0], $0xffff;
	v41 =	vmov s31;
	v26 =	vnsel vm6, $0xFFFFFFFF, v26;
	v44 =	vsel vm11, v63, v49  }
0x1c0: {  	s20 =	simm.s32 $0x6340;
	s24 =	simm.s32 $0x20C0;
	s21 =	simm.s32 $0x62C0;
	v47 =	vld.idx.msk [tilespmem:v53+s15+$0x0], $0xffff;
	v30 =	vsel vm11, v49, v63;
	vm6 =	vlt.s32 v26, v25;
	vm11 =	vgt.s32 v44, v40  }
.LBB2_14:
0x1c1: {  	s30 =	sadd.s32 $0x1, s29;
	v41 =	vand.u32 $0xFFFFFFFE, v41;
	vm10 =	vlt.u32 v42, v10  }
0x1c2: {  	s22 =	sadd.s32 $0x80, s22;
	vm13 =	vgt.s32 v30, v37;
	vm2 =	vmmov vm0;
	vm0 =	vmmov vm6;
	s28 =	smov.u32 s29;
	s26 =	sadd.s32 $0x2, s29  }
0x1c3: {  	p0 =	slt.u32 s29, $0xFE;
	vm6 =	vlt.u32 v27, v2;
	v42 =	vmov s30;
	v41 =	vbroadcast v41, $0x0  }
0x1c4: {  	v48 =	vnsel vm6, $0xFFFFFFFF, v48;
	vm6 =	vgt.s32 v28, $0x0;
	v45 =	vnsel vm10, $0xFFFFFFFF, v45;
	v43 =	vld.idx.msk [tilespmem:v43+s14+$0x0], $0xffff  }
0x1c5: {  	v49 =	vsel vm11, v40, v44;
	v46 =	vsel vm12, v46, v19;
	vm10 =	vlt.s32 v48, v45;
	v33 =	vld.idx.msk [tilespmem:v33+s15+$0x0], $0xffff  }
0x1c6: {  	v19 =	vmovc v17;
	v17 =	vmovc v31;
	v50 =	vsel vm13, v37, v30;
	v28 =	vnsel vm6, $0x0, v28;
	v47 =	vnsel vm7, $0xFFFFFFFF, v47;
	v38 =	vld.idx.msk [tilespmem:v38+s15+$0x0], $0xffff  }
0x1c7: {  	vm6 =	vgt.s32 v20, v46;
	v51 =	vmin.u32 v28, $0xFFF;
	v28 =	vsel vm11, v44, v40;
	(xrf1) =	vsort.ascd.msk.u32 $0xffff, v50, v50  }
0x1c8: {  	v37 =	vsel vm13, v30, v37;
	v30 =	vsel vm6, v46, v20;
	vm7 =	vlt.s32 v35, v47;
	v40 =	vld.idx.msk [tilespmem:v42+s11+$0x0], $0xffff  }
0x1c9: {  	vm11 =	vlt.u32 v27, v4;
	v31 =	vsel vm6, v20, v46;
	vm6 =	vgt.s32 v18, v29;
	v27 =	vld.idx.msk [tilespmem:v34+s15+$0x0], $0xffff  }
0x1ca: {  	v32 =	vsel vm9, v32, v39;
	v44 =	vsel vm6, v18, v29;
	v34 =	vsel vm7, v35, v47;
	v35 =	vld.idx.msk [tilespmem:v36+s14+$0x0], $0xffff  }
0x1cb: {  	v36 =	vnsel vm11, $0xFFFFFFFF, v43;
	v33 =	vnsel vm4, $0xFFFFFFFF, v33;
	v39 =	vld.idx.msk [tilespmem:v42+s12+$0x0], $0xffff;
	v42 =	vsel vm6, v29, v18;
	(xrf1) =	vsort.ascd.msk.u32 $0xffff, v44, v44  }
0x1cc: {  	v20 =	vmovc v23;
	vm4 =	vgt.s32 v32, v34;
	v29 =	vnsel vm8, $0xFFFFFFFF, v38;
	v43 =	vld.idx.msk [tilespmem:v41+s11+$0x0], $0xffff;
	(xrf1) =	vsort.ascd.msk.u32 $0xffff, v30, v30  }
0x1cd: {  	v23 =	vsel vm4, v34, v32;
	v18 =	vmovc v22;
	v22 =	vsel vm4, v32, v34;
	(xrf1) =	vsort.ascd.msk.u32 $0xffff, v31, v31  }
0x1ce: {  	vm4 =	vlt.s32 v36, v33;
	v31 =	vand.u32 $0x7F, v40;
	v32 =	vshra.s32 v40, $0x7;
	(xrf1) =	vsort.ascd.msk.u32 $0xffff, v42, v42  }
0x1cf: {  	v30 =	vsel vm4, v36, v33;
	v34 =	vadd.s32 v1, v32;
	vm6 =	vlt.u32 v31, v8  }
0x1d0: {  	v27 =	vnsel vm3, $0xFFFFFFFF, v27;
	vm4 =	vgt.s32 v34, $0x0;
	v33 =	vnsel vm5, $0xFFFFFFFF, v35;
	(xrf1) =	vsort.ascd.msk.u32 $0xffff, v49, v49  }
0x1d1: {  	v34 =	vnsel vm4, $0x0, v34;
	v36 =	vand.u32 $0x7F, v39;
	vm3 =	vlt.s32 v33, v27;
	v35 =	vld.idx.msk [tilespmem:v41+s12+$0x0], $0xffff;
	(xrf1) =	vsort.ascd.msk.u32 $0xffff, v37, v37  }
0x1d2: {  	v37 =	vshra.s32 v39, $0x7;
	vm5 =	vlt.u32 v36, v16;
	v38 =	vshra.s32 v43, $0x7;
	(xrf1) =	vsort.ascd.msk.u32 $0xffff, v28, v28  }
0x1d3: {  	v39 =	vadd.s32 v9, v37;
	v28 =	vadd.s32 v11, v37;
	v41 =	vadd.s32 v15, v37  }
0x1d4: {  	v40 =	vsel vm3, v33, v27;
	v37 =	vadd.s32 v13, v37;
	vm4 =	vgt.s32 v41, $0x0  }
0x1d5: {  	v42 =	vadd.s32 v7, v38;
	vm3 =	vgt.s32 v28, $0x0;
	v27 =	vnsel vm4, $0x0, v41;
	v33, _, _ =	vpop (xrf1)  }
0x1d6: {  	v46 =	vadd.s32 v3, v38;
	v28 =	vnsel vm3, $0x0, v28;
	v44 =	vmin.u32 v27, $0xFFF;
	[tilespmem:s23+$0xFFFFFFE0] =	vst v33  }
0x1d7: {  	v47 =	vmin.u32 v28, $0xFFF;
	v27 =	vand.u32 $0x7F, v43;
	v33 =	vmin.u32 v34, $0xFFF  }
0x1d8: {  	vm3 =	vgt.s32 v37, $0x0;
	v41 =	vsel vm10, v48, v45;
	v43 =	vshra.s32 v35, $0x7  }
0x1d9: {  	v28 =	vadd.s32 v5, v38;
	v34 =	vnsel vm3, $0x0, v37;
	v37 =	vadd.s32 v11, v43;
	v45, _, _ =	vpop (xrf1)  }
0x1da: {  	vm8 =	vlt.u32 v36, v10;
	vm3 =	vlt.u32 v31, v2;
	vm4 =	vgt.s32 v37, $0x0;
	v48, _, _ =	vpop (xrf1)  }
0x1db: {  	s29 =	sor.u32 $0x50, s25;
	v50 =	vadd.s32 v5, v32;
	v49 =	vadd.s32 v3, v32;
	v52 =	vadd.s32 v13, v43;
	[tilespmem:s23+$0x0] =	vst v48;
	v48, _, _ =	vpop (xrf1)  }
0x1dc: {  	vm7 =	vgt.s32 v50, $0x0;
	v32 =	vadd.s32 v7, v32;
	vm10 =	vgt.s32 v39, $0x0;
	v53 =	vld.idx.msk [tilespmem:v33+s14+$0x0], $0xffff;
	[tilespmem:s29+$0x4200] =	vst v48;
	s29 =	sor.u32 $0x60, s25;
	v33, _, _ =	vpop (xrf1)  }
0x1dd: {  	vm9 =	vgt.s32 v49, $0x0;
	v54 =	vnsel vm4, $0x0, v37;
	v48 =	vnsel vm7, $0x0, v50;
	v50 =	vld.idx.msk [tilespmem:v51+s14+$0x0], $0xffff;
	[tilespmem:s29+$0x4200] =	vst v33;
	s29 =	sor.u32 $0x70, s25;
	s25 =	smov.u32 s24;
	s24 =	smov.u32 s22  }
0x1de: {  	v49 =	vnsel vm9, $0x0, v49;
	v48 =	vmin.u32 v48, $0xFFF;
	v33 =	vmin.u32 v54, $0xFFF;
	[tilespmem:s29+$0x4200] =	vst v45;
	v37, _, _ =	vpop (xrf1)  }
0x1df: {  	vm9 =	vgt.s32 v46, $0x0;
	vm4 =	vgt.s32 v32, $0x0;
	v45 =	vmin.u32 v49, $0xFFF;
	[tilespmem:s23+$0xFFFFFFC0] =	vst v37;
	v37, _, _ =	vpop (xrf1)  }
0x1e0: {  	v39 =	vnsel vm10, $0x0, v39;
	v32 =	vnsel vm4, $0x0, v32;
	v49 =	vadd.s32 v15, v43;
	[tilespmem:s23+$0xFFFFFFF0] =	vst v37;
	v37, _, _ =	vpop (xrf1)  }
0x1e1: {  	v39 =	vmin.u32 v39, $0xFFF;
	v51 =	vmin.u32 v32, $0xFFF;
	vm4 =	vgt.s32 v49, $0x0;
	[tilespmem:s23+$0xFFFFFFD0] =	vst v37;
	s23 =	smov.u32 s21;
	s21 =	smov.u32 s20  }
0x1e2: {  	vm7 =	vgt.s32 v52, $0x0;
	v54 =	vmin.u32 v34, $0xFFF;
	v34 =	vnsel vm4, $0x0, v49  }
0x1e3: {  	v32 =	vnsel vm3, $0xFFFFFFFF, v53;
	v37 =	vadd.s32 v1, v38;
	v34 =	vmin.u32 v34, $0xFFF;
	v48 =	vld.idx.msk [tilespmem:v48+s14+$0x0], $0xffff  }
0x1e4: {  	v38 =	vadd.s32 v9, v43;
	v43 =	vnsel vm7, $0x0, v52;
	vm3 =	vgt.s32 v37, $0x0;
	v45 =	vld.idx.msk [tilespmem:v45+s14+$0x0], $0xffff  }
0x1e5: {  	vm4 =	vgt.s32 v38, $0x0;
	v37 =	vnsel vm3, $0x0, v37;
	vm3 =	vgt.s32 v42, $0x0  }
0x1e6: {  	v49 =	vnsel vm3, $0x0, v42;
	v42 =	vand.u32 $0x7F, v35;
	v35 =	vnsel vm4, $0x0, v38;
	v47 =	vld.idx.msk [tilespmem:v47+s15+$0x0], $0xffff  }
0x1e7: {  	vm7 =	vlt.u32 v36, v14;
	vm3 =	vlt.u32 v31, v6;
	v52 =	vmin.u32 v35, $0xFFF;
	v39 =	vld.idx.msk [tilespmem:v39+s15+$0x0], $0xffff  }
0x1e8: {  	vm10 =	vgt.s32 v30, v40;
	v50 =	vnsel vm1, $0xFFFFFFFF, v50;
	v38 =	vmin.u32 v43, $0xFFF;
	v44 =	vld.idx.msk [tilespmem:v44+s15+$0x0], $0xffff  }
0x1e9: {  	v53 =	vmin.u32 v37, $0xFFF;
	v37 =	vsel vm10, v30, v40;
	vm4 =	vlt.u32 v42, v12;
	v51 =	vld.idx.msk [tilespmem:v51+s14+$0x0], $0xffff  }
0x1ea: {  	vm1 =	vlt.u32 v36, v12;
	v43 =	vnsel vm9, $0x0, v46;
	v35 =	vnsel vm3, $0xFFFFFFFF, v48  }
0x1eb: {  	vm9 =	vlt.u32 v31, v4;
	v36 =	vmin.u32 v49, $0xFFF;
	vm3 =	vlt.u32 v42, v16  }
0x1ec: {  	v43 =	vmin.u32 v43, $0xFFF;
	v31 =	vnsel vm9, $0xFFFFFFFF, v45;
	v45 =	vnsel vm1, $0xFFFFFFFF, v47  }
0x1ed: {  	vm1 =	vlt.u32 v27, v6;
	v39 =	vnsel vm8, $0xFFFFFFFF, v39;
	vm8 =	vlt.s32 v31, v45  }
0x1ee: {  	v47 =	vnsel vm5, $0xFFFFFFFF, v44;
	v31 =	vsel vm8, v31, v45;
	vm8 =	vlt.s32 v50, v29  }
.Ltmp6:
0x1ef: {  	vm9 =	vlt.s32 v32, v39;
	vm5 =	vlt.u32 v27, v8;
	v29 =	vsel vm8, v50, v29;
	v45 =	vld.idx.msk [tilespmem:v52+s15+$0x0], $0xffff;
	(pc) =	sbr.rel @p0 .LBB2_14-.Ltmp6, $4  }
0x1f0: {  	v40 =	vsel vm10, v40, v30;
	vm8 =	vlt.u32 v42, v14;
	vm11 =	vgt.s32 v41, v29;
	v48 =	vld.idx.msk [tilespmem:v53+s14+$0x0], $0xffff  }
0x1f1: {  	v46 =	vsel vm2, v24, v21;
	v21 =	vmovc v25;
	v49 =	vnsel vm6, $0xFFFFFFFF, v51;
	v25 =	vmovc v47;
	v44 =	vsel vm11, v29, v41  }
0x1f2: {  	vm12 =	vgt.s32 v19, v46;
	v30 =	vsel vm11, v41, v29;
	vm11 =	vgt.s32 v44, v40;
	v47 =	vld.idx.msk [tilespmem:v54+s15+$0x0], $0xffff  }
0x1f3: {  	s29 =	smov.u32 s26;
	s20 =	sadd.s32 $0x80, s20;
	v24 =	vmovc v26;
	vm6 =	vlt.s32 v49, v25;
	v26 =	vmovc v49;
	v41 =	vmov s28;
	v29 =	vsel vm12, v19, v46  }
0x1f4: {  	_ =	sdelay $0x1  }
0x1f5: {  	v41 =	vand.u32 $0xFFFFFFFE, v41;
	vm2 =	vlt.u32 v42, v10  }
0x1f6: {  	vm10 =	vgt.s32 v30, v37;
	vm13 =	vlt.u32 v27, v2;
	vm0 =	vmmov vm0  }
0x1f7: {  	v43 =	vld.idx.msk [tilespmem:v43+s14+$0x0], $0xffff;
	v19 =	vsel vm12, v46, v19;
	vm14 =	vlt.u32 v27, v4;
	vm15 =	vgt.s32 v18, v29  }
0x1f8: {  	v33 =	vld.idx.msk [tilespmem:v33+s15+$0x0], $0xffff;
	v32 =	vsel vm9, v32, v39;
	v41 =	vbroadcast v41, $0x0;
	v61 =	vnsel vm13, $0xFFFFFFFF, v48  }
0x1f9: {  	v34 =	vld.idx.msk [tilespmem:v34+s15+$0x0], $0xffff;
	v45 =	vnsel vm2, $0xFFFFFFFF, v45;
	vm13 =	vgt.s32 v28, $0x0;
	v48 =	vsel vm11, v40, v44  }
0x1fa: {  	v51 =	vld.idx.msk [tilespmem:v36+s14+$0x0], $0xffff;
	v63 =	vsel vm10, v37, v30;
	v40 =	vsel vm11, v44, v40;
	vm12 =	vgt.s32 v20, v19  }
0x1fb: {  	v30 =	vsel vm10, v30, v37;
	v53 =	vsel vm15, v18, v29;
	v54 =	vsel vm15, v29, v18  }
0x1fc: {  	v21 =	vsel vm0, v24, v21;
	vm2 =	vlt.s32 v61, v45;
	v28 =	vnsel vm13, $0x0, v28  }
0x1fd: {  	v38 =	vld.idx.msk [tilespmem:v38+s15+$0x0], $0xffff;
	v37 =	vsel vm12, v19, v20;
	v20 =	vsel vm12, v20, v19;
	v62 =	vnsel vm7, $0xFFFFFFFF, v47  }
0x1fe: {  	v28 =	vmin.u32 v28, $0xFFF;
	vm13 =	vlt.s32 v35, v62;
	v43 =	vnsel vm14, $0xFFFFFFFF, v43  }
0x1ff: {  	v33 =	vnsel vm4, $0xFFFFFFFF, v33;
	v27 =	vnsel vm5, $0xFFFFFFFF, v51;
	v55 =	vnsel vm3, $0xFFFFFFFF, v34;
	v52 =	vld.idx.msk [tilespmem:v41+s11+$0x0], $0xffff  }
0x200: {  	v35 =	vsel vm13, v35, v62;
	vm13 =	vlt.s32 v43, v33;
	vm3 =	vlt.s32 v27, v55;
	v41 =	vld.idx.msk [tilespmem:v41+s12+$0x0], $0xffff  }
0x201: {  	v42 =	vsel vm2, v61, v45;
	v33 =	vsel vm13, v43, v33;
	v27 =	vsel vm3, v27, v55  }
0x202: {  	v38 =	vnsel vm8, $0xFFFFFFFF, v38;
	vm12 =	vgt.s32 v32, v35;
	vm13 =	vgt.s32 v33, v27  }
0x203: {  	v19 =	vsel vm12, v35, v32;
	v18 =	vsel vm12, v32, v35;
	v28 =	vld.idx.msk [tilespmem:v28+s14+$0x0], $0xffff;
	v47 =	vsel vm13, v33, v27  }
0x204: {  	v27 =	vsel vm13, v27, v33;
	vm13 =	vgt.s32 v17, v21;
	v56 =	vshra.s32 v52, $0x7  }
0x205: {  	(xrf1) =	vsort.ascd.msk.u32 $0xffff, v63, v63;
	v58 =	vshra.s32 v41, $0x7;
	v36 =	vand.u32 $0x7F, v52;
	v63 =	vand.u32 $0x7F, v41  }
0x206: {  	v57 =	vadd.s32 v7, v56;
	v59 =	vadd.s32 v3, v56;
	v60 =	vadd.s32 v11, v58  }
0x207: {  	v61 =	vadd.s32 v5, v56;
	v62 =	vadd.s32 v13, v58;
	v49 =	vadd.s32 v15, v58  }
0x208: {  	v35 =	vadd.s32 v9, v58;
	v34 =	vadd.s32 v1, v56;
	v28 =	vnsel vm1, $0xFFFFFFFF, v28  }
0x209: {  	vm3 =	vlt.u32 v63, v12;
	vm2 =	vlt.u32 v63, v16;
	vm1 =	vlt.u32 v36, v6  }
0x20a: {  	vm4 =	vlt.u32 v36, v8;
	vm5 =	vlt.u32 v63, v14;
	vm14 =	vgt.s32 v60, $0x0  }
0x20b: {  	vm15 =	vgt.s32 v59, $0x0;
	vm8 =	vgt.s32 v49, $0x0;
	vm10 =	vgt.s32 v35, $0x0  }
0x20c: {  	(xrf1) =	vsort.ascd.msk.u32 $0xffff, v53, v53;
	vm9 =	vgt.s32 v62, $0x0;
	vm11 =	vgt.s32 v34, $0x0;
	v35 =	vnsel vm10, $0x0, v35  }
0x20d: {  	(xrf1) =	vsort.ascd.msk.u32 $0xffff, v37, v37;
	vm12 =	vgt.s32 v57, $0x0;
	v34 =	vnsel vm11, $0x0, v34;
	v35 =	vmin.u32 v35, $0xFFF  }
0x20e: {  	(xrf1) =	vsort.ascd.msk.u32 $0xffff, v20, v20;
	v44 =	vnsel vm14, $0x0, v60;
	v50 =	vnsel vm15, $0x0, v59;
	v34 =	vmin.u32 v34, $0xFFF  }
0x20f: {  	(xrf1) =	vsort.ascd.msk.u32 $0xffff, v54, v54;
	v49 =	vnsel vm8, $0x0, v49;
	v46 =	vnsel vm9, $0x0, v62;
	v52 =	vmin.u32 v50, $0xFFF  }
0x210: {  	(xrf1) =	vsort.ascd.msk.u32 $0xffff, v48, v48;
	v32 =	vnsel vm12, $0x0, v57;
	vm14 =	vlt.s32 v28, v38;
	v44 =	vmin.u32 v44, $0xFFF  }
0x211: {  	(xrf1) =	vsort.ascd.msk.u32 $0xffff, v30, v30;
	vm12 =	vgt.s32 v61, $0x0;
	v57 =	vsel vm13, v17, v21;
	v46 =	vmin.u32 v46, $0xFFF  }
0x212: {  	v17 =	vsel vm13, v21, v17;
	v51 =	vmin.u32 v32, $0xFFF;
	v28 =	vsel vm14, v28, v38;
	v35 =	vld.idx.msk [tilespmem:v35+s15+$0x0], $0xffff  }
0x213: {  	(xrf1) =	vsort.ascd.msk.u32 $0xffff, v40, v40;
	v49 =	vmin.u32 v49, $0xFFF;
	v55 =	vnsel vm12, $0x0, v61;
	vm15 =	vgt.s32 v42, v28;
	v34 =	vld.idx.msk [tilespmem:v34+s14+$0x0], $0xffff  }
0x214: {  	v53 =	vsel vm15, v28, v42;
	v54 =	vsel vm15, v42, v28;
	v28 =	vmin.u32 v55, $0xFFF;
	v56 =	vld.idx.msk [tilespmem:v52+s14+$0x0], $0xffff  }
0x215: {  	vm14 =	vlt.u32 v63, v10;
	vm13 =	vgt.s32 v22, v57;
	vm12 =	vgt.s32 v54, v47;
	v58 =	vld.idx.msk [tilespmem:v44+s15+$0x0], $0xffff  }
0x216: {  	vm8 =	vgt.s32 v23, v17;
	v62 =	vsel vm13, v22, v57;
	v61 =	vsel vm12, v47, v54;
	v37 =	vld.idx.msk [tilespmem:v46+s15+$0x0], $0xffff  }
0x217: {  	v63 =	vsel vm8, v17, v23;
	v17 =	vsel vm8, v23, v17;
	v29 =	vld.idx.msk [tilespmem:v51+s14+$0x0], $0xffff;
	(xrf1) =	vsort.ascd.msk.u32 $0xffff, v61, v61  }
0x218: {  	vm15 =	vlt.u32 v36, v2;
	vm7 =	vgt.s32 v53, v27;
	v60 =	vld.idx.msk [tilespmem:v49+s15+$0x0], $0xffff;
	(xrf1) =	vsort.ascd.msk.u32 $0xffff, v62, v62  }
0x219: {  	v59 =	vsel vm7, v27, v53;
	v27 =	vsel vm7, v53, v27;
	v28 =	vld.idx.msk [tilespmem:v28+s14+$0x0], $0xffff;
	(xrf1) =	vsort.ascd.msk.u32 $0xffff, v63, v63  }
0x21a: {  	v44 =	vsel vm13, v57, v22;
	(xrf1) =	vsort.ascd.msk.u32 $0xffff, v17, v17;
	v17 =	vsel vm12, v54, v47;
	v34 =	vnsel vm15, $0xFFFFFFFF, v34  }
0x21b: {  	v35 =	vnsel vm14, $0xFFFFFFFF, v35;
	vm14 =	vlt.u32 v36, v4;
	v43 =	vnsel vm3, $0xFFFFFFFF, v58  }
0x21c: {  	(xrf1) =	vsort.ascd.msk.u32 $0xffff, v44, v44;
	vm15 =	vmmov vm6;
	v45 =	vnsel vm5, $0xFFFFFFFF, v37;
	v47 =	vnsel vm4, $0xFFFFFFFF, v29  }
0x21d: {  	v21 =	vnsel vm2, $0xFFFFFFFF, v60;
	(xrf1) =	vsort.ascd.msk.u32 $0xffff, v59, v59;
	vm0 =	vlt.s32 v34, v35;
	v42 =	vnsel vm14, $0xFFFFFFFF, v56  }
0x21e: {  	vm10 =	vmmov vm15;
	vm2 =	vlt.s32 v47, v21;
	(xrf1) =	vsort.ascd.msk.u32 $0xffff, v17, v17;
	v48 =	vnsel vm1, $0xFFFFFFFF, v28  }
0x21f: {  	vm9 =	vlt.s32 v42, v43;
	v17 =	vsel vm2, v47, v21;
	vm11 =	vlt.s32 v48, v45  }
0x220: {  	v49 =	vsel vm0, v34, v35;
	v46 =	vsel vm9, v42, v43;
	v20 =	vsel vm11, v48, v45  }
0x221: {  	v50 =	vsel vm10, v26, v25;
	vm2 =	vgt.s32 v46, v17;
	vm3 =	vgt.s32 v49, v20  }
0x222: {  	vm1 =	vgt.s32 v31, v50;
	v51 =	vsel vm2, v46, v17;
	v52 =	vsel vm3, v49, v20  }
0x223: {  	v53, _, _ =	vpop (xrf1);
	(xrf1) =	vsort.ascd.msk.u32 $0xffff, v27, v27;
	v54 =	vsel vm1, v31, v50;
	vm12 =	vgt.s32 v52, v51  }
0x224: {  	v55, _, _ =	vpop (xrf1);
	v23 =	vsel vm1, v50, v31;
	vm13 =	vgt.s32 v18, v54;
	v56 =	vsel vm12, v51, v52  }
0x225: {  	[tilespmem:s23+$0xFFFFFFE0] =	vst v53;
	v57, _, _ =	vpop (xrf1);
	vm14 =	vgt.s32 v19, v23;
	v58 =	vsel vm13, v18, v54;
	(xrf1) =	vsort.ascd.msk.u32 $0xffff, v56, v56  }
0x226: {  	s26 =	sor.u32 $0x50, s25;
	[tilespmem:s23+$0x0] =	vst v57;
	v59, _, _ =	vpop (xrf1);
	v60 =	vsel vm14, v23, v19;
	v19 =	vsel vm14, v19, v23;
	(xrf1) =	vsort.ascd.msk.u32 $0xffff, v58, v58  }
0x227: {  	s30 =	sor.u32 $0x60, s25;
	[tilespmem:s26+$0x4200] =	vst v59;
	v61, _, _ =	vpop (xrf1);
	v18 =	vsel vm13, v54, v18;
	(xrf1) =	vsort.ascd.msk.u32 $0xffff, v60, v60  }
0x228: {  	s31 =	sor.u32 $0x70, s25;
	[tilespmem:s30+$0x4200] =	vst v61;
	v62, _, _ =	vpop (xrf1);
	v17 =	vsel vm2, v17, v46;
	v20 =	vsel vm3, v20, v49;
	(xrf1) =	vsort.ascd.msk.u32 $0xffff, v19, v19  }
0x229: {  	[tilespmem:s31+$0x4200] =	vst v55;
	vm15 =	vgt.s32 v20, v17;
	v19, _, _ =	vpop (xrf1);
	(xrf1) =	vsort.ascd.msk.u32 $0xffff, v18, v18  }
0x22a: {  	[tilespmem:s23+$0xFFFFFFC0] =	vst v62;
	v21 =	vsel vm15, v17, v20;
	v18, _, _ =	vpop (xrf1)  }
0x22b: {  	v63 =	vsel vm12, v52, v51;
	v17 =	vsel vm15, v20, v17;
	[tilespmem:s23+$0xFFFFFFF0] =	vst v19;
	v19, _, _ =	vpop (xrf1);
	(xrf1) =	vsort.ascd.msk.u32 $0xffff, v21, v21  }
0x22c: {  	[tilespmem:s23+$0xFFFFFFD0] =	vst v18;
	v18, _, _ =	vpop (xrf1);
	(xrf1) =	vsort.ascd.msk.u32 $0xffff, v63, v63  }
0x22d: {  	[tilespmem:s21+$0xFFFFFFE0] =	vst v19;
	v19, _, _ =	vpop (xrf1);
	(xrf1) =	vsort.ascd.msk.u32 $0xffff, v17, v17  }
0x22e: {  	s26 =	sor.u32 $0x50, s24;
	v17, _, _ =	vpop (xrf1);
	[tilespmem:s21+$0x0] =	vst v19  }
0x22f: {  	s28 =	sor.u32 $0x60, s24;
	v19, _, _ =	vpop (xrf1);
	[tilespmem:s26+$0x4200] =	vst v17  }
0x230: {  	s29 =	sor.u32 $0x70, s24;
	v17, _, _ =	vpop (xrf1);
	[tilespmem:s28+$0x4200] =	vst v19  }
0x231: {  	v19, _, _ =	vpop (xrf1);
	[tilespmem:s29+$0x4200] =	vst v18  }
0x232: {  	[tilespmem:s21+$0xFFFFFFC0] =	vst v17;
	v18, _, _ =	vpop (xrf1)  }
0x233: {  	[tilespmem:s21+$0xFFFFFFF0] =	vst v19;
	v17, _, _ =	vpop (xrf1)  }
0x234: {  	[tilespmem:s21+$0xFFFFFFD0] =	vst v18;
	v18, _, _ =	vpop (xrf1)  }
0x235: {  	s30 =	sadd.s32 $0x80, s22;
	[tilespmem:s20+$0xFFFFFFE0] =	vst v17;
	v17, _, _ =	vpop (xrf1)  }
0x236: {  	s22 =	sor.u32 $0x50, s30;
	[tilespmem:s20+$0x0] =	vst v17;
	v17, _, _ =	vpop (xrf1)  }
0x237: {  	s31 =	sor.u32 $0x60, s30;
	[tilespmem:s22+$0x4200] =	vst v17;
	v17, _, _ =	vpop (xrf1)  }
0x238: {  	s21 =	sor.u32 $0x70, s30;
	[tilespmem:s31+$0x4200] =	vst v17  }
0x239: {  	v17, _, _ =	vpop (xrf1);
	[tilespmem:s21+$0x4200] =	vst v18  }
0x23a: {  	[tilespmem:s20+$0xFFFFFFC0] =	vst v17;
	v17, _, _ =	vpop (xrf1)  }
0x23b: {  	[tilespmem:s20+$0xFFFFFFF0] =	vst v17;
	v17, _, _ =	vpop (xrf1)  }
0x23c: {  	s19 =	sadd.s32 $0x1, s19;
	[tilespmem:s20+$0xFFFFFFD0] =	vst v17  }
0x23d: {  	[hbm4b:s8+s2] =	stream.linear.scatter [tilespmem:s17], [sflag:$0x2], $0x2000, $0x38;
	[tilespmem:$0x8200] =	vst v63  }
0x23e: {  	p0 =	sne.s32 s19, s9;
	_ =	swait.ge [sflag:s18], $0x2000  }
.Ltmp7:
0x23f: {  	[sflag:s18] =	ssyncset.done $0x0;
	(pc) =	sbr.rel @p0 .LBB2_1-.Ltmp7, $4  }
.Ltmp8:
0x240: {  	[sflag:s18] =	ssyncadd.s32 $0xFFFFE000;
	(pc) =	sbr.rel @!p0 .LBB2_16-.Ltmp8, $4  }
0x241: {  	_ =	swait.ge [sflag:s13], $0x2000  }
0x242: {  	[sflag:s13] =	ssyncset.done $0x0  }
0x243: {  	[sflag:s13] =	ssyncadd.s32 $0xFFFFE000  }
0x244: {  	_ = 	snop  }
.LBB2_6:
.Ltmp9:
0x245: {  	(pc) =	sbr.rel .LBB2_13-.Ltmp9, $2  }
0x246: {  	_ =	sdelay $0x2  }
0x247: {  	s23 =	simm.s32 $0x40  }
.LBB2_8:
.Ltmp10:
0x248: {  	(pc) =	sbr.rel .LBB2_13-.Ltmp10, $3  }
0x249: {  	_ =	sdelay $0x1  }
0x24a: {  	s23 =	simm.s32 $0x40;
	v48 =	vmov v17  }
0x24b: {  	v28 =	vmovc v22;
	v29 =	vmovc v21;
	v17 =	vmov v25;
	s24 =	simm.s32 $0x40;
	s22 =	simm.s32 $0x4220;
	s21 =	simm.s32 $0x42A0;
	v21 =	vmov v23;
	v22 =	vmov v24  }
.LBB2_10:
.Ltmp11:
0x24c: {  	(pc) =	sbr.rel .LBB2_13-.Ltmp11, $4  }
0x24d: {  	_ = 	snop  }
0x24e: {  	v54 =	vmov v17  }
0x24f: {  	v53 =	vmovc v19;
	v52 =	vmovc v18;
	s28 =	simm.s32 $0x4220;
	v48 =	vmov v25;
	v17 =	vmov v51;
	v19 =	vmov v29  }
0x250: {  	v18 =	vmovc v28;
	s25 =	simm.s32 $0x40;
	s24 =	simm.s32 $0xC0;
	s21 =	simm.s32 $0x4320;
	v28 =	vmovc v24;
	v29 =	vmov v23;
	v21 =	vmov v33;
	v22 =	vmov v34  }
.LBB2_16:
0x251: {  	_ =	sfence.sel $0x180000  }
0x252: {  	[bflag:$0x0] =	sbarrier.arrive $0xFFFF  }
0x253: {  	p0 =	sne.s32 s1, $0x0;
	_ =	strace $0x90000047  }
0x254: {  	s0 =	sadd.s32 @!p0 $0x100000, s0;
	[bflag:$0x2] =	sbarrier.arrive $0xFFFF  }
0x255: {  	[sflag:s0] =	ssyncadd.tile.s32 @!p0 $0x1;
	_ =	shalt  }
.Lfunc_end2:
_tile_overlayer_lowered:
.L_overlay_start_2:
0x256: {  	(tag) =	ssettag $0x2  }
0x257: {  	s0 =	rddreg [dreg:$0x0];
	s2 =	stileid.u32  }
0x258: {  	s1 =	rddreg [dreg:$0x1];
	p0 =	sne.s32 s2, $0x0  }
0x259: {  	s3 =	rddreg [dreg:$0x2];
	[bflag:$0x3] =	sbarrier.arrive $0xFFFF;
	s2 =	simm.s32 @!p0 $0x1C02  }
0x25a: {  	[timem:s3], [sflag:s2] =	dma.local @!p0 [hbm:s0], s1  }
0x25b: {  	s0 =	simm.s32 @!p0 $0x2  }
0x25c: {  	_ =	swait.ge @!p0 [sflag:s0], s1  }
0x25d: {  	s1 =	ssub.s32 @!p0 $0x0, s1;
	[sflag:s0] =	ssyncset.done @!p0 $0x0  }
0x25e: {  	[sflag:s0] =	ssyncadd.s32 @!p0 s1  }
0x25f: {  	[bflag:$0x3] =	sbarrier.arrive $0xFFFF  }
0x260: {  	_ =	shalt  }

</sc_bundles>
